<compile_context>
chip_gen: v7x
topology: tpu7x:2x2x1
jax: 0.10.2.dev20260603
libtpu: 0.0.44.dev20260713+nightly
codegen_flags: <defaults>
</compile_context>

<pallas_src>
import jax
import jax.numpy as jnp
from jax import lax
from jax.experimental import pallas as pl
from jax.experimental.pallas import tpu as pltpu
from jax.experimental.pallas import tpu_sc as plsc

N_ENT = 10000
N_REL = 10000
IN_DIM = 256
OUT_DIM = 256
N_EDGES = 160000

NPAD = 10240
NC, NS, L = 2, 16, 16
CH = 32
EPT = 10240
EP = EPT * NS
DH = 128
BLK = 512
EBR = NPAD // DH
NQ = 10016
ACCR = 10016


def _mm_body(ent_ref, rel_ref, w1_ref, w2_ref, w3_ref, ab_ref, a2_ref,
             qb_ref, p1_ref, p2_ref, p3_ref, q1_ref, q2_ref, q3_ref):
    ent = ent_ref[...]
    rel = rel_ref[...]
    dn = (((1,), (1,)), ((), ()))
    p1 = lax.dot_general(ent, w1_ref[...], dn,
                         preferred_element_type=jnp.float32) + ab_ref[...]
    p2 = lax.dot_general(rel, w2_ref[...], dn,
                         preferred_element_type=jnp.float32)
    p3 = lax.dot_general(ent, w3_ref[...], dn,
                         preferred_element_type=jnp.float32)
    p1_ref[...] = p1
    p2_ref[...] = p2
    p3_ref[...] = p3
    a2 = a2_ref[...]
    q1 = jnp.sum(p1 * a2, axis=1, keepdims=True) + qb_ref[...]
    q2 = jnp.sum(p2 * a2, axis=1, keepdims=True)
    q3 = jnp.sum(p3 * a2, axis=1, keepdims=True)
    q1_ref[...] = jnp.broadcast_to(q1, (BLK, L))
    q2_ref[...] = jnp.broadcast_to(q2, (BLK, L))
    q3_ref[...] = jnp.broadcast_to(q3, (BLK, L))


def _node_matmuls(ent_p, rel_p, w1, w2, w3, ab2d, a2row, qb2d):
    nblk = NPAD // BLK
    return pl.pallas_call(
        _mm_body,
        grid=(nblk,),
        in_specs=[
            pl.BlockSpec((BLK, IN_DIM), lambda i: (i, 0)),
            pl.BlockSpec((BLK, IN_DIM), lambda i: (i, 0)),
            pl.BlockSpec((OUT_DIM, IN_DIM), lambda i: (0, 0)),
            pl.BlockSpec((OUT_DIM, IN_DIM), lambda i: (0, 0)),
            pl.BlockSpec((OUT_DIM, IN_DIM), lambda i: (0, 0)),
            pl.BlockSpec((1, OUT_DIM), lambda i: (0, 0)),
            pl.BlockSpec((1, OUT_DIM), lambda i: (0, 0)),
            pl.BlockSpec((1, 1), lambda i: (0, 0)),
        ],
        out_specs=[
            pl.BlockSpec((BLK, OUT_DIM), lambda i: (i, 0)),
            pl.BlockSpec((BLK, OUT_DIM), lambda i: (i, 0)),
            pl.BlockSpec((BLK, OUT_DIM), lambda i: (i, 0)),
            pl.BlockSpec((BLK, L), lambda i: (i, 0)),
            pl.BlockSpec((BLK, L), lambda i: (i, 0)),
            pl.BlockSpec((BLK, L), lambda i: (i, 0)),
        ],
        out_shape=[
            jax.ShapeDtypeStruct((NPAD, OUT_DIM), jnp.float32),
            jax.ShapeDtypeStruct((NPAD, OUT_DIM), jnp.float32),
            jax.ShapeDtypeStruct((NPAD, OUT_DIM), jnp.float32),
            jax.ShapeDtypeStruct((NPAD, L), jnp.float32),
            jax.ShapeDtypeStruct((NPAD, L), jnp.float32),
            jax.ShapeDtypeStruct((NPAD, L), jnp.float32),
        ],
    )(ent_p, rel_p, w1, w2, w3, ab2d, a2row, qb2d)


def _sc_body(idx3_hbm, q1_hbm, q2_hbm, q3_hbm, ptab_hbm, out_hbm, eb_hbm,
             q1v, q2v, q3v, icat, hbA, hbB, eiA, eiB, wbufA, wbufB,
             gidxA, gidxB, rowsA, rowsB, acc, acc_eb,
             semgA, semgB, semaA, semaB, sembA, sembB):
    c = lax.axis_index("c")
    s = lax.axis_index("s")
    iota = lax.iota(jnp.int32, L)
    zeros_i = jnp.zeros((L,), jnp.int32)
    zeros_f = jnp.zeros((L,), jnp.float32)
    p3base = 2 * NPAD

    pltpu.sync_copy(q1_hbm, q1v)
    pltpu.sync_copy(q2_hbm, q2v)
    pltpu.sync_copy(q3_hbm, q3v)

    def _zero_row(e, _):
        for j in range(DH // L):
            rowsA[e, pl.ds(j * L, L)] = zeros_f
            rowsB[e, pl.ds(j * L, L)] = zeros_f
        return 0
    lax.fori_loop(0, 2 * CH, _zero_row, 0)

    def _zero_acc(k, _):
        @pl.when(lax.rem(k, NS) == s)
        def _():
            pltpu.sync_copy(rowsA, acc.at[pl.ds(k * 2 * CH, 2 * CH)])
        return 0
    lax.fori_loop(0, ACCR // (2 * CH), _zero_acc, 0)

    @pl.when(s == 1)
    def _():
        rem = ACCR - (ACCR // (2 * CH)) * 2 * CH
        pltpu.sync_copy(rowsA.at[pl.ds(0, rem)],
                        acc.at[pl.ds(ACCR - rem, rem)])

    @pl.when(s == 0)
    def _():
        pltpu.sync_copy(rowsA, acc_eb.at[pl.ds(0, 2 * CH)])
        pltpu.sync_copy(rowsA.at[pl.ds(0, EBR - 2 * CH)],
                        acc_eb.at[pl.ds(2 * CH, EBR - 2 * CH)])
    for g in range(CH // L):
        sl = pl.ds(g * L, L)
        hbB[sl] = zeros_i
        eiB[sl] = zeros_i
    plsc.subcore_barrier()

    def _stage1(k, off, wbuf, gidx):
        if off == 0:
            pltpu.sync_copy(idx3_hbm.at[s].at[k // 2], icat)
        for g in range(CH // L):
            sl = pl.ds(off + g * L, L)
            hv = icat[0, sl]
            rv = icat[1, sl]
            tv = icat[2, sl]
            sc = (plsc.load_gather(q1v, [hv]) +
                  plsc.load_gather(q2v, [rv]) +
                  plsc.load_gather(q3v, [tv]))
            w = jnp.exp(jnp.maximum(sc, 0.01 * sc))
            wbuf[pl.ds(g * L, L)] = w
            gidx[pl.ds(g * L, L)] = rv * 2 + c
            gidx[pl.ds(CH + g * L, L)] = tv * 2 + (p3base + c)

    def _stage2(off, hb, ei):
        for g in range(CH // L):
            hv = icat[0, pl.ds(off + g * L, L)]
            hb[pl.ds(g * L, L)] = hv
            ei[pl.ds(g * L, L)] = lax.shift_right_logical(hv, 7)

    _stage1(0, 0, wbufA, gidxA)
    _stage2(0, hbA, eiA)
    pltpu.async_copy(ptab_hbm.at[gidxA], rowsA, semgA)
    pltpu.async_copy(rowsB.at[pl.ds(0, CH)], acc.at[hbB], semaB, add=True)
    pltpu.async_copy(rowsB.at[pl.ds(CH, CH)], acc_eb.at[eiB], sembB, add=True)

    def _body(k, off_next, bufX, bufY):
        (wbufX, hbX, eiX, gidxX, rowsX, semgX, semaX, sembX) = bufX
        (wbufY, hbY, eiY, gidxY, rowsY, semgY, semaY, sembY) = bufY
        rX_lo = rowsX.at[pl.ds(0, CH)]
        rX_hi = rowsX.at[pl.ds(CH, CH)]
        _stage1(k + 1, off_next, wbufY, gidxY)
        pltpu.make_async_copy(rowsY.at[pl.ds(0, CH)], acc.at[hbY],
                              semaY).wait()
        pltpu.make_async_copy(rowsY.at[pl.ds(CH, CH)], acc_eb.at[eiY],
                              sembY).wait()
        _stage2(off_next, hbY, eiY)
        pltpu.async_copy(ptab_hbm.at[gidxY], rowsY, semgY)
        pltpu.make_async_copy(ptab_hbm.at[gidxX], rowsX, semgX).wait()

        def _edge(e, _):
            wv = plsc.load_gather(wbufX, [jnp.full((L,), e, jnp.int32)])
            for j in range(DH // L):
                sl = pl.ds(j * L, L)
                rowsX[e, sl] = (rowsX[e, sl] + rowsX[CH + e, sl]) * wv
                rowsX[CH + e, sl] = zeros_f
            return 0
        lax.fori_loop(0, CH, _edge, 0, unroll=4)
        for g in range(CH // L):
            sl = pl.ds(g * L, L)
            colv = jnp.bitwise_and(hbX[sl], 127)
            plsc.store_scatter(rowsX, [CH + g * L + iota, colv], wbufX[sl])
        pltpu.async_copy(rX_lo, acc.at[hbX], semaX, add=True)
        pltpu.async_copy(rX_hi, acc_eb.at[eiX], sembX, add=True)

    bufA = (wbufA, hbA, eiA, gidxA, rowsA, semgA, semaA, sembA)
    bufB = (wbufB, hbB, eiB, gidxB, rowsB, semgB, semaB, sembB)

    def _pair(p, _):
        _body(2 * p, CH, bufA, bufB)
        _body(2 * p + 1, 0, bufB, bufA)
        return 0

    nch = EPT // CH
    lax.fori_loop(0, nch // 2, _pair, 0)
    pltpu.make_async_copy(ptab_hbm.at[gidxA], rowsA, semgA).wait()
    pltpu.make_async_copy(rowsB.at[pl.ds(0, CH)], acc.at[hbB], semaB).wait()
    pltpu.make_async_copy(rowsB.at[pl.ds(CH, CH)], acc_eb.at[eiB],
                          sembB).wait()
    plsc.subcore_barrier()
    def _copy_out(k, _):
        @pl.when(lax.rem(k, NS) == s)
        def _():
            rp = pl.ds(k * 2 * CH, 2 * CH)
            pltpu.sync_copy(acc.at[rp], out_hbm.at[c].at[rp])
        return 0
    lax.fori_loop(0, ACCR // (2 * CH), _copy_out, 0)

    @pl.when(s == 2)
    def _():
        rem = ACCR - (ACCR // (2 * CH)) * 2 * CH
        rp = pl.ds(ACCR - rem, rem)
        pltpu.sync_copy(acc.at[rp], out_hbm.at[c].at[rp])

    @pl.when(s == 0)
    def _():
        pltpu.sync_copy(acc_eb, eb_hbm.at[c])


def _sc_aggregate(idx3, q1, q2, q3, ptab):
    mesh = plsc.VectorSubcoreMesh(core_axis_name="c", subcore_axis_name="s",
                                  num_cores=NC, num_subcores=NS)
    fn = pl.kernel(
        _sc_body,
        out_type=[
            jax.ShapeDtypeStruct((NC, NPAD, DH), jnp.float32),
            jax.ShapeDtypeStruct((NC, EBR, DH), jnp.float32),
        ],
        mesh=mesh,
        scratch_types=[
            pltpu.VMEM((NQ,), jnp.float32),
            pltpu.VMEM((NQ,), jnp.float32),
            pltpu.VMEM((NQ,), jnp.float32),
            pltpu.VMEM((3, 2 * CH), jnp.int32),
            pltpu.VMEM((CH,), jnp.int32),
            pltpu.VMEM((CH,), jnp.int32),
            pltpu.VMEM((CH,), jnp.int32),
            pltpu.VMEM((CH,), jnp.int32),
            pltpu.VMEM((CH,), jnp.float32),
            pltpu.VMEM((CH,), jnp.float32),
            pltpu.VMEM((2 * CH,), jnp.int32),
            pltpu.VMEM((2 * CH,), jnp.int32),
            pltpu.VMEM((2 * CH, DH), jnp.float32),
            pltpu.VMEM((2 * CH, DH), jnp.float32),
            pltpu.VMEM_SHARED((ACCR, DH), jnp.float32),
            pltpu.VMEM_SHARED((EBR, DH), jnp.float32),
            pltpu.SemaphoreType.DMA,
            pltpu.SemaphoreType.DMA,
            pltpu.SemaphoreType.DMA,
            pltpu.SemaphoreType.DMA,
            pltpu.SemaphoreType.DMA,
            pltpu.SemaphoreType.DMA,
        ],
        compiler_params=pltpu.CompilerParams(needs_layout_passes=False),
    )
    return fn(idx3, q1, q2, q3, ptab)


def _epi_body(p1_ref, a0_ref, a1_ref, eb_ref, out_ref):
    am = jnp.concatenate([a0_ref[0], a1_ref[0]], axis=1)
    eb = eb_ref[...]
    hs = eb * p1_ref[...] + am
    ebs = jnp.where(eb == 0.0, jnp.float32(1e-12), eb)
    r = hs / ebs
    out_ref[...] = jnp.where(r > 0.0, r, jnp.exp(jnp.minimum(r, 0.0)) - 1.0)


def _epilogue(p1b, acc, ebcol):
    nblk = NPAD // BLK
    return pl.pallas_call(
        _epi_body,
        grid=(nblk,),
        in_specs=[
            pl.BlockSpec((BLK, OUT_DIM), lambda i: (i, 0)),
            pl.BlockSpec((1, BLK, DH), lambda i: (0, i, 0)),
            pl.BlockSpec((1, BLK, DH), lambda i: (1, i, 0)),
            pl.BlockSpec((BLK, 1), lambda i: (i, 0)),
        ],
        out_specs=pl.BlockSpec((BLK, OUT_DIM), lambda i: (i, 0)),
        out_shape=jax.ShapeDtypeStruct((NPAD, OUT_DIM), jnp.float32),
    )(p1b, acc, acc, ebcol)


def kernel(triplets, ent_embed, rel_embed, a_w, a_b, a2_w, a2_b):
    f32 = jnp.float32
    ent_p = jnp.zeros((NPAD, IN_DIM), f32).at[:N_ENT].set(ent_embed)
    rel_p = jnp.zeros((NPAD, IN_DIM), f32).at[:N_REL].set(rel_embed)
    w1 = a_w[:, :IN_DIM]
    w2 = a_w[:, IN_DIM:2 * IN_DIM]
    w3 = a_w[:, 2 * IN_DIM:]
    ab2d = a_b.reshape(1, OUT_DIM)
    a2row = a2_w.reshape(1, OUT_DIM)
    qb2d = a2_b.reshape(1, 1)

    p1b, p2, p3, q1t, q2t, q3t = _node_matmuls(ent_p, rel_p, w1, w2, w3,
                                               ab2d, a2row, qb2d)
    q1 = q1t[:NQ, 0]
    q2 = q2t[:NQ, 0]
    q3 = q3t[:NQ, 0]
    ptab = jnp.concatenate([p2.reshape(2 * NPAD, DH),
                            p3.reshape(2 * NPAD, DH)], axis=0)

    pad_h = jnp.full((EP - N_EDGES,), NQ - 1, jnp.int32)
    pad_z = jnp.zeros((EP - N_EDGES,), jnp.int32)
    heads = jnp.concatenate([triplets[:, 0], pad_h])
    tails = jnp.concatenate([triplets[:, 1], pad_z])
    rels = jnp.concatenate([triplets[:, 2], pad_z])
    npair = EPT // CH // 2
    idx3 = jnp.stack([heads.reshape(NS, npair, 2 * CH),
                      rels.reshape(NS, npair, 2 * CH),
                      tails.reshape(NS, npair, 2 * CH)], axis=2)
    idx3 = jnp.concatenate(
        [idx3, jnp.zeros((NS, 1, 3, 2 * CH), jnp.int32)], axis=1)

    acc, ebacc = _sc_aggregate(idx3, q1, q2, q3, ptab)
    ebcol = ebacc[0, :NPAD // DH].reshape(NPAD, 1)
    out = _epilogue(p1b, acc, ebcol)
    return out[:N_ENT]

# --- scband reference (transcript-rebuilt; emitter-appended) ---
"""Pipeline reference for scband-kgatt-13348758356215 (READ-ONLY COPY).

The authoritative reference and input builder live on the scoring server;
editing this copy changes nothing except your own understanding.
"""

import jax, jax.numpy as jnp
import numpy as np

N_ENT = 10000
N_REL = 10000
IN_DIM = 256
OUT_DIM = 256
N_EDGES = 160000


def setup_inputs(seed: int = 0) -> dict:
    key = jax.random.key(seed)
    k = jax.random.split(key, 7)
    triplets = jax.random.randint(k[0], (N_EDGES, 3), 0, N_ENT, dtype=jnp.int32)
    ent_embed = jax.random.normal(k[1], (N_ENT, IN_DIM), dtype=jnp.float32)
    rel_embed = jax.random.normal(k[2], (N_REL, IN_DIM), dtype=jnp.float32)
    # nn.Linear(3*in_dim, out_dim) weight, xavier_normal_ gain=1.414
    a_w = jax.random.normal(k[3], (OUT_DIM, 3 * IN_DIM), dtype=jnp.float32) * np.float32(1.414 * np.sqrt(2.0 / (3 * IN_DIM + OUT_DIM)))
    a_b = jnp.zeros((OUT_DIM,), dtype=jnp.float32)
    # nn.Linear(out_dim, 1) weight, xavier_normal_ gain=1.414
    a2_w = jax.random.normal(k[4], (1, OUT_DIM), dtype=jnp.float32) * np.float32(1.414 * np.sqrt(2.0 / (OUT_DIM + 1)))
    a2_b = jnp.zeros((1,), dtype=jnp.float32)
    return {"triplets": triplets, "ent_embed": ent_embed, "rel_embed": rel_embed,
            "a_w": a_w, "a_b": a_b, "a2_w": a2_w, "a2_b": a2_b}


def reference(triplets, ent_embed, rel_embed, a_w, a_b, a2_w, a2_b):
    N = N_ENT
    # h = cat(ent[head], rel[rel_idx], ent[tail])  -- gathers
    h = jnp.concatenate([
        jnp.take(ent_embed, triplets[:, 0], axis=0),
        jnp.take(rel_embed, triplets[:, 2], axis=0),
        jnp.take(ent_embed, triplets[:, 1], axis=0),
    ], axis=1)
    c = h @ a_w.T + a_b                                   # [E, out_dim]
    b = jax.nn.leaky_relu(c @ a2_w.T + a2_b, negative_slope=0.01)  # [E, 1]
    e_b = jnp.exp(b)                                      # [E, 1]
    heads = triplets[:, 0]
    # torch.sparse.sum over dim=1 of COO indexed by (head, relation) == segment-sum by head.
    # Torch code calls .detach() on the sparse tensors -> stop_gradient here.
    e_b_sum = jax.lax.stop_gradient(jax.ops.segment_sum(e_b, heads, num_segments=N))      # [N, 1]
    h_sum = jax.lax.stop_gradient(jax.ops.segment_sum(e_b * c, heads, num_segments=N))    # [N, out_dim]
    ebs = jnp.where(e_b_sum == 0.0, jnp.float32(1e-12), e_b_sum)
    out = h_sum / ebs
    return jax.nn.elu(out)  # concat=True branch

if __name__ == "__main__":
    import jax
    _d = setup_inputs()
    print(jax.jit(kernel)(*tuple(_d.values())))

</pallas_src>

<mosaic_0001>
#map = affine_map<(d0, d1) -> (0, 0, 0, 0)>
#map1 = affine_map<(d0, d1) -> (0)>
#map2 = affine_map<(d0, d1) -> (0, 0)>
#map3 = affine_map<(d0, d1) -> (0, 0, 0)>
module attributes {stable_mosaic.version = 14 : i64} {
  func.func @_sc_body(%arg0: i32, %arg1: i32, %arg2: memref<16x161x3x64xi32, #tpu.memory_space<hbm>>, %arg3: memref<10016xf32, #tpu.memory_space<hbm>>, %arg4: memref<10016xf32, #tpu.memory_space<hbm>>, %arg5: memref<10016xf32, #tpu.memory_space<hbm>>, %arg6: memref<40960x128xf32, #tpu.memory_space<hbm>>, %arg7: memref<2x10240x128xf32, #tpu.memory_space<hbm>>, %arg8: memref<2x80x128xf32, #tpu.memory_space<hbm>>, %arg9: memref<10016xf32, #tpu.memory_space<vmem>>, %arg10: memref<10016xf32, #tpu.memory_space<vmem>>, %arg11: memref<10016xf32, #tpu.memory_space<vmem>>, %arg12: memref<3x64xi32, #tpu.memory_space<vmem>>, %arg13: memref<32xi32, #tpu.memory_space<vmem>>, %arg14: memref<32xi32, #tpu.memory_space<vmem>>, %arg15: memref<32xi32, #tpu.memory_space<vmem>>, %arg16: memref<32xi32, #tpu.memory_space<vmem>>, %arg17: memref<32xf32, #tpu.memory_space<vmem>>, %arg18: memref<32xf32, #tpu.memory_space<vmem>>, %arg19: memref<64xi32, #tpu.memory_space<vmem>>, %arg20: memref<64xi32, #tpu.memory_space<vmem>>, %arg21: memref<64x128xf32, #tpu.memory_space<vmem>>, %arg22: memref<64x128xf32, #tpu.memory_space<vmem>>, %arg23: memref<10016x128xf32, #tpu.memory_space<vmem_shared>>, %arg24: memref<80x128xf32, #tpu.memory_space<vmem_shared>>, %arg25: memref<!tpu.dma_semaphore, #tpu.memory_space<semaphore_mem>>, %arg26: memref<!tpu.dma_semaphore, #tpu.memory_space<semaphore_mem>>, %arg27: memref<!tpu.dma_semaphore, #tpu.memory_space<semaphore_mem>>, %arg28: memref<!tpu.dma_semaphore, #tpu.memory_space<semaphore_mem>>, %arg29: memref<!tpu.dma_semaphore, #tpu.memory_space<semaphore_mem>>, %arg30: memref<!tpu.dma_semaphore, #tpu.memory_space<semaphore_mem>>) attributes {dimension_semantics = [#tpu.dimension_semantics<core_parallel>, #tpu.dimension_semantics<subcore_parallel>], iteration_bounds = array<i64: 2, 16>, scalar_prefetch = 0 : i64, scratch_operands = 22 : i64, tpu.core_type = #tpu.core_type<sc_vector_subcore>, window_params = [{transform_indices = #map}, {transform_indices = #map1}, {transform_indices = #map1}, {transform_indices = #map1}, {transform_indices = #map2}, {transform_indices = #map3}, {transform_indices = #map3}]} {
    %iota3A = tpu.iota {dimensions = array<i32: 0>} : vector<16xi32>
    %broadcast_in_dim3A = arith.constant 0 : i32
    %broadcast_in_dim3A_0 = vector.broadcast %broadcast_in_dim3A : i32 to vector<16xi32>
    %broadcast_in_dim3A_1 = arith.constant 0.000000e+00 : f32
    %broadcast_in_dim3A_2 = vector.broadcast %broadcast_in_dim3A_1 : f32 to vector<16xf32>
    "tpu.region"() ({
      %run_scoped3A_178 = tpu.sem_alloc : memref<!tpu.dma_semaphore, #tpu.memory_space<semaphore_mem>>
      tpu.enqueue_dma source(%arg3 : memref<10016xf32, #tpu.memory_space<hbm>>) target(%arg9 : memref<10016xf32, #tpu.memory_space<vmem>>) target_semaphore(%run_scoped3A_178 : memref<!tpu.dma_semaphore, #tpu.memory_space<semaphore_mem>>)
      tpu.wait_dma2 semaphore(%run_scoped3A_178 : memref<!tpu.dma_semaphore, #tpu.memory_space<semaphore_mem>>) src(%arg3 : memref<10016xf32, #tpu.memory_space<hbm>>) dst(%arg9 : memref<10016xf32, #tpu.memory_space<vmem>>)
      tpu.yield
    }) : () -> ()
    "tpu.region"() ({
      %run_scoped3A_178 = tpu.sem_alloc : memref<!tpu.dma_semaphore, #tpu.memory_space<semaphore_mem>>
      tpu.enqueue_dma source(%arg4 : memref<10016xf32, #tpu.memory_space<hbm>>) target(%arg10 : memref<10016xf32, #tpu.memory_space<vmem>>) target_semaphore(%run_scoped3A_178 : memref<!tpu.dma_semaphore, #tpu.memory_space<semaphore_mem>>)
      tpu.wait_dma2 semaphore(%run_scoped3A_178 : memref<!tpu.dma_semaphore, #tpu.memory_space<semaphore_mem>>) src(%arg4 : memref<10016xf32, #tpu.memory_space<hbm>>) dst(%arg10 : memref<10016xf32, #tpu.memory_space<vmem>>)
      tpu.yield
    }) : () -> ()
    "tpu.region"() ({
      %run_scoped3A_178 = tpu.sem_alloc : memref<!tpu.dma_semaphore, #tpu.memory_space<semaphore_mem>>
      tpu.enqueue_dma source(%arg5 : memref<10016xf32, #tpu.memory_space<hbm>>) target(%arg11 : memref<10016xf32, #tpu.memory_space<vmem>>) target_semaphore(%run_scoped3A_178 : memref<!tpu.dma_semaphore, #tpu.memory_space<semaphore_mem>>)
      tpu.wait_dma2 semaphore(%run_scoped3A_178 : memref<!tpu.dma_semaphore, #tpu.memory_space<semaphore_mem>>) src(%arg5 : memref<10016xf32, #tpu.memory_space<hbm>>) dst(%arg11 : memref<10016xf32, #tpu.memory_space<vmem>>)
      tpu.yield
    }) : () -> ()
    %scan3A = arith.constant 0 : i32
    %scan3A_3 = arith.constant 0 : i32
    %scan3A_4 = arith.constant 64 : i32
    %scan3A_5 = arith.addi %scan3A_3, %scan3A_4 : i32
    %scan3A_6 = arith.constant 1 : i32
    %scan3A_7 = scf.for %scan3A_178 = %scan3A_3 to %scan3A_5 step %scan3A_6 iter_args(%scan3A_179 = %scan3A) -> (i32)  : i32 {
      %swap3A_180 = arith.index_cast %scan3A_178 : i32 to index
      %swap3A_181 = arith.constant 0 : index
      %swap3A_182 = tpu.vector_load %arg21[%swap3A_180, %swap3A_181] {strides = array<i32>} : memref<64x128xf32, #tpu.memory_space<vmem>>, vector<16xf32>,
      tpu.vector_store %arg21[%swap3A_180, %swap3A_181], %broadcast_in_dim3A_2 {strides = array<i32>} : memref<64x128xf32, #tpu.memory_space<vmem>>, vector<16xf32>,
      %swap3A_183 = arith.index_cast %scan3A_178 : i32 to index
      %swap3A_184 = arith.constant 0 : index
      %swap3A_185 = tpu.vector_load %arg22[%swap3A_183, %swap3A_184] {strides = array<i32>} : memref<64x128xf32, #tpu.memory_space<vmem>>, vector<16xf32>,
      tpu.vector_store %arg22[%swap3A_183, %swap3A_184], %broadcast_in_dim3A_2 {strides = array<i32>} : memref<64x128xf32, #tpu.memory_space<vmem>>, vector<16xf32>,
      %swap3A_186 = arith.index_cast %scan3A_178 : i32 to index
      %swap3A_187 = arith.constant 16 : index
      %swap3A_188 = tpu.vector_load %arg21[%swap3A_186, %swap3A_187] {strides = array<i32>} : memref<64x128xf32, #tpu.memory_space<vmem>>, vector<16xf32>,
      tpu.vector_store %arg21[%swap3A_186, %swap3A_187], %broadcast_in_dim3A_2 {strides = array<i32>} : memref<64x128xf32, #tpu.memory_space<vmem>>, vector<16xf32>,
      %swap3A_189 = arith.index_cast %scan3A_178 : i32 to index
      %swap3A_190 = arith.constant 16 : index
      %swap3A_191 = tpu.vector_load %arg22[%swap3A_189, %swap3A_190] {strides = array<i32>} : memref<64x128xf32, #tpu.memory_space<vmem>>, vector<16xf32>,
      tpu.vector_store %arg22[%swap3A_189, %swap3A_190], %broadcast_in_dim3A_2 {strides = array<i32>} : memref<64x128xf32, #tpu.memory_space<vmem>>, vector<16xf32>,
      %swap3A_192 = arith.index_cast %scan3A_178 : i32 to index
      %swap3A_193 = arith.constant 32 : index
      %swap3A_194 = tpu.vector_load %arg21[%swap3A_192, %swap3A_193] {strides = array<i32>} : memref<64x128xf32, #tpu.memory_space<vmem>>, vector<16xf32>,
      tpu.vector_store %arg21[%swap3A_192, %swap3A_193], %broadcast_in_dim3A_2 {strides = array<i32>} : memref<64x128xf32, #tpu.memory_space<vmem>>, vector<16xf32>,
      %swap3A_195 = arith.index_cast %scan3A_178 : i32 to index
      %swap3A_196 = arith.constant 32 : index
      %swap3A_197 = tpu.vector_load %arg22[%swap3A_195, %swap3A_196] {strides = array<i32>} : memref<64x128xf32, #tpu.memory_space<vmem>>, vector<16xf32>,
      tpu.vector_store %arg22[%swap3A_195, %swap3A_196], %broadcast_in_dim3A_2 {strides = array<i32>} : memref<64x128xf32, #tpu.memory_space<vmem>>, vector<16xf32>,
      %swap3A_198 = arith.index_cast %scan3A_178 : i32 to index
      %swap3A_199 = arith.constant 48 : index
      %swap3A_200 = tpu.vector_load %arg21[%swap3A_198, %swap3A_199] {strides = array<i32>} : memref<64x128xf32, #tpu.memory_space<vmem>>, vector<16xf32>,
      tpu.vector_store %arg21[%swap3A_198, %swap3A_199], %broadcast_in_dim3A_2 {strides = array<i32>} : memref<64x128xf32, #tpu.memory_space<vmem>>, vector<16xf32>,
      %swap3A_201 = arith.index_cast %scan3A_178 : i32 to index
      %swap3A_202 = arith.constant 48 : index
      %swap3A_203 = tpu.vector_load %arg22[%swap3A_201, %swap3A_202] {strides = array<i32>} : memref<64x128xf32, #tpu.memory_space<vmem>>, vector<16xf32>,
      tpu.vector_store %arg22[%swap3A_201, %swap3A_202], %broadcast_in_dim3A_2 {strides = array<i32>} : memref<64x128xf32, #tpu.memory_space<vmem>>, vector<16xf32>,
      %swap3A_204 = arith.index_cast %scan3A_178 : i32 to index
      %swap3A_205 = arith.constant 64 : index
      %swap3A_206 = tpu.vector_load %arg21[%swap3A_204, %swap3A_205] {strides = array<i32>} : memref<64x128xf32, #tpu.memory_space<vmem>>, vector<16xf32>,
      tpu.vector_store %arg21[%swap3A_204, %swap3A_205], %broadcast_in_dim3A_2 {strides = array<i32>} : memref<64x128xf32, #tpu.memory_space<vmem>>, vector<16xf32>,
      %swap3A_207 = arith.index_cast %scan3A_178 : i32 to index
      %swap3A_208 = arith.constant 64 : index
      %swap3A_209 = tpu.vector_load %arg22[%swap3A_207, %swap3A_208] {strides = array<i32>} : memref<64x128xf32, #tpu.memory_space<vmem>>, vector<16xf32>,
      tpu.vector_store %arg22[%swap3A_207, %swap3A_208], %broadcast_in_dim3A_2 {strides = array<i32>} : memref<64x128xf32, #tpu.memory_space<vmem>>, vector<16xf32>,
      %swap3A_210 = arith.index_cast %scan3A_178 : i32 to index
      %swap3A_211 = arith.constant 80 : index
      %swap3A_212 = tpu.vector_load %arg21[%swap3A_210, %swap3A_211] {strides = array<i32>} : memref<64x128xf32, #tpu.memory_space<vmem>>, vector<16xf32>,
      tpu.vector_store %arg21[%swap3A_210, %swap3A_211], %broadcast_in_dim3A_2 {strides = array<i32>} : memref<64x128xf32, #tpu.memory_space<vmem>>, vector<16xf32>,
      %swap3A_213 = arith.index_cast %scan3A_178 : i32 to index
      %swap3A_214 = arith.constant 80 : index
      %swap3A_215 = tpu.vector_load %arg22[%swap3A_213, %swap3A_214] {strides = array<i32>} : memref<64x128xf32, #tpu.memory_space<vmem>>, vector<16xf32>,
      tpu.vector_store %arg22[%swap3A_213, %swap3A_214], %broadcast_in_dim3A_2 {strides = array<i32>} : memref<64x128xf32, #tpu.memory_space<vmem>>, vector<16xf32>,
      %swap3A_216 = arith.index_cast %scan3A_178 : i32 to index
      %swap3A_217 = arith.constant 96 : index
      %swap3A_218 = tpu.vector_load %arg21[%swap3A_216, %swap3A_217] {strides = array<i32>} : memref<64x128xf32, #tpu.memory_space<vmem>>, vector<16xf32>,
      tpu.vector_store %arg21[%swap3A_216, %swap3A_217], %broadcast_in_dim3A_2 {strides = array<i32>} : memref<64x128xf32, #tpu.memory_space<vmem>>, vector<16xf32>,
      %swap3A_219 = arith.index_cast %scan3A_178 : i32 to index
      %swap3A_220 = arith.constant 96 : index
      %swap3A_221 = tpu.vector_load %arg22[%swap3A_219, %swap3A_220] {strides = array<i32>} : memref<64x128xf32, #tpu.memory_space<vmem>>, vector<16xf32>,
      tpu.vector_store %arg22[%swap3A_219, %swap3A_220], %broadcast_in_dim3A_2 {strides = array<i32>} : memref<64x128xf32, #tpu.memory_space<vmem>>, vector<16xf32>,
      %swap3A_222 = arith.index_cast %scan3A_178 : i32 to index
      %swap3A_223 = arith.constant 112 : index
      %swap3A_224 = tpu.vector_load %arg21[%swap3A_222, %swap3A_223] {strides = array<i32>} : memref<64x128xf32, #tpu.memory_space<vmem>>, vector<16xf32>,
      tpu.vector_store %arg21[%swap3A_222, %swap3A_223], %broadcast_in_dim3A_2 {strides = array<i32>} : memref<64x128xf32, #tpu.memory_space<vmem>>, vector<16xf32>,
      %swap3A_225 = arith.index_cast %scan3A_178 : i32 to index
      %swap3A_226 = arith.constant 112 : index
      %swap3A_227 = tpu.vector_load %arg22[%swap3A_225, %swap3A_226] {strides = array<i32>} : memref<64x128xf32, #tpu.memory_space<vmem>>, vector<16xf32>,
      tpu.vector_store %arg22[%swap3A_225, %swap3A_226], %broadcast_in_dim3A_2 {strides = array<i32>} : memref<64x128xf32, #tpu.memory_space<vmem>>, vector<16xf32>,
      %scan3A_228 = arith.constant 0 : i32
      scf.yield %scan3A_228 : i32
    }
    %scan3A_8 = arith.constant 64 : i32
    %scan3A_9 = arith.constant 0 : i32
    %scan3A_10 = arith.constant 0 : i32
    %scan3A_11 = arith.constant 156 : i32
    %scan3A_12 = arith.addi %scan3A_10, %scan3A_11 : i32
    %scan3A_13 = arith.constant 1 : i32
    %scan3A_14 = scf.for %scan3A_178 = %scan3A_10 to %scan3A_12 step %scan3A_13 iter_args(%scan3A_179 = %scan3A_9) -> (i32)  : i32 {
      %rem3A = arith.constant 16 : i32
      %rem3A_180 = arith.remsi %scan3A_178, %rem3A : i32
      %eq3A_181 = arith.cmpi eq, %rem3A_180, %arg1 : i32
      %convert_element_type3A_182 = arith.extui %eq3A_181 : i1 to i32
      %cond3A_183 = arith.constant 0 : i32
      %cond3A_184 = arith.cmpi ne, %convert_element_type3A_182, %cond3A_183 : i32
      scf.if %cond3A_184 {
        %mul3A_186 = arith.constant 2 : i32
        %mul3A_187 = arith.muli %scan3A_178, %mul3A_186 : i32
        %mul3A_188 = arith.constant 32 : i32
        %mul3A_189 = arith.muli %mul3A_187, %mul3A_188 : i32
        "tpu.region"() ({
          %run_scoped3A_190 = tpu.sem_alloc : memref<!tpu.dma_semaphore, #tpu.memory_space<semaphore_mem>>
          %dma_start3A_191 = arith.constant 0 : i32
          %dma_start3A_192 = tpu.memref_slice %arg23[%mul3A_189, %dma_start3A_191] : memref<10016x128xf32, #tpu.memory_space<vmem_shared>> -> memref<64x128xf32, #tpu.memory_space<vmem_shared>>
          %dma_start3A_193 = arith.constant 0 : i32
          %dma_start3A_194 = tpu.memref_slice %arg23[%mul3A_189, %dma_start3A_193] : memref<10016x128xf32, #tpu.memory_space<vmem_shared>> -> memref<64x128xf32, #tpu.memory_space<vmem_shared>>
          tpu.enqueue_dma source(%arg21 : memref<64x128xf32, #tpu.memory_space<vmem>>) target(%dma_start3A_194 : memref<64x128xf32, #tpu.memory_space<vmem_shared>>) target_semaphore(%run_scoped3A_190 : memref<!tpu.dma_semaphore, #tpu.memory_space<semaphore_mem>>)
          %dma_wait3A_195 = arith.constant 0 : i32
          %dma_wait3A_196 = tpu.memref_slice %arg23[%mul3A_189, %dma_wait3A_195] : memref<10016x128xf32, #tpu.memory_space<vmem_shared>> -> memref<64x128xf32, #tpu.memory_space<vmem_shared>>
          %dma_wait3A_197 = arith.constant 0 : i32
          %dma_wait3A_198 = tpu.memref_slice %arg23[%mul3A_189, %dma_wait3A_197] : memref<10016x128xf32, #tpu.memory_space<vmem_shared>> -> memref<64x128xf32, #tpu.memory_space<vmem_shared>>
          tpu.wait_dma2 semaphore(%run_scoped3A_190 : memref<!tpu.dma_semaphore, #tpu.memory_space<semaphore_mem>>) src(%arg21 : memref<64x128xf32, #tpu.memory_space<vmem>>) dst(%dma_wait3A_198 : memref<64x128xf32, #tpu.memory_space<vmem_shared>>)
          tpu.yield
        }) : () -> ()
      } else {
      }
      %scan3A_185 = arith.constant 0 : i32
      scf.yield %scan3A_185 : i32
    }
    %scan3A_15 = arith.constant 156 : i32
    %eq3A = arith.constant 1 : i32
    %eq3A_16 = arith.cmpi eq, %arg1, %eq3A : i32
    %convert_element_type3A = arith.extui %eq3A_16 : i1 to i32
    %cond3A = arith.constant 0 : i32
    %cond3A_17 = arith.cmpi ne, %convert_element_type3A, %cond3A : i32
    scf.if %cond3A_17 {
      "tpu.region"() ({
        %run_scoped3A_178 = tpu.sem_alloc : memref<!tpu.dma_semaphore, #tpu.memory_space<semaphore_mem>>
        %dma_start3A_179 = arith.constant 0 : i32
        %dma_start3A_180 = arith.constant 0 : i32
        %dma_start3A_181 = tpu.memref_slice %arg21[%dma_start3A_179, %dma_start3A_180] : memref<64x128xf32, #tpu.memory_space<vmem>> -> memref<32x128xf32, #tpu.memory_space<vmem>>
        %dma_start3A_182 = arith.constant 9984 : i32
        %dma_start3A_183 = arith.constant 0 : i32
        %dma_start3A_184 = tpu.memref_slice %arg23[%dma_start3A_182, %dma_start3A_183] : memref<10016x128xf32, #tpu.memory_space<vmem_shared>> -> memref<32x128xf32, #tpu.memory_space<vmem_shared>>
        %dma_start3A_185 = arith.constant 9984 : i32
        %dma_start3A_186 = arith.constant 0 : i32
        %dma_start3A_187 = tpu.memref_slice %arg23[%dma_start3A_185, %dma_start3A_186] : memref<10016x128xf32, #tpu.memory_space<vmem_shared>> -> memref<32x128xf32, #tpu.memory_space<vmem_shared>>
        %dma_start3A_188 = arith.constant 0 : i32
        %dma_start3A_189 = arith.constant 0 : i32
        %dma_start3A_190 = tpu.memref_slice %arg21[%dma_start3A_188, %dma_start3A_189] : memref<64x128xf32, #tpu.memory_space<vmem>> -> memref<32x128xf32, #tpu.memory_space<vmem>>
        tpu.enqueue_dma source(%dma_start3A_190 : memref<32x128xf32, #tpu.memory_space<vmem>>) target(%dma_start3A_187 : memref<32x128xf32, #tpu.memory_space<vmem_shared>>) target_semaphore(%run_scoped3A_178 : memref<!tpu.dma_semaphore, #tpu.memory_space<semaphore_mem>>)
        %dma_wait3A_191 = arith.constant 0 : i32
        %dma_wait3A_192 = arith.constant 0 : i32
        %dma_wait3A_193 = tpu.memref_slice %arg21[%dma_wait3A_191, %dma_wait3A_192] : memref<64x128xf32, #tpu.memory_space<vmem>> -> memref<32x128xf32, #tpu.memory_space<vmem>>
        %dma_wait3A_194 = arith.constant 9984 : i32
        %dma_wait3A_195 = arith.constant 0 : i32
        %dma_wait3A_196 = tpu.memref_slice %arg23[%dma_wait3A_194, %dma_wait3A_195] : memref<10016x128xf32, #tpu.memory_space<vmem_shared>> -> memref<32x128xf32, #tpu.memory_space<vmem_shared>>
        %dma_wait3A_197 = arith.constant 9984 : i32
        %dma_wait3A_198 = arith.constant 0 : i32
        %dma_wait3A_199 = tpu.memref_slice %arg23[%dma_wait3A_197, %dma_wait3A_198] : memref<10016x128xf32, #tpu.memory_space<vmem_shared>> -> memref<32x128xf32, #tpu.memory_space<vmem_shared>>
        %dma_wait3A_200 = arith.constant 0 : i32
        %dma_wait3A_201 = arith.constant 0 : i32
        %dma_wait3A_202 = tpu.memref_slice %arg21[%dma_wait3A_200, %dma_wait3A_201] : memref<64x128xf32, #tpu.memory_space<vmem>> -> memref<32x128xf32, #tpu.memory_space<vmem>>
        tpu.wait_dma2 semaphore(%run_scoped3A_178 : memref<!tpu.dma_semaphore, #tpu.memory_space<semaphore_mem>>) src(%dma_wait3A_202 : memref<32x128xf32, #tpu.memory_space<vmem>>) dst(%dma_wait3A_199 : memref<32x128xf32, #tpu.memory_space<vmem_shared>>)
        tpu.yield
      }) : () -> ()
    } else {
    }
    %eq3A_18 = arith.constant 0 : i32
    %eq3A_19 = arith.cmpi eq, %arg1, %eq3A_18 : i32
    %convert_element_type3A_20 = arith.extui %eq3A_19 : i1 to i32
    %cond3A_21 = arith.constant 0 : i32
    %cond3A_22 = arith.cmpi ne, %convert_element_type3A_20, %cond3A_21 : i32
    scf.if %cond3A_22 {
      "tpu.region"() ({
        %run_scoped3A_178 = tpu.sem_alloc : memref<!tpu.dma_semaphore, #tpu.memory_space<semaphore_mem>>
        %dma_start3A_179 = arith.constant 0 : i32
        %dma_start3A_180 = arith.constant 0 : i32
        %dma_start3A_181 = tpu.memref_slice %arg24[%dma_start3A_179, %dma_start3A_180] : memref<80x128xf32, #tpu.memory_space<vmem_shared>> -> memref<64x128xf32, #tpu.memory_space<vmem_shared>>
        %dma_start3A_182 = arith.constant 0 : i32
        %dma_start3A_183 = arith.constant 0 : i32
        %dma_start3A_184 = tpu.memref_slice %arg24[%dma_start3A_182, %dma_start3A_183] : memref<80x128xf32, #tpu.memory_space<vmem_shared>> -> memref<64x128xf32, #tpu.memory_space<vmem_shared>>
        tpu.enqueue_dma source(%arg21 : memref<64x128xf32, #tpu.memory_space<vmem>>) target(%dma_start3A_184 : memref<64x128xf32, #tpu.memory_space<vmem_shared>>) target_semaphore(%run_scoped3A_178 : memref<!tpu.dma_semaphore, #tpu.memory_space<semaphore_mem>>)
        %dma_wait3A_185 = arith.constant 0 : i32
        %dma_wait3A_186 = arith.constant 0 : i32
        %dma_wait3A_187 = tpu.memref_slice %arg24[%dma_wait3A_185, %dma_wait3A_186] : memref<80x128xf32, #tpu.memory_space<vmem_shared>> -> memref<64x128xf32, #tpu.memory_space<vmem_shared>>
        %dma_wait3A_188 = arith.constant 0 : i32
        %dma_wait3A_189 = arith.constant 0 : i32
        %dma_wait3A_190 = tpu.memref_slice %arg24[%dma_wait3A_188, %dma_wait3A_189] : memref<80x128xf32, #tpu.memory_space<vmem_shared>> -> memref<64x128xf32, #tpu.memory_space<vmem_shared>>
        tpu.wait_dma2 semaphore(%run_scoped3A_178 : memref<!tpu.dma_semaphore, #tpu.memory_space<semaphore_mem>>) src(%arg21 : memref<64x128xf32, #tpu.memory_space<vmem>>) dst(%dma_wait3A_190 : memref<64x128xf32, #tpu.memory_space<vmem_shared>>)
        tpu.yield
      }) : () -> ()
      "tpu.region"() ({
        %run_scoped3A_178 = tpu.sem_alloc : memref<!tpu.dma_semaphore, #tpu.memory_space<semaphore_mem>>
        %dma_start3A_179 = arith.constant 0 : i32
        %dma_start3A_180 = arith.constant 0 : i32
        %dma_start3A_181 = tpu.memref_slice %arg21[%dma_start3A_179, %dma_start3A_180] : memref<64x128xf32, #tpu.memory_space<vmem>> -> memref<16x128xf32, #tpu.memory_space<vmem>>
        %dma_start3A_182 = arith.constant 64 : i32
        %dma_start3A_183 = arith.constant 0 : i32
        %dma_start3A_184 = tpu.memref_slice %arg24[%dma_start3A_182, %dma_start3A_183] : memref<80x128xf32, #tpu.memory_space<vmem_shared>> -> memref<16x128xf32, #tpu.memory_space<vmem_shared>>
        %dma_start3A_185 = arith.constant 64 : i32
        %dma_start3A_186 = arith.constant 0 : i32
        %dma_start3A_187 = tpu.memref_slice %arg24[%dma_start3A_185, %dma_start3A_186] : memref<80x128xf32, #tpu.memory_space<vmem_shared>> -> memref<16x128xf32, #tpu.memory_space<vmem_shared>>
        %dma_start3A_188 = arith.constant 0 : i32
        %dma_start3A_189 = arith.constant 0 : i32
        %dma_start3A_190 = tpu.memref_slice %arg21[%dma_start3A_188, %dma_start3A_189] : memref<64x128xf32, #tpu.memory_space<vmem>> -> memref<16x128xf32, #tpu.memory_space<vmem>>
        tpu.enqueue_dma source(%dma_start3A_190 : memref<16x128xf32, #tpu.memory_space<vmem>>) target(%dma_start3A_187 : memref<16x128xf32, #tpu.memory_space<vmem_shared>>) target_semaphore(%run_scoped3A_178 : memref<!tpu.dma_semaphore, #tpu.memory_space<semaphore_mem>>)
        %dma_wait3A_191 = arith.constant 0 : i32
        %dma_wait3A_192 = arith.constant 0 : i32
        %dma_wait3A_193 = tpu.memref_slice %arg21[%dma_wait3A_191, %dma_wait3A_192] : memref<64x128xf32, #tpu.memory_space<vmem>> -> memref<16x128xf32, #tpu.memory_space<vmem>>
        %dma_wait3A_194 = arith.constant 64 : i32
        %dma_wait3A_195 = arith.constant 0 : i32
        %dma_wait3A_196 = tpu.memref_slice %arg24[%dma_wait3A_194, %dma_wait3A_195] : memref<80x128xf32, #tpu.memory_space<vmem_shared>> -> memref<16x128xf32, #tpu.memory_space<vmem_shared>>
        %dma_wait3A_197 = arith.constant 64 : i32
        %dma_wait3A_198 = arith.constant 0 : i32
        %dma_wait3A_199 = tpu.memref_slice %arg24[%dma_wait3A_197, %dma_wait3A_198] : memref<80x128xf32, #tpu.memory_space<vmem_shared>> -> memref<16x128xf32, #tpu.memory_space<vmem_shared>>
        %dma_wait3A_200 = arith.constant 0 : i32
        %dma_wait3A_201 = arith.constant 0 : i32
        %dma_wait3A_202 = tpu.memref_slice %arg21[%dma_wait3A_200, %dma_wait3A_201] : memref<64x128xf32, #tpu.memory_space<vmem>> -> memref<16x128xf32, #tpu.memory_space<vmem>>
        tpu.wait_dma2 semaphore(%run_scoped3A_178 : memref<!tpu.dma_semaphore, #tpu.memory_space<semaphore_mem>>) src(%dma_wait3A_202 : memref<16x128xf32, #tpu.memory_space<vmem>>) dst(%dma_wait3A_199 : memref<16x128xf32, #tpu.memory_space<vmem_shared>>)
        tpu.yield
      }) : () -> ()
    } else {
    }
    %swap3A = arith.constant 0 : index
    %swap3A_23 = tpu.vector_load %arg14[%swap3A] {strides = array<i32>} : memref<32xi32, #tpu.memory_space<vmem>>, vector<16xi32>,
    tpu.vector_store %arg14[%swap3A], %broadcast_in_dim3A_0 {strides = array<i32>} : memref<32xi32, #tpu.memory_space<vmem>>, vector<16xi32>,
    %swap3A_24 = arith.constant 0 : index
    %swap3A_25 = tpu.vector_load %arg16[%swap3A_24] {strides = array<i32>} : memref<32xi32, #tpu.memory_space<vmem>>, vector<16xi32>,
    tpu.vector_store %arg16[%swap3A_24], %broadcast_in_dim3A_0 {strides = array<i32>} : memref<32xi32, #tpu.memory_space<vmem>>, vector<16xi32>,
    %swap3A_26 = arith.constant 16 : index
    %swap3A_27 = tpu.vector_load %arg14[%swap3A_26] {strides = array<i32>} : memref<32xi32, #tpu.memory_space<vmem>>, vector<16xi32>,
    tpu.vector_store %arg14[%swap3A_26], %broadcast_in_dim3A_0 {strides = array<i32>} : memref<32xi32, #tpu.memory_space<vmem>>, vector<16xi32>,
    %swap3A_28 = arith.constant 16 : index
    %swap3A_29 = tpu.vector_load %arg16[%swap3A_28] {strides = array<i32>} : memref<32xi32, #tpu.memory_space<vmem>>, vector<16xi32>,
    tpu.vector_store %arg16[%swap3A_28], %broadcast_in_dim3A_0 {strides = array<i32>} : memref<32xi32, #tpu.memory_space<vmem>>, vector<16xi32>,
    %barrier3A = arith.constant 0 : index
    tpu.barrier barrier_id(%barrier3A)
    %run_scoped3A = arith.constant 0 : i32
    "tpu.region"() ({
      %run_scoped3A_178 = tpu.sem_alloc : memref<!tpu.dma_semaphore, #tpu.memory_space<semaphore_mem>>
      %dma_start3A_179 = arith.constant 0 : i32
      %dma_start3A_180 = arith.constant 0 : i32
      %dma_start3A_181 = arith.constant 0 : i32
      %dma_start3A_182 = tpu.memref_slice %arg2[%arg1, %dma_start3A_179, %dma_start3A_180, %dma_start3A_181] : memref<16x161x3x64xi32, #tpu.memory_space<hbm>> -> memref<1x161x3x64xi32, #tpu.memory_space<hbm>>
      %dma_start3A_183 = tpu.memref_squeeze %dma_start3A_182 : memref<1x161x3x64xi32, #tpu.memory_space<hbm>> -> memref<161x3x64xi32, #tpu.memory_space<hbm>>
      %dma_start3A_184 = arith.constant 0 : i32
      %dma_start3A_185 = arith.constant 0 : i32
      %dma_start3A_186 = tpu.memref_slice %dma_start3A_183[%run_scoped3A, %dma_start3A_184, %dma_start3A_185] : memref<161x3x64xi32, #tpu.memory_space<hbm>> -> memref<1x3x64xi32, #tpu.memory_space<hbm>>
      %dma_start3A_187 = tpu.memref_squeeze %dma_start3A_186 : memref<1x3x64xi32, #tpu.memory_space<hbm>> -> memref<3x64xi32, #tpu.memory_space<hbm>>
      %dma_start3A_188 = arith.constant 0 : i32
      %dma_start3A_189 = arith.constant 0 : i32
      %dma_start3A_190 = arith.constant 0 : i32
      %dma_start3A_191 = tpu.memref_slice %arg2[%arg1, %dma_start3A_188, %dma_start3A_189, %dma_start3A_190] : memref<16x161x3x64xi32, #tpu.memory_space<hbm>> -> memref<1x161x3x64xi32, #tpu.memory_space<hbm>>
      %dma_start3A_192 = tpu.memref_squeeze %dma_start3A_191 : memref<1x161x3x64xi32, #tpu.memory_space<hbm>> -> memref<161x3x64xi32, #tpu.memory_space<hbm>>
      %dma_start3A_193 = arith.constant 0 : i32
      %dma_start3A_194 = arith.constant 0 : i32
      %dma_start3A_195 = tpu.memref_slice %dma_start3A_192[%run_scoped3A, %dma_start3A_193, %dma_start3A_194] : memref<161x3x64xi32, #tpu.memory_space<hbm>> -> memref<1x3x64xi32, #tpu.memory_space<hbm>>
      %dma_start3A_196 = tpu.memref_squeeze %dma_start3A_195 : memref<1x3x64xi32, #tpu.memory_space<hbm>> -> memref<3x64xi32, #tpu.memory_space<hbm>>
      tpu.enqueue_dma source(%dma_start3A_196 : memref<3x64xi32, #tpu.memory_space<hbm>>) target(%arg12 : memref<3x64xi32, #tpu.memory_space<vmem>>) target_semaphore(%run_scoped3A_178 : memref<!tpu.dma_semaphore, #tpu.memory_space<semaphore_mem>>)
      %dma_wait3A_197 = arith.constant 0 : i32
      %dma_wait3A_198 = arith.constant 0 : i32
      %dma_wait3A_199 = arith.constant 0 : i32
      %dma_wait3A_200 = tpu.memref_slice %arg2[%arg1, %dma_wait3A_197, %dma_wait3A_198, %dma_wait3A_199] : memref<16x161x3x64xi32, #tpu.memory_space<hbm>> -> memref<1x161x3x64xi32, #tpu.memory_space<hbm>>
      %dma_wait3A_201 = tpu.memref_squeeze %dma_wait3A_200 : memref<1x161x3x64xi32, #tpu.memory_space<hbm>> -> memref<161x3x64xi32, #tpu.memory_space<hbm>>
      %dma_wait3A_202 = arith.constant 0 : i32
      %dma_wait3A_203 = arith.constant 0 : i32
      %dma_wait3A_204 = tpu.memref_slice %dma_wait3A_201[%run_scoped3A, %dma_wait3A_202, %dma_wait3A_203] : memref<161x3x64xi32, #tpu.memory_space<hbm>> -> memref<1x3x64xi32, #tpu.memory_space<hbm>>
      %dma_wait3A_205 = tpu.memref_squeeze %dma_wait3A_204 : memref<1x3x64xi32, #tpu.memory_space<hbm>> -> memref<3x64xi32, #tpu.memory_space<hbm>>
      %dma_wait3A_206 = arith.constant 0 : i32
      %dma_wait3A_207 = arith.constant 0 : i32
      %dma_wait3A_208 = arith.constant 0 : i32
      %dma_wait3A_209 = tpu.memref_slice %arg2[%arg1, %dma_wait3A_206, %dma_wait3A_207, %dma_wait3A_208] : memref<16x161x3x64xi32, #tpu.memory_space<hbm>> -> memref<1x161x3x64xi32, #tpu.memory_space<hbm>>
      %dma_wait3A_210 = tpu.memref_squeeze %dma_wait3A_209 : memref<1x161x3x64xi32, #tpu.memory_space<hbm>> -> memref<161x3x64xi32, #tpu.memory_space<hbm>>
      %dma_wait3A_211 = arith.constant 0 : i32
      %dma_wait3A_212 = arith.constant 0 : i32
      %dma_wait3A_213 = tpu.memref_slice %dma_wait3A_210[%run_scoped3A, %dma_wait3A_211, %dma_wait3A_212] : memref<161x3x64xi32, #tpu.memory_space<hbm>> -> memref<1x3x64xi32, #tpu.memory_space<hbm>>
      %dma_wait3A_214 = tpu.memref_squeeze %dma_wait3A_213 : memref<1x3x64xi32, #tpu.memory_space<hbm>> -> memref<3x64xi32, #tpu.memory_space<hbm>>
      tpu.wait_dma2 semaphore(%run_scoped3A_178 : memref<!tpu.dma_semaphore, #tpu.memory_space<semaphore_mem>>) src(%dma_wait3A_214 : memref<3x64xi32, #tpu.memory_space<hbm>>) dst(%arg12 : memref<3x64xi32, #tpu.memory_space<vmem>>)
      tpu.yield
    }) : () -> ()
    %get3A = arith.constant 0 : i32
    %get3A_30 = arith.index_cast %get3A : i32 to index
    %get3A_31 = arith.constant 0 : index
    %get3A_32 = tpu.vector_load %arg12[%get3A_30, %get3A_31] {strides = array<i32>} : memref<3x64xi32, #tpu.memory_space<vmem>>, vector<16xi32>,
    %get3A_33 = arith.constant 1 : i32
    %get3A_34 = arith.index_cast %get3A_33 : i32 to index
    %get3A_35 = arith.constant 0 : index
    %get3A_36 = tpu.vector_load %arg12[%get3A_34, %get3A_35] {strides = array<i32>} : memref<3x64xi32, #tpu.memory_space<vmem>>, vector<16xi32>,
    %get3A_37 = arith.constant 2 : i32
    %get3A_38 = arith.index_cast %get3A_37 : i32 to index
    %get3A_39 = arith.constant 0 : index
    %get3A_40 = tpu.vector_load %arg12[%get3A_38, %get3A_39] {strides = array<i32>} : memref<3x64xi32, #tpu.memory_space<vmem>>, vector<16xi32>,
    %gather3A = tpu.vector_load_idx %arg9[%get3A_32] : memref<10016xf32, #tpu.memory_space<vmem>>[vector<16xi32>], vector<16xf32>,
    %gather3A_41 = tpu.vector_load_idx %arg10[%get3A_36] : memref<10016xf32, #tpu.memory_space<vmem>>[vector<16xi32>], vector<16xf32>,
    %add3A = arith.addf %gather3A, %gather3A_41 : vector<16xf32>
    %gather3A_42 = tpu.vector_load_idx %arg11[%get3A_40] : memref<10016xf32, #tpu.memory_space<vmem>>[vector<16xi32>], vector<16xf32>,
    %add3A_43 = arith.addf %add3A, %gather3A_42 : vector<16xf32>
    %mul3A = arith.constant 0.00999999977 : f32
    %mul3A_44 = vector.broadcast %mul3A : f32 to vector<16xf32>
    %mul3A_45 = arith.mulf %mul3A_44, %add3A_43 : vector<16xf32>
    %max3A = arith.maximumf %add3A_43, %mul3A_45 : vector<16xf32>
    %exp3A = math.exp %max3A : vector<16xf32>
    %swap3A_46 = arith.constant 0 : index
    %swap3A_47 = tpu.vector_load %arg17[%swap3A_46] {strides = array<i32>} : memref<32xf32, #tpu.memory_space<vmem>>, vector<16xf32>,
    tpu.vector_store %arg17[%swap3A_46], %exp3A {strides = array<i32>} : memref<32xf32, #tpu.memory_space<vmem>>, vector<16xf32>,
    %mul3A_48 = arith.constant 2 : i32
    %mul3A_49 = vector.broadcast %mul3A_48 : i32 to vector<16xi32>
    %mul3A_50 = arith.muli %get3A_36, %mul3A_49 : vector<16xi32>
    %add3A_51 = vector.broadcast %arg0 : i32 to vector<16xi32>
    %add3A_52 = arith.addi %mul3A_50, %add3A_51 : vector<16xi32>
    %swap3A_53 = arith.constant 0 : index
    %swap3A_54 = tpu.vector_load %arg19[%swap3A_53] {strides = array<i32>} : memref<64xi32, #tpu.memory_space<vmem>>, vector<16xi32>,
    tpu.vector_store %arg19[%swap3A_53], %add3A_52 {strides = array<i32>} : memref<64xi32, #tpu.memory_space<vmem>>, vector<16xi32>,
    %mul3A_55 = arith.constant 2 : i32
    %mul3A_56 = vector.broadcast %mul3A_55 : i32 to vector<16xi32>
    %mul3A_57 = arith.muli %get3A_40, %mul3A_56 : vector<16xi32>
    %add3A_58 = arith.constant 20480 : i32
    %add3A_59 = arith.addi %add3A_58, %arg0 : i32
    %add3A_60 = vector.broadcast %add3A_59 : i32 to vector<16xi32>
    %add3A_61 = arith.addi %mul3A_57, %add3A_60 : vector<16xi32>
    %swap3A_62 = arith.constant 32 : index
    %swap3A_63 = tpu.vector_load %arg19[%swap3A_62] {strides = array<i32>} : memref<64xi32, #tpu.memory_space<vmem>>, vector<16xi32>,
    tpu.vector_store %arg19[%swap3A_62], %add3A_61 {strides = array<i32>} : memref<64xi32, #tpu.memory_space<vmem>>, vector<16xi32>,
    %get3A_64 = arith.constant 0 : i32
    %get3A_65 = arith.index_cast %get3A_64 : i32 to index
    %get3A_66 = arith.constant 16 : index
    %get3A_67 = tpu.vector_load %arg12[%get3A_65, %get3A_66] {strides = array<i32>} : memref<3x64xi32, #tpu.memory_space<vmem>>, vector<16xi32>,
    %get3A_68 = arith.constant 1 : i32
    %get3A_69 = arith.index_cast %get3A_68 : i32 to index
    %get3A_70 = arith.constant 16 : index
    %get3A_71 = tpu.vector_load %arg12[%get3A_69, %get3A_70] {strides = array<i32>} : memref<3x64xi32, #tpu.memory_space<vmem>>, vector<16xi32>,
    %get3A_72 = arith.constant 2 : i32
    %get3A_73 = arith.index_cast %get3A_72 : i32 to index
    %get3A_74 = arith.constant 16 : index
    %get3A_75 = tpu.vector_load %arg12[%get3A_73, %get3A_74] {strides = array<i32>} : memref<3x64xi32, #tpu.memory_space<vmem>>, vector<16xi32>,
    %gather3A_76 = tpu.vector_load_idx %arg9[%get3A_67] : memref<10016xf32, #tpu.memory_space<vmem>>[vector<16xi32>], vector<16xf32>,
    %gather3A_77 = tpu.vector_load_idx %arg10[%get3A_71] : memref<10016xf32, #tpu.memory_space<vmem>>[vector<16xi32>], vector<16xf32>,
    %add3A_78 = arith.addf %gather3A_76, %gather3A_77 : vector<16xf32>
    %gather3A_79 = tpu.vector_load_idx %arg11[%get3A_75] : memref<10016xf32, #tpu.memory_space<vmem>>[vector<16xi32>], vector<16xf32>,
    %add3A_80 = arith.addf %add3A_78, %gather3A_79 : vector<16xf32>
    %mul3A_81 = arith.constant 0.00999999977 : f32
    %mul3A_82 = vector.broadcast %mul3A_81 : f32 to vector<16xf32>
    %mul3A_83 = arith.mulf %mul3A_82, %add3A_80 : vector<16xf32>
    %max3A_84 = arith.maximumf %add3A_80, %mul3A_83 : vector<16xf32>
    %exp3A_85 = math.exp %max3A_84 : vector<16xf32>
    %swap3A_86 = arith.constant 16 : index
    %swap3A_87 = tpu.vector_load %arg17[%swap3A_86] {strides = array<i32>} : memref<32xf32, #tpu.memory_space<vmem>>, vector<16xf32>,
    tpu.vector_store %arg17[%swap3A_86], %exp3A_85 {strides = array<i32>} : memref<32xf32, #tpu.memory_space<vmem>>, vector<16xf32>,
    %mul3A_88 = arith.constant 2 : i32
    %mul3A_89 = vector.broadcast %mul3A_88 : i32 to vector<16xi32>
    %mul3A_90 = arith.muli %get3A_71, %mul3A_89 : vector<16xi32>
    %add3A_91 = vector.broadcast %arg0 : i32 to vector<16xi32>
    %add3A_92 = arith.addi %mul3A_90, %add3A_91 : vector<16xi32>
    %swap3A_93 = arith.constant 16 : index
    %swap3A_94 = tpu.vector_load %arg19[%swap3A_93] {strides = array<i32>} : memref<64xi32, #tpu.memory_space<vmem>>, vector<16xi32>,
    tpu.vector_store %arg19[%swap3A_93], %add3A_92 {strides = array<i32>} : memref<64xi32, #tpu.memory_space<vmem>>, vector<16xi32>,
    %mul3A_95 = arith.constant 2 : i32
    %mul3A_96 = vector.broadcast %mul3A_95 : i32 to vector<16xi32>
    %mul3A_97 = arith.muli %get3A_75, %mul3A_96 : vector<16xi32>
    %add3A_98 = arith.constant 20480 : i32
    %add3A_99 = arith.addi %add3A_98, %arg0 : i32
    %add3A_100 = vector.broadcast %add3A_99 : i32 to vector<16xi32>
    %add3A_101 = arith.addi %mul3A_97, %add3A_100 : vector<16xi32>
    %swap3A_102 = arith.constant 48 : index
    %swap3A_103 = tpu.vector_load %arg19[%swap3A_102] {strides = array<i32>} : memref<64xi32, #tpu.memory_space<vmem>>, vector<16xi32>,
    tpu.vector_store %arg19[%swap3A_102], %add3A_101 {strides = array<i32>} : memref<64xi32, #tpu.memory_space<vmem>>, vector<16xi32>,
    %get3A_104 = arith.constant 0 : i32
    %get3A_105 = arith.index_cast %get3A_104 : i32 to index
    %get3A_106 = arith.constant 0 : index
    %get3A_107 = tpu.vector_load %arg12[%get3A_105, %get3A_106] {strides = array<i32>} : memref<3x64xi32, #tpu.memory_space<vmem>>, vector<16xi32>,
    %swap3A_108 = arith.constant 0 : index
    %swap3A_109 = tpu.vector_load %arg13[%swap3A_108] {strides = array<i32>} : memref<32xi32, #tpu.memory_space<vmem>>, vector<16xi32>,
    tpu.vector_store %arg13[%swap3A_108], %get3A_107 {strides = array<i32>} : memref<32xi32, #tpu.memory_space<vmem>>, vector<16xi32>,
    %shift_right_logical3A = arith.constant 7 : i32
    %shift_right_logical3A_110 = vector.broadcast %shift_right_logical3A : i32 to vector<16xi32>
    %shift_right_logical3A_111 = arith.shrui %get3A_107, %shift_right_logical3A_110 : vector<16xi32>
    %swap3A_112 = arith.constant 0 : index
    %swap3A_113 = tpu.vector_load %arg15[%swap3A_112] {strides = array<i32>} : memref<32xi32, #tpu.memory_space<vmem>>, vector<16xi32>,
    tpu.vector_store %arg15[%swap3A_112], %shift_right_logical3A_111 {strides = array<i32>} : memref<32xi32, #tpu.memory_space<vmem>>, vector<16xi32>,
    %get3A_114 = arith.constant 0 : i32
    %get3A_115 = arith.index_cast %get3A_114 : i32 to index
    %get3A_116 = arith.constant 16 : index
    %get3A_117 = tpu.vector_load %arg12[%get3A_115, %get3A_116] {strides = array<i32>} : memref<3x64xi32, #tpu.memory_space<vmem>>, vector<16xi32>,
    %swap3A_118 = arith.constant 16 : index
    %swap3A_119 = tpu.vector_load %arg13[%swap3A_118] {strides = array<i32>} : memref<32xi32, #tpu.memory_space<vmem>>, vector<16xi32>,
    tpu.vector_store %arg13[%swap3A_118], %get3A_117 {strides = array<i32>} : memref<32xi32, #tpu.memory_space<vmem>>, vector<16xi32>,
    %shift_right_logical3A_120 = arith.constant 7 : i32
    %shift_right_logical3A_121 = vector.broadcast %shift_right_logical3A_120 : i32 to vector<16xi32>
    %shift_right_logical3A_122 = arith.shrui %get3A_117, %shift_right_logical3A_121 : vector<16xi32>
    %swap3A_123 = arith.constant 16 : index
    %swap3A_124 = tpu.vector_load %arg15[%swap3A_123] {strides = array<i32>} : memref<32xi32, #tpu.memory_space<vmem>>, vector<16xi32>,
    tpu.vector_store %arg15[%swap3A_123], %shift_right_logical3A_122 {strides = array<i32>} : memref<32xi32, #tpu.memory_space<vmem>>, vector<16xi32>,
    %dma_start3A = arith.constant 0 : i32
    %dma_start3A_125 = arith.constant 0 : i32
    %dma_start3A_126 = tpu.memref_slice %arg6[%dma_start3A, %dma_start3A_125] : memref<40960x128xf32, #tpu.memory_space<hbm>> -> memref<40960x128xf32, #tpu.memory_space<hbm>>
    tpu.enqueue_indirect_dma source(%dma_start3A_126 : memref<40960x128xf32, #tpu.memory_space<hbm>>) target(%arg21 : memref<64x128xf32, #tpu.memory_space<vmem>>) offsets(%arg19 : memref<64xi32, #tpu.memory_space<vmem>>) semaphore(%arg25 : memref<!tpu.dma_semaphore, #tpu.memory_space<semaphore_mem>>)
    %dma_start3A_127 = arith.constant 0 : i32
    %dma_start3A_128 = arith.constant 0 : i32
    %dma_start3A_129 = tpu.memref_slice %arg22[%dma_start3A_127, %dma_start3A_128] : memref<64x128xf32, #tpu.memory_space<vmem>> -> memref<32x128xf32, #tpu.memory_space<vmem>>
    %dma_start3A_130 = arith.constant 0 : i32
    %dma_start3A_131 = arith.constant 0 : i32
    %dma_start3A_132 = tpu.memref_slice %arg23[%dma_start3A_130, %dma_start3A_131] : memref<10016x128xf32, #tpu.memory_space<vmem_shared>> -> memref<10016x128xf32, #tpu.memory_space<vmem_shared>>
    tpu.enqueue_indirect_dma source(%dma_start3A_129 : memref<32x128xf32, #tpu.memory_space<vmem>>) target(%dma_start3A_132 : memref<10016x128xf32, #tpu.memory_space<vmem_shared>>) offsets(%arg14 : memref<32xi32, #tpu.memory_space<vmem>>) semaphore(%arg28 : memref<!tpu.dma_semaphore, #tpu.memory_space<semaphore_mem>>) {add = true}
    %dma_start3A_133 = arith.constant 32 : i32
    %dma_start3A_134 = arith.constant 0 : i32
    %dma_start3A_135 = tpu.memref_slice %arg22[%dma_start3A_133, %dma_start3A_134] : memref<64x128xf32, #tpu.memory_space<vmem>> -> memref<32x128xf32, #tpu.memory_space<vmem>>
    %dma_start3A_136 = arith.constant 0 : i32
    %dma_start3A_137 = arith.constant 0 : i32
    %dma_start3A_138 = tpu.memref_slice %arg24[%dma_start3A_136, %dma_start3A_137] : memref<80x128xf32, #tpu.memory_space<vmem_shared>> -> memref<80x128xf32, #tpu.memory_space<vmem_shared>>
    tpu.enqueue_indirect_dma source(%dma_start3A_135 : memref<32x128xf32, #tpu.memory_space<vmem>>) target(%dma_start3A_138 : memref<80x128xf32, #tpu.memory_space<vmem_shared>>) offsets(%arg16 : memref<32xi32, #tpu.memory_space<vmem>>) semaphore(%arg30 : memref<!tpu.dma_semaphore, #tpu.memory_space<semaphore_mem>>) {add = true}
    %scan3A_139 = arith.constant 0 : i32
    %scan3A_140 = arith.constant 0 : i32
    %scan3A_141 = arith.constant 160 : i32
    %scan3A_142 = arith.addi %scan3A_140, %scan3A_141 : i32
    %scan3A_143 = arith.constant 1 : i32
    %scan3A_144 = scf.for %scan3A_178 = %scan3A_140 to %scan3A_142 step %scan3A_143 iter_args(%scan3A_179 = %scan3A_139) -> (i32)  : i32 {
      %mul3A_180 = arith.constant 2 : i32
      %mul3A_181 = arith.muli %mul3A_180, %scan3A_178 : i32
      %add3A_182 = arith.constant 1 : i32
      %add3A_183 = arith.addi %mul3A_181, %add3A_182 : i32
      %get3A_184 = arith.constant 0 : i32
      %get3A_185 = arith.index_cast %get3A_184 : i32 to index
      %get3A_186 = arith.constant 32 : index
      %get3A_187 = tpu.vector_load %arg12[%get3A_185, %get3A_186] {strides = array<i32>} : memref<3x64xi32, #tpu.memory_space<vmem>>, vector<16xi32>,
      %get3A_188 = arith.constant 1 : i32
      %get3A_189 = arith.index_cast %get3A_188 : i32 to index
      %get3A_190 = arith.constant 32 : index
      %get3A_191 = tpu.vector_load %arg12[%get3A_189, %get3A_190] {strides = array<i32>} : memref<3x64xi32, #tpu.memory_space<vmem>>, vector<16xi32>,
      %get3A_192 = arith.constant 2 : i32
      %get3A_193 = arith.index_cast %get3A_192 : i32 to index
      %get3A_194 = arith.constant 32 : index
      %get3A_195 = tpu.vector_load %arg12[%get3A_193, %get3A_194] {strides = array<i32>} : memref<3x64xi32, #tpu.memory_space<vmem>>, vector<16xi32>,
      %gather3A_196 = tpu.vector_load_idx %arg9[%get3A_187] : memref<10016xf32, #tpu.memory_space<vmem>>[vector<16xi32>], vector<16xf32>,
      %gather3A_197 = tpu.vector_load_idx %arg10[%get3A_191] : memref<10016xf32, #tpu.memory_space<vmem>>[vector<16xi32>], vector<16xf32>,
      %add3A_198 = arith.addf %gather3A_196, %gather3A_197 : vector<16xf32>
      %gather3A_199 = tpu.vector_load_idx %arg11[%get3A_195] : memref<10016xf32, #tpu.memory_space<vmem>>[vector<16xi32>], vector<16xf32>,
      %add3A_200 = arith.addf %add3A_198, %gather3A_199 : vector<16xf32>
      %mul3A_201 = arith.constant 0.00999999977 : f32
      %mul3A_202 = vector.broadcast %mul3A_201 : f32 to vector<16xf32>
      %mul3A_203 = arith.mulf %mul3A_202, %add3A_200 : vector<16xf32>
      %max3A_204 = arith.maximumf %add3A_200, %mul3A_203 : vector<16xf32>
      %exp3A_205 = math.exp %max3A_204 : vector<16xf32>
      %swap3A_206 = arith.constant 0 : index
      %swap3A_207 = tpu.vector_load %arg18[%swap3A_206] {strides = array<i32>} : memref<32xf32, #tpu.memory_space<vmem>>, vector<16xf32>,
      tpu.vector_store %arg18[%swap3A_206], %exp3A_205 {strides = array<i32>} : memref<32xf32, #tpu.memory_space<vmem>>, vector<16xf32>,
      %mul3A_208 = arith.constant 2 : i32
      %mul3A_209 = vector.broadcast %mul3A_208 : i32 to vector<16xi32>
      %mul3A_210 = arith.muli %get3A_191, %mul3A_209 : vector<16xi32>
      %add3A_211 = vector.broadcast %arg0 : i32 to vector<16xi32>
      %add3A_212 = arith.addi %mul3A_210, %add3A_211 : vector<16xi32>
      %swap3A_213 = arith.constant 0 : index
      %swap3A_214 = tpu.vector_load %arg20[%swap3A_213] {strides = array<i32>} : memref<64xi32, #tpu.memory_space<vmem>>, vector<16xi32>,
      tpu.vector_store %arg20[%swap3A_213], %add3A_212 {strides = array<i32>} : memref<64xi32, #tpu.memory_space<vmem>>, vector<16xi32>,
      %mul3A_215 = arith.constant 2 : i32
      %mul3A_216 = vector.broadcast %mul3A_215 : i32 to vector<16xi32>
      %mul3A_217 = arith.muli %get3A_195, %mul3A_216 : vector<16xi32>
      %add3A_218 = arith.constant 20480 : i32
      %add3A_219 = arith.addi %add3A_218, %arg0 : i32
      %add3A_220 = vector.broadcast %add3A_219 : i32 to vector<16xi32>
      %add3A_221 = arith.addi %mul3A_217, %add3A_220 : vector<16xi32>
      %swap3A_222 = arith.constant 32 : index
      %swap3A_223 = tpu.vector_load %arg20[%swap3A_222] {strides = array<i32>} : memref<64xi32, #tpu.memory_space<vmem>>, vector<16xi32>,
      tpu.vector_store %arg20[%swap3A_222], %add3A_221 {strides = array<i32>} : memref<64xi32, #tpu.memory_space<vmem>>, vector<16xi32>,
      %get3A_224 = arith.constant 0 : i32
      %get3A_225 = arith.index_cast %get3A_224 : i32 to index
      %get3A_226 = arith.constant 48 : index
      %get3A_227 = tpu.vector_load %arg12[%get3A_225, %get3A_226] {strides = array<i32>} : memref<3x64xi32, #tpu.memory_space<vmem>>, vector<16xi32>,
      %get3A_228 = arith.constant 1 : i32
      %get3A_229 = arith.index_cast %get3A_228 : i32 to index
      %get3A_230 = arith.constant 48 : index
      %get3A_231 = tpu.vector_load %arg12[%get3A_229, %get3A_230] {strides = array<i32>} : memref<3x64xi32, #tpu.memory_space<vmem>>, vector<16xi32>,
      %get3A_232 = arith.constant 2 : i32
      %get3A_233 = arith.index_cast %get3A_232 : i32 to index
      %get3A_234 = arith.constant 48 : index
      %get3A_235 = tpu.vector_load %arg12[%get3A_233, %get3A_234] {strides = array<i32>} : memref<3x64xi32, #tpu.memory_space<vmem>>, vector<16xi32>,
      %gather3A_236 = tpu.vector_load_idx %arg9[%get3A_227] : memref<10016xf32, #tpu.memory_space<vmem>>[vector<16xi32>], vector<16xf32>,
      %gather3A_237 = tpu.vector_load_idx %arg10[%get3A_231] : memref<10016xf32, #tpu.memory_space<vmem>>[vector<16xi32>], vector<16xf32>,
      %add3A_238 = arith.addf %gather3A_236, %gather3A_237 : vector<16xf32>
      %gather3A_239 = tpu.vector_load_idx %arg11[%get3A_235] : memref<10016xf32, #tpu.memory_space<vmem>>[vector<16xi32>], vector<16xf32>,
      %add3A_240 = arith.addf %add3A_238, %gather3A_239 : vector<16xf32>
      %mul3A_241 = arith.constant 0.00999999977 : f32
      %mul3A_242 = vector.broadcast %mul3A_241 : f32 to vector<16xf32>
      %mul3A_243 = arith.mulf %mul3A_242, %add3A_240 : vector<16xf32>
      %max3A_244 = arith.maximumf %add3A_240, %mul3A_243 : vector<16xf32>
      %exp3A_245 = math.exp %max3A_244 : vector<16xf32>
      %swap3A_246 = arith.constant 16 : index
      %swap3A_247 = tpu.vector_load %arg18[%swap3A_246] {strides = array<i32>} : memref<32xf32, #tpu.memory_space<vmem>>, vector<16xf32>,
      tpu.vector_store %arg18[%swap3A_246], %exp3A_245 {strides = array<i32>} : memref<32xf32, #tpu.memory_space<vmem>>, vector<16xf32>,
      %mul3A_248 = arith.constant 2 : i32
      %mul3A_249 = vector.broadcast %mul3A_248 : i32 to vector<16xi32>
      %mul3A_250 = arith.muli %get3A_231, %mul3A_249 : vector<16xi32>
      %add3A_251 = vector.broadcast %arg0 : i32 to vector<16xi32>
      %add3A_252 = arith.addi %mul3A_250, %add3A_251 : vector<16xi32>
      %swap3A_253 = arith.constant 16 : index
      %swap3A_254 = tpu.vector_load %arg20[%swap3A_253] {strides = array<i32>} : memref<64xi32, #tpu.memory_space<vmem>>, vector<16xi32>,
      tpu.vector_store %arg20[%swap3A_253], %add3A_252 {strides = array<i32>} : memref<64xi32, #tpu.memory_space<vmem>>, vector<16xi32>,
      %mul3A_255 = arith.constant 2 : i32
      %mul3A_256 = vector.broadcast %mul3A_255 : i32 to vector<16xi32>
      %mul3A_257 = arith.muli %get3A_235, %mul3A_256 : vector<16xi32>
      %add3A_258 = arith.constant 20480 : i32
      %add3A_259 = arith.addi %add3A_258, %arg0 : i32
      %add3A_260 = vector.broadcast %add3A_259 : i32 to vector<16xi32>
      %add3A_261 = arith.addi %mul3A_257, %add3A_260 : vector<16xi32>
      %swap3A_262 = arith.constant 48 : index
      %swap3A_263 = tpu.vector_load %arg20[%swap3A_262] {strides = array<i32>} : memref<64xi32, #tpu.memory_space<vmem>>, vector<16xi32>,
      tpu.vector_store %arg20[%swap3A_262], %add3A_261 {strides = array<i32>} : memref<64xi32, #tpu.memory_space<vmem>>, vector<16xi32>,
      %dma_wait3A_264 = arith.constant 0 : i32
      %dma_wait3A_265 = arith.constant 0 : i32
      %dma_wait3A_266 = tpu.memref_slice %arg22[%dma_wait3A_264, %dma_wait3A_265] : memref<64x128xf32, #tpu.memory_space<vmem>> -> memref<32x128xf32, #tpu.memory_space<vmem>>
      %dma_wait3A_267 = arith.constant 0 : i32
      %dma_wait3A_268 = arith.constant 0 : i32
      %dma_wait3A_269 = tpu.memref_slice %arg23[%dma_wait3A_267, %dma_wait3A_268] : memref<10016x128xf32, #tpu.memory_space<vmem_shared>> -> memref<10016x128xf32, #tpu.memory_space<vmem_shared>>
      tpu.wait_indirect_dma semaphore(%arg28 : memref<!tpu.dma_semaphore, #tpu.memory_space<semaphore_mem>>) src(%dma_wait3A_266 : memref<32x128xf32, #tpu.memory_space<vmem>>) dst(%dma_wait3A_269 : memref<10016x128xf32, #tpu.memory_space<vmem_shared>>)
      %dma_wait3A_270 = arith.constant 32 : i32
      %dma_wait3A_271 = arith.constant 0 : i32
      %dma_wait3A_272 = tpu.memref_slice %arg22[%dma_wait3A_270, %dma_wait3A_271] : memref<64x128xf32, #tpu.memory_space<vmem>> -> memref<32x128xf32, #tpu.memory_space<vmem>>
      %dma_wait3A_273 = arith.constant 0 : i32
      %dma_wait3A_274 = arith.constant 0 : i32
      %dma_wait3A_275 = tpu.memref_slice %arg24[%dma_wait3A_273, %dma_wait3A_274] : memref<80x128xf32, #tpu.memory_space<vmem_shared>> -> memref<80x128xf32, #tpu.memory_space<vmem_shared>>
      tpu.wait_indirect_dma semaphore(%arg30 : memref<!tpu.dma_semaphore, #tpu.memory_space<semaphore_mem>>) src(%dma_wait3A_272 : memref<32x128xf32, #tpu.memory_space<vmem>>) dst(%dma_wait3A_275 : memref<80x128xf32, #tpu.memory_space<vmem_shared>>)
      %get3A_276 = arith.constant 0 : i32
      %get3A_277 = arith.index_cast %get3A_276 : i32 to index
      %get3A_278 = arith.constant 32 : index
      %get3A_279 = tpu.vector_load %arg12[%get3A_277, %get3A_278] {strides = array<i32>} : memref<3x64xi32, #tpu.memory_space<vmem>>, vector<16xi32>,
      %swap3A_280 = arith.constant 0 : index
      %swap3A_281 = tpu.vector_load %arg14[%swap3A_280] {strides = array<i32>} : memref<32xi32, #tpu.memory_space<vmem>>, vector<16xi32>,
      tpu.vector_store %arg14[%swap3A_280], %get3A_279 {strides = array<i32>} : memref<32xi32, #tpu.memory_space<vmem>>, vector<16xi32>,
      %shift_right_logical3A_282 = arith.constant 7 : i32
      %shift_right_logical3A_283 = vector.broadcast %shift_right_logical3A_282 : i32 to vector<16xi32>
      %shift_right_logical3A_284 = arith.shrui %get3A_279, %shift_right_logical3A_283 : vector<16xi32>
      %swap3A_285 = arith.constant 0 : index
      %swap3A_286 = tpu.vector_load %arg16[%swap3A_285] {strides = array<i32>} : memref<32xi32, #tpu.memory_space<vmem>>, vector<16xi32>,
      tpu.vector_store %arg16[%swap3A_285], %shift_right_logical3A_284 {strides = array<i32>} : memref<32xi32, #tpu.memory_space<vmem>>, vector<16xi32>,
      %get3A_287 = arith.constant 0 : i32
      %get3A_288 = arith.index_cast %get3A_287 : i32 to index
      %get3A_289 = arith.constant 48 : index
      %get3A_290 = tpu.vector_load %arg12[%get3A_288, %get3A_289] {strides = array<i32>} : memref<3x64xi32, #tpu.memory_space<vmem>>, vector<16xi32>,
      %swap3A_291 = arith.constant 16 : index
      %swap3A_292 = tpu.vector_load %arg14[%swap3A_291] {strides = array<i32>} : memref<32xi32, #tpu.memory_space<vmem>>, vector<16xi32>,
      tpu.vector_store %arg14[%swap3A_291], %get3A_290 {strides = array<i32>} : memref<32xi32, #tpu.memory_space<vmem>>, vector<16xi32>,
      %shift_right_logical3A_293 = arith.constant 7 : i32
      %shift_right_logical3A_294 = vector.broadcast %shift_right_logical3A_293 : i32 to vector<16xi32>
      %shift_right_logical3A_295 = arith.shrui %get3A_290, %shift_right_logical3A_294 : vector<16xi32>
      %swap3A_296 = arith.constant 16 : index
      %swap3A_297 = tpu.vector_load %arg16[%swap3A_296] {strides = array<i32>} : memref<32xi32, #tpu.memory_space<vmem>>, vector<16xi32>,
      tpu.vector_store %arg16[%swap3A_296], %shift_right_logical3A_295 {strides = array<i32>} : memref<32xi32, #tpu.memory_space<vmem>>, vector<16xi32>,
      %dma_start3A_298 = arith.constant 0 : i32
      %dma_start3A_299 = arith.constant 0 : i32
      %dma_start3A_300 = tpu.memref_slice %arg6[%dma_start3A_298, %dma_start3A_299] : memref<40960x128xf32, #tpu.memory_space<hbm>> -> memref<40960x128xf32, #tpu.memory_space<hbm>>
      tpu.enqueue_indirect_dma source(%dma_start3A_300 : memref<40960x128xf32, #tpu.memory_space<hbm>>) target(%arg22 : memref<64x128xf32, #tpu.memory_space<vmem>>) offsets(%arg20 : memref<64xi32, #tpu.memory_space<vmem>>) semaphore(%arg26 : memref<!tpu.dma_semaphore, #tpu.memory_space<semaphore_mem>>)
      %dma_wait3A_301 = arith.constant 0 : i32
      %dma_wait3A_302 = arith.constant 0 : i32
      %dma_wait3A_303 = tpu.memref_slice %arg6[%dma_wait3A_301, %dma_wait3A_302] : memref<40960x128xf32, #tpu.memory_space<hbm>> -> memref<40960x128xf32, #tpu.memory_space<hbm>>
      tpu.wait_indirect_dma semaphore(%arg25 : memref<!tpu.dma_semaphore, #tpu.memory_space<semaphore_mem>>) src(%dma_wait3A_303 : memref<40960x128xf32, #tpu.memory_space<hbm>>) dst(%arg21 : memref<64x128xf32, #tpu.memory_space<vmem>>)
      %scan3A_304 = arith.constant 0 : i32
      %scan3A_305 = arith.constant 0 : i32
      %scan3A_306 = arith.constant 32 : i32
      %scan3A_307 = arith.addi %scan3A_305, %scan3A_306 : i32
      %scan3A_308 = arith.constant 4 : i32
      %scan3A_309 = scf.for %scan3A_525 = %scan3A_305 to %scan3A_307 step %scan3A_308 iter_args(%scan3A_526 = %scan3A_304) -> (i32)  : i32 {
        %broadcast_in_dim3A_527 = vector.broadcast %scan3A_525 : i32 to vector<16xi32>
        %gather3A_528 = tpu.vector_load_idx %arg17[%broadcast_in_dim3A_527] : memref<32xf32, #tpu.memory_space<vmem>>[vector<16xi32>], vector<16xf32>,
        %get3A_529 = arith.index_cast %scan3A_525 : i32 to index
        %get3A_530 = arith.constant 0 : index
        %get3A_531 = tpu.vector_load %arg21[%get3A_529, %get3A_530] {strides = array<i32>} : memref<64x128xf32, #tpu.memory_space<vmem>>, vector<16xf32>,
        %add3A_532 = arith.constant 32 : i32
        %add3A_533 = arith.addi %add3A_532, %scan3A_525 : i32
        %get3A_534 = arith.index_cast %add3A_533 : i32 to index
        %get3A_535 = arith.constant 0 : index
        %get3A_536 = tpu.vector_load %arg21[%get3A_534, %get3A_535] {strides = array<i32>} : memref<64x128xf32, #tpu.memory_space<vmem>>, vector<16xf32>,
        %add3A_537 = arith.addf %get3A_531, %get3A_536 : vector<16xf32>
        %mul3A_538 = arith.mulf %add3A_537, %gather3A_528 : vector<16xf32>
        %swap3A_539 = arith.index_cast %scan3A_525 : i32 to index
        %swap3A_540 = arith.constant 0 : index
        %swap3A_541 = tpu.vector_load %arg21[%swap3A_539, %swap3A_540] {strides = array<i32>} : memref<64x128xf32, #tpu.memory_space<vmem>>, vector<16xf32>,
        tpu.vector_store %arg21[%swap3A_539, %swap3A_540], %mul3A_538 {strides = array<i32>} : memref<64x128xf32, #tpu.memory_space<vmem>>, vector<16xf32>,
        %add3A_542 = arith.constant 32 : i32
        %add3A_543 = arith.addi %add3A_542, %scan3A_525 : i32
        %swap3A_544 = arith.index_cast %add3A_543 : i32 to index
        %swap3A_545 = arith.constant 0 : index
        %swap3A_546 = tpu.vector_load %arg21[%swap3A_544, %swap3A_545] {strides = array<i32>} : memref<64x128xf32, #tpu.memory_space<vmem>>, vector<16xf32>,
        tpu.vector_store %arg21[%swap3A_544, %swap3A_545], %broadcast_in_dim3A_2 {strides = array<i32>} : memref<64x128xf32, #tpu.memory_space<vmem>>, vector<16xf32>,
        %get3A_547 = arith.index_cast %scan3A_525 : i32 to index
        %get3A_548 = arith.constant 16 : index
        %get3A_549 = tpu.vector_load %arg21[%get3A_547, %get3A_548] {strides = array<i32>} : memref<64x128xf32, #tpu.memory_space<vmem>>, vector<16xf32>,
        %add3A_550 = arith.constant 32 : i32
        %add3A_551 = arith.addi %add3A_550, %scan3A_525 : i32
        %get3A_552 = arith.index_cast %add3A_551 : i32 to index
        %get3A_553 = arith.constant 16 : index
        %get3A_554 = tpu.vector_load %arg21[%get3A_552, %get3A_553] {strides = array<i32>} : memref<64x128xf32, #tpu.memory_space<vmem>>, vector<16xf32>,
        %add3A_555 = arith.addf %get3A_549, %get3A_554 : vector<16xf32>
        %mul3A_556 = arith.mulf %add3A_555, %gather3A_528 : vector<16xf32>
        %swap3A_557 = arith.index_cast %scan3A_525 : i32 to index
        %swap3A_558 = arith.constant 16 : index
        %swap3A_559 = tpu.vector_load %arg21[%swap3A_557, %swap3A_558] {strides = array<i32>} : memref<64x128xf32, #tpu.memory_space<vmem>>, vector<16xf32>,
        tpu.vector_store %arg21[%swap3A_557, %swap3A_558], %mul3A_556 {strides = array<i32>} : memref<64x128xf32, #tpu.memory_space<vmem>>, vector<16xf32>,
        %add3A_560 = arith.constant 32 : i32
        %add3A_561 = arith.addi %add3A_560, %scan3A_525 : i32
        %swap3A_562 = arith.index_cast %add3A_561 : i32 to index
        %swap3A_563 = arith.constant 16 : index
        %swap3A_564 = tpu.vector_load %arg21[%swap3A_562, %swap3A_563] {strides = array<i32>} : memref<64x128xf32, #tpu.memory_space<vmem>>, vector<16xf32>,
        tpu.vector_store %arg21[%swap3A_562, %swap3A_563], %broadcast_in_dim3A_2 {strides = array<i32>} : memref<64x128xf32, #tpu.memory_space<vmem>>, vector<16xf32>,
        %get3A_565 = arith.index_cast %scan3A_525 : i32 to index
        %get3A_566 = arith.constant 32 : index
        %get3A_567 = tpu.vector_load %arg21[%get3A_565, %get3A_566] {strides = array<i32>} : memref<64x128xf32, #tpu.memory_space<vmem>>, vector<16xf32>,
        %add3A_568 = arith.constant 32 : i32
        %add3A_569 = arith.addi %add3A_568, %scan3A_525 : i32
        %get3A_570 = arith.index_cast %add3A_569 : i32 to index
        %get3A_571 = arith.constant 32 : index
        %get3A_572 = tpu.vector_load %arg21[%get3A_570, %get3A_571] {strides = array<i32>} : memref<64x128xf32, #tpu.memory_space<vmem>>, vector<16xf32>,
        %add3A_573 = arith.addf %get3A_567, %get3A_572 : vector<16xf32>
        %mul3A_574 = arith.mulf %add3A_573, %gather3A_528 : vector<16xf32>
        %swap3A_575 = arith.index_cast %scan3A_525 : i32 to index
        %swap3A_576 = arith.constant 32 : index
        %swap3A_577 = tpu.vector_load %arg21[%swap3A_575, %swap3A_576] {strides = array<i32>} : memref<64x128xf32, #tpu.memory_space<vmem>>, vector<16xf32>,
        tpu.vector_store %arg21[%swap3A_575, %swap3A_576], %mul3A_574 {strides = array<i32>} : memref<64x128xf32, #tpu.memory_space<vmem>>, vector<16xf32>,
        %add3A_578 = arith.constant 32 : i32
        %add3A_579 = arith.addi %add3A_578, %scan3A_525 : i32
        %swap3A_580 = arith.index_cast %add3A_579 : i32 to index
        %swap3A_581 = arith.constant 32 : index
        %swap3A_582 = tpu.vector_load %arg21[%swap3A_580, %swap3A_581] {strides = array<i32>} : memref<64x128xf32, #tpu.memory_space<vmem>>, vector<16xf32>,
        tpu.vector_store %arg21[%swap3A_580, %swap3A_581], %broadcast_in_dim3A_2 {strides = array<i32>} : memref<64x128xf32, #tpu.memory_space<vmem>>, vector<16xf32>,
        %get3A_583 = arith.index_cast %scan3A_525 : i32 to index
        %get3A_584 = arith.constant 48 : index
        %get3A_585 = tpu.vector_load %arg21[%get3A_583, %get3A_584] {strides = array<i32>} : memref<64x128xf32, #tpu.memory_space<vmem>>, vector<16xf32>,
        %add3A_586 = arith.constant 32 : i32
        %add3A_587 = arith.addi %add3A_586, %scan3A_525 : i32
        %get3A_588 = arith.index_cast %add3A_587 : i32 to index
        %get3A_589 = arith.constant 48 : index
        %get3A_590 = tpu.vector_load %arg21[%get3A_588, %get3A_589] {strides = array<i32>} : memref<64x128xf32, #tpu.memory_space<vmem>>, vector<16xf32>,
        %add3A_591 = arith.addf %get3A_585, %get3A_590 : vector<16xf32>
        %mul3A_592 = arith.mulf %add3A_591, %gather3A_528 : vector<16xf32>
        %swap3A_593 = arith.index_cast %scan3A_525 : i32 to index
        %swap3A_594 = arith.constant 48 : index
        %swap3A_595 = tpu.vector_load %arg21[%swap3A_593, %swap3A_594] {strides = array<i32>} : memref<64x128xf32, #tpu.memory_space<vmem>>, vector<16xf32>,
        tpu.vector_store %arg21[%swap3A_593, %swap3A_594], %mul3A_592 {strides = array<i32>} : memref<64x128xf32, #tpu.memory_space<vmem>>, vector<16xf32>,
        %add3A_596 = arith.constant 32 : i32
        %add3A_597 = arith.addi %add3A_596, %scan3A_525 : i32
        %swap3A_598 = arith.index_cast %add3A_597 : i32 to index
        %swap3A_599 = arith.constant 48 : index
        %swap3A_600 = tpu.vector_load %arg21[%swap3A_598, %swap3A_599] {strides = array<i32>} : memref<64x128xf32, #tpu.memory_space<vmem>>, vector<16xf32>,
        tpu.vector_store %arg21[%swap3A_598, %swap3A_599], %broadcast_in_dim3A_2 {strides = array<i32>} : memref<64x128xf32, #tpu.memory_space<vmem>>, vector<16xf32>,
        %get3A_601 = arith.index_cast %scan3A_525 : i32 to index
        %get3A_602 = arith.constant 64 : index
        %get3A_603 = tpu.vector_load %arg21[%get3A_601, %get3A_602] {strides = array<i32>} : memref<64x128xf32, #tpu.memory_space<vmem>>, vector<16xf32>,
        %add3A_604 = arith.constant 32 : i32
        %add3A_605 = arith.addi %add3A_604, %scan3A_525 : i32
        %get3A_606 = arith.index_cast %add3A_605 : i32 to index
        %get3A_607 = arith.constant 64 : index
        %get3A_608 = tpu.vector_load %arg21[%get3A_606, %get3A_607] {strides = array<i32>} : memref<64x128xf32, #tpu.memory_space<vmem>>, vector<16xf32>,
        %add3A_609 = arith.addf %get3A_603, %get3A_608 : vector<16xf32>
        %mul3A_610 = arith.mulf %add3A_609, %gather3A_528 : vector<16xf32>
        %swap3A_611 = arith.index_cast %scan3A_525 : i32 to index
        %swap3A_612 = arith.constant 64 : index
        %swap3A_613 = tpu.vector_load %arg21[%swap3A_611, %swap3A_612] {strides = array<i32>} : memref<64x128xf32, #tpu.memory_space<vmem>>, vector<16xf32>,
        tpu.vector_store %arg21[%swap3A_611, %swap3A_612], %mul3A_610 {strides = array<i32>} : memref<64x128xf32, #tpu.memory_space<vmem>>, vector<16xf32>,
        %add3A_614 = arith.constant 32 : i32
        %add3A_615 = arith.addi %add3A_614, %scan3A_525 : i32
        %swap3A_616 = arith.index_cast %add3A_615 : i32 to index
        %swap3A_617 = arith.constant 64 : index
        %swap3A_618 = tpu.vector_load %arg21[%swap3A_616, %swap3A_617] {strides = array<i32>} : memref<64x128xf32, #tpu.memory_space<vmem>>, vector<16xf32>,
        tpu.vector_store %arg21[%swap3A_616, %swap3A_617], %broadcast_in_dim3A_2 {strides = array<i32>} : memref<64x128xf32, #tpu.memory_space<vmem>>, vector<16xf32>,
        %get3A_619 = arith.index_cast %scan3A_525 : i32 to index
        %get3A_620 = arith.constant 80 : index
        %get3A_621 = tpu.vector_load %arg21[%get3A_619, %get3A_620] {strides = array<i32>} : memref<64x128xf32, #tpu.memory_space<vmem>>, vector<16xf32>,
        %add3A_622 = arith.constant 32 : i32
        %add3A_623 = arith.addi %add3A_622, %scan3A_525 : i32
        %get3A_624 = arith.index_cast %add3A_623 : i32 to index
        %get3A_625 = arith.constant 80 : index
        %get3A_626 = tpu.vector_load %arg21[%get3A_624, %get3A_625] {strides = array<i32>} : memref<64x128xf32, #tpu.memory_space<vmem>>, vector<16xf32>,
        %add3A_627 = arith.addf %get3A_621, %get3A_626 : vector<16xf32>
        %mul3A_628 = arith.mulf %add3A_627, %gather3A_528 : vector<16xf32>
        %swap3A_629 = arith.index_cast %scan3A_525 : i32 to index
        %swap3A_630 = arith.constant 80 : index
        %swap3A_631 = tpu.vector_load %arg21[%swap3A_629, %swap3A_630] {strides = array<i32>} : memref<64x128xf32, #tpu.memory_space<vmem>>, vector<16xf32>,
        tpu.vector_store %arg21[%swap3A_629, %swap3A_630], %mul3A_628 {strides = array<i32>} : memref<64x128xf32, #tpu.memory_space<vmem>>, vector<16xf32>,
        %add3A_632 = arith.constant 32 : i32
        %add3A_633 = arith.addi %add3A_632, %scan3A_525 : i32
        %swap3A_634 = arith.index_cast %add3A_633 : i32 to index
        %swap3A_635 = arith.constant 80 : index
        %swap3A_636 = tpu.vector_load %arg21[%swap3A_634, %swap3A_635] {strides = array<i32>} : memref<64x128xf32, #tpu.memory_space<vmem>>, vector<16xf32>,
        tpu.vector_store %arg21[%swap3A_634, %swap3A_635], %broadcast_in_dim3A_2 {strides = array<i32>} : memref<64x128xf32, #tpu.memory_space<vmem>>, vector<16xf32>,
        %get3A_637 = arith.index_cast %scan3A_525 : i32 to index
        %get3A_638 = arith.constant 96 : index
        %get3A_639 = tpu.vector_load %arg21[%get3A_637, %get3A_638] {strides = array<i32>} : memref<64x128xf32, #tpu.memory_space<vmem>>, vector<16xf32>,
        %add3A_640 = arith.constant 32 : i32
        %add3A_641 = arith.addi %add3A_640, %scan3A_525 : i32
        %get3A_642 = arith.index_cast %add3A_641 : i32 to index
        %get3A_643 = arith.constant 96 : index
        %get3A_644 = tpu.vector_load %arg21[%get3A_642, %get3A_643] {strides = array<i32>} : memref<64x128xf32, #tpu.memory_space<vmem>>, vector<16xf32>,
        %add3A_645 = arith.addf %get3A_639, %get3A_644 : vector<16xf32>
        %mul3A_646 = arith.mulf %add3A_645, %gather3A_528 : vector<16xf32>
        %swap3A_647 = arith.index_cast %scan3A_525 : i32 to index
        %swap3A_648 = arith.constant 96 : index
        %swap3A_649 = tpu.vector_load %arg21[%swap3A_647, %swap3A_648] {strides = array<i32>} : memref<64x128xf32, #tpu.memory_space<vmem>>, vector<16xf32>,
        tpu.vector_store %arg21[%swap3A_647, %swap3A_648], %mul3A_646 {strides = array<i32>} : memref<64x128xf32, #tpu.memory_space<vmem>>, vector<16xf32>,
        %add3A_650 = arith.constant 32 : i32
        %add3A_651 = arith.addi %add3A_650, %scan3A_525 : i32
        %swap3A_652 = arith.index_cast %add3A_651 : i32 to index
        %swap3A_653 = arith.constant 96 : index
        %swap3A_654 = tpu.vector_load %arg21[%swap3A_652, %swap3A_653] {strides = array<i32>} : memref<64x128xf32, #tpu.memory_space<vmem>>, vector<16xf32>,
        tpu.vector_store %arg21[%swap3A_652, %swap3A_653], %broadcast_in_dim3A_2 {strides = array<i32>} : memref<64x128xf32, #tpu.memory_space<vmem>>, vector<16xf32>,
        %get3A_655 = arith.index_cast %scan3A_525 : i32 to index
        %get3A_656 = arith.constant 112 : index
        %get3A_657 = tpu.vector_load %arg21[%get3A_655, %get3A_656] {strides = array<i32>} : memref<64x128xf32, #tpu.memory_space<vmem>>, vector<16xf32>,
        %add3A_658 = arith.constant 32 : i32
        %add3A_659 = arith.addi %add3A_658, %scan3A_525 : i32
        %get3A_660 = arith.index_cast %add3A_659 : i32 to index
        %get3A_661 = arith.constant 112 : index
        %get3A_662 = tpu.vector_load %arg21[%get3A_660, %get3A_661] {strides = array<i32>} : memref<64x128xf32, #tpu.memory_space<vmem>>, vector<16xf32>,
        %add3A_663 = arith.addf %get3A_657, %get3A_662 : vector<16xf32>
        %mul3A_664 = arith.mulf %add3A_663, %gather3A_528 : vector<16xf32>
        %swap3A_665 = arith.index_cast %scan3A_525 : i32 to index
        %swap3A_666 = arith.constant 112 : index
        %swap3A_667 = tpu.vector_load %arg21[%swap3A_665, %swap3A_666] {strides = array<i32>} : memref<64x128xf32, #tpu.memory_space<vmem>>, vector<16xf32>,
        tpu.vector_store %arg21[%swap3A_665, %swap3A_666], %mul3A_664 {strides = array<i32>} : memref<64x128xf32, #tpu.memory_space<vmem>>, vector<16xf32>,
        %add3A_668 = arith.constant 32 : i32
        %add3A_669 = arith.addi %add3A_668, %scan3A_525 : i32
        %swap3A_670 = arith.index_cast %add3A_669 : i32 to index
        %swap3A_671 = arith.constant 112 : index
        %swap3A_672 = tpu.vector_load %arg21[%swap3A_670, %swap3A_671] {strides = array<i32>} : memref<64x128xf32, #tpu.memory_space<vmem>>, vector<16xf32>,
        tpu.vector_store %arg21[%swap3A_670, %swap3A_671], %broadcast_in_dim3A_2 {strides = array<i32>} : memref<64x128xf32, #tpu.memory_space<vmem>>, vector<16xf32>,
        %scan3A_673 = arith.constant 0 : i32
        %scan3A_674 = arith.constant 1 : i32
        %scan3A_675 = arith.addi %scan3A_525, %scan3A_674 : i32
        %broadcast_in_dim3A_676 = vector.broadcast %scan3A_675 : i32 to vector<16xi32>
        %gather3A_677 = tpu.vector_load_idx %arg17[%broadcast_in_dim3A_676] : memref<32xf32, #tpu.memory_space<vmem>>[vector<16xi32>], vector<16xf32>,
        %get3A_678 = arith.index_cast %scan3A_675 : i32 to index
        %get3A_679 = arith.constant 0 : index
        %get3A_680 = tpu.vector_load %arg21[%get3A_678, %get3A_679] {strides = array<i32>} : memref<64x128xf32, #tpu.memory_space<vmem>>, vector<16xf32>,
        %add3A_681 = arith.constant 32 : i32
        %add3A_682 = arith.addi %add3A_681, %scan3A_675 : i32
        %get3A_683 = arith.index_cast %add3A_682 : i32 to index
        %get3A_684 = arith.constant 0 : index
        %get3A_685 = tpu.vector_load %arg21[%get3A_683, %get3A_684] {strides = array<i32>} : memref<64x128xf32, #tpu.memory_space<vmem>>, vector<16xf32>,
        %add3A_686 = arith.addf %get3A_680, %get3A_685 : vector<16xf32>
        %mul3A_687 = arith.mulf %add3A_686, %gather3A_677 : vector<16xf32>
        %swap3A_688 = arith.index_cast %scan3A_675 : i32 to index
        %swap3A_689 = arith.constant 0 : index
        %swap3A_690 = tpu.vector_load %arg21[%swap3A_688, %swap3A_689] {strides = array<i32>} : memref<64x128xf32, #tpu.memory_space<vmem>>, vector<16xf32>,
        tpu.vector_store %arg21[%swap3A_688, %swap3A_689], %mul3A_687 {strides = array<i32>} : memref<64x128xf32, #tpu.memory_space<vmem>>, vector<16xf32>,
        %add3A_691 = arith.constant 32 : i32
        %add3A_692 = arith.addi %add3A_691, %scan3A_675 : i32
        %swap3A_693 = arith.index_cast %add3A_692 : i32 to index
        %swap3A_694 = arith.constant 0 : index
        %swap3A_695 = tpu.vector_load %arg21[%swap3A_693, %swap3A_694] {strides = array<i32>} : memref<64x128xf32, #tpu.memory_space<vmem>>, vector<16xf32>,
        tpu.vector_store %arg21[%swap3A_693, %swap3A_694], %broadcast_in_dim3A_2 {strides = array<i32>} : memref<64x128xf32, #tpu.memory_space<vmem>>, vector<16xf32>,
        %get3A_696 = arith.index_cast %scan3A_675 : i32 to index
        %get3A_697 = arith.constant 16 : index
        %get3A_698 = tpu.vector_load %arg21[%get3A_696, %get3A_697] {strides = array<i32>} : memref<64x128xf32, #tpu.memory_space<vmem>>, vector<16xf32>,
        %add3A_699 = arith.constant 32 : i32
        %add3A_700 = arith.addi %add3A_699, %scan3A_675 : i32
        %get3A_701 = arith.index_cast %add3A_700 : i32 to index
        %get3A_702 = arith.constant 16 : index
        %get3A_703 = tpu.vector_load %arg21[%get3A_701, %get3A_702] {strides = array<i32>} : memref<64x128xf32, #tpu.memory_space<vmem>>, vector<16xf32>,
        %add3A_704 = arith.addf %get3A_698, %get3A_703 : vector<16xf32>
        %mul3A_705 = arith.mulf %add3A_704, %gather3A_677 : vector<16xf32>
        %swap3A_706 = arith.index_cast %scan3A_675 : i32 to index
        %swap3A_707 = arith.constant 16 : index
        %swap3A_708 = tpu.vector_load %arg21[%swap3A_706, %swap3A_707] {strides = array<i32>} : memref<64x128xf32, #tpu.memory_space<vmem>>, vector<16xf32>,
        tpu.vector_store %arg21[%swap3A_706, %swap3A_707], %mul3A_705 {strides = array<i32>} : memref<64x128xf32, #tpu.memory_space<vmem>>, vector<16xf32>,
        %add3A_709 = arith.constant 32 : i32
        %add3A_710 = arith.addi %add3A_709, %scan3A_675 : i32
        %swap3A_711 = arith.index_cast %add3A_710 : i32 to index
        %swap3A_712 = arith.constant 16 : index
        %swap3A_713 = tpu.vector_load %arg21[%swap3A_711, %swap3A_712] {strides = array<i32>} : memref<64x128xf32, #tpu.memory_space<vmem>>, vector<16xf32>,
        tpu.vector_store %arg21[%swap3A_711, %swap3A_712], %broadcast_in_dim3A_2 {strides = array<i32>} : memref<64x128xf32, #tpu.memory_space<vmem>>, vector<16xf32>,
        %get3A_714 = arith.index_cast %scan3A_675 : i32 to index
        %get3A_715 = arith.constant 32 : index
        %get3A_716 = tpu.vector_load %arg21[%get3A_714, %get3A_715] {strides = array<i32>} : memref<64x128xf32, #tpu.memory_space<vmem>>, vector<16xf32>,
        %add3A_717 = arith.constant 32 : i32
        %add3A_718 = arith.addi %add3A_717, %scan3A_675 : i32
        %get3A_719 = arith.index_cast %add3A_718 : i32 to index
        %get3A_720 = arith.constant 32 : index
        %get3A_721 = tpu.vector_load %arg21[%get3A_719, %get3A_720] {strides = array<i32>} : memref<64x128xf32, #tpu.memory_space<vmem>>, vector<16xf32>,
        %add3A_722 = arith.addf %get3A_716, %get3A_721 : vector<16xf32>
        %mul3A_723 = arith.mulf %add3A_722, %gather3A_677 : vector<16xf32>
        %swap3A_724 = arith.index_cast %scan3A_675 : i32 to index
        %swap3A_725 = arith.constant 32 : index
        %swap3A_726 = tpu.vector_load %arg21[%swap3A_724, %swap3A_725] {strides = array<i32>} : memref<64x128xf32, #tpu.memory_space<vmem>>, vector<16xf32>,
        tpu.vector_store %arg21[%swap3A_724, %swap3A_725], %mul3A_723 {strides = array<i32>} : memref<64x128xf32, #tpu.memory_space<vmem>>, vector<16xf32>,
        %add3A_727 = arith.constant 32 : i32
        %add3A_728 = arith.addi %add3A_727, %scan3A_675 : i32
        %swap3A_729 = arith.index_cast %add3A_728 : i32 to index
        %swap3A_730 = arith.constant 32 : index
        %swap3A_731 = tpu.vector_load %arg21[%swap3A_729, %swap3A_730] {strides = array<i32>} : memref<64x128xf32, #tpu.memory_space<vmem>>, vector<16xf32>,
        tpu.vector_store %arg21[%swap3A_729, %swap3A_730], %broadcast_in_dim3A_2 {strides = array<i32>} : memref<64x128xf32, #tpu.memory_space<vmem>>, vector<16xf32>,
        %get3A_732 = arith.index_cast %scan3A_675 : i32 to index
        %get3A_733 = arith.constant 48 : index
        %get3A_734 = tpu.vector_load %arg21[%get3A_732, %get3A_733] {strides = array<i32>} : memref<64x128xf32, #tpu.memory_space<vmem>>, vector<16xf32>,
        %add3A_735 = arith.constant 32 : i32
        %add3A_736 = arith.addi %add3A_735, %scan3A_675 : i32
        %get3A_737 = arith.index_cast %add3A_736 : i32 to index
        %get3A_738 = arith.constant 48 : index
        %get3A_739 = tpu.vector_load %arg21[%get3A_737, %get3A_738] {strides = array<i32>} : memref<64x128xf32, #tpu.memory_space<vmem>>, vector<16xf32>,
        %add3A_740 = arith.addf %get3A_734, %get3A_739 : vector<16xf32>
        %mul3A_741 = arith.mulf %add3A_740, %gather3A_677 : vector<16xf32>
        %swap3A_742 = arith.index_cast %scan3A_675 : i32 to index
        %swap3A_743 = arith.constant 48 : index
        %swap3A_744 = tpu.vector_load %arg21[%swap3A_742, %swap3A_743] {strides = array<i32>} : memref<64x128xf32, #tpu.memory_space<vmem>>, vector<16xf32>,
        tpu.vector_store %arg21[%swap3A_742, %swap3A_743], %mul3A_741 {strides = array<i32>} : memref<64x128xf32, #tpu.memory_space<vmem>>, vector<16xf32>,
        %add3A_745 = arith.constant 32 : i32
        %add3A_746 = arith.addi %add3A_745, %scan3A_675 : i32
        %swap3A_747 = arith.index_cast %add3A_746 : i32 to index
        %swap3A_748 = arith.constant 48 : index
        %swap3A_749 = tpu.vector_load %arg21[%swap3A_747, %swap3A_748] {strides = array<i32>} : memref<64x128xf32, #tpu.memory_space<vmem>>, vector<16xf32>,
        tpu.vector_store %arg21[%swap3A_747, %swap3A_748], %broadcast_in_dim3A_2 {strides = array<i32>} : memref<64x128xf32, #tpu.memory_space<vmem>>, vector<16xf32>,
        %get3A_750 = arith.index_cast %scan3A_675 : i32 to index
        %get3A_751 = arith.constant 64 : index
        %get3A_752 = tpu.vector_load %arg21[%get3A_750, %get3A_751] {strides = array<i32>} : memref<64x128xf32, #tpu.memory_space<vmem>>, vector<16xf32>,
        %add3A_753 = arith.constant 32 : i32
        %add3A_754 = arith.addi %add3A_753, %scan3A_675 : i32
        %get3A_755 = arith.index_cast %add3A_754 : i32 to index
        %get3A_756 = arith.constant 64 : index
        %get3A_757 = tpu.vector_load %arg21[%get3A_755, %get3A_756] {strides = array<i32>} : memref<64x128xf32, #tpu.memory_space<vmem>>, vector<16xf32>,
        %add3A_758 = arith.addf %get3A_752, %get3A_757 : vector<16xf32>
        %mul3A_759 = arith.mulf %add3A_758, %gather3A_677 : vector<16xf32>
        %swap3A_760 = arith.index_cast %scan3A_675 : i32 to index
        %swap3A_761 = arith.constant 64 : index
        %swap3A_762 = tpu.vector_load %arg21[%swap3A_760, %swap3A_761] {strides = array<i32>} : memref<64x128xf32, #tpu.memory_space<vmem>>, vector<16xf32>,
        tpu.vector_store %arg21[%swap3A_760, %swap3A_761], %mul3A_759 {strides = array<i32>} : memref<64x128xf32, #tpu.memory_space<vmem>>, vector<16xf32>,
        %add3A_763 = arith.constant 32 : i32
        %add3A_764 = arith.addi %add3A_763, %scan3A_675 : i32
        %swap3A_765 = arith.index_cast %add3A_764 : i32 to index
        %swap3A_766 = arith.constant 64 : index
        %swap3A_767 = tpu.vector_load %arg21[%swap3A_765, %swap3A_766] {strides = array<i32>} : memref<64x128xf32, #tpu.memory_space<vmem>>, vector<16xf32>,
        tpu.vector_store %arg21[%swap3A_765, %swap3A_766], %broadcast_in_dim3A_2 {strides = array<i32>} : memref<64x128xf32, #tpu.memory_space<vmem>>, vector<16xf32>,
        %get3A_768 = arith.index_cast %scan3A_675 : i32 to index
        %get3A_769 = arith.constant 80 : index
        %get3A_770 = tpu.vector_load %arg21[%get3A_768, %get3A_769] {strides = array<i32>} : memref<64x128xf32, #tpu.memory_space<vmem>>, vector<16xf32>,
        %add3A_771 = arith.constant 32 : i32
        %add3A_772 = arith.addi %add3A_771, %scan3A_675 : i32
        %get3A_773 = arith.index_cast %add3A_772 : i32 to index
        %get3A_774 = arith.constant 80 : index
        %get3A_775 = tpu.vector_load %arg21[%get3A_773, %get3A_774] {strides = array<i32>} : memref<64x128xf32, #tpu.memory_space<vmem>>, vector<16xf32>,
        %add3A_776 = arith.addf %get3A_770, %get3A_775 : vector<16xf32>
        %mul3A_777 = arith.mulf %add3A_776, %gather3A_677 : vector<16xf32>
        %swap3A_778 = arith.index_cast %scan3A_675 : i32 to index
        %swap3A_779 = arith.constant 80 : index
        %swap3A_780 = tpu.vector_load %arg21[%swap3A_778, %swap3A_779] {strides = array<i32>} : memref<64x128xf32, #tpu.memory_space<vmem>>, vector<16xf32>,
        tpu.vector_store %arg21[%swap3A_778, %swap3A_779], %mul3A_777 {strides = array<i32>} : memref<64x128xf32, #tpu.memory_space<vmem>>, vector<16xf32>,
        %add3A_781 = arith.constant 32 : i32
        %add3A_782 = arith.addi %add3A_781, %scan3A_675 : i32
        %swap3A_783 = arith.index_cast %add3A_782 : i32 to index
        %swap3A_784 = arith.constant 80 : index
        %swap3A_785 = tpu.vector_load %arg21[%swap3A_783, %swap3A_784] {strides = array<i32>} : memref<64x128xf32, #tpu.memory_space<vmem>>, vector<16xf32>,
        tpu.vector_store %arg21[%swap3A_783, %swap3A_784], %broadcast_in_dim3A_2 {strides = array<i32>} : memref<64x128xf32, #tpu.memory_space<vmem>>, vector<16xf32>,
        %get3A_786 = arith.index_cast %scan3A_675 : i32 to index
        %get3A_787 = arith.constant 96 : index
        %get3A_788 = tpu.vector_load %arg21[%get3A_786, %get3A_787] {strides = array<i32>} : memref<64x128xf32, #tpu.memory_space<vmem>>, vector<16xf32>,
        %add3A_789 = arith.constant 32 : i32
        %add3A_790 = arith.addi %add3A_789, %scan3A_675 : i32
        %get3A_791 = arith.index_cast %add3A_790 : i32 to index
        %get3A_792 = arith.constant 96 : index
        %get3A_793 = tpu.vector_load %arg21[%get3A_791, %get3A_792] {strides = array<i32>} : memref<64x128xf32, #tpu.memory_space<vmem>>, vector<16xf32>,
        %add3A_794 = arith.addf %get3A_788, %get3A_793 : vector<16xf32>
        %mul3A_795 = arith.mulf %add3A_794, %gather3A_677 : vector<16xf32>
        %swap3A_796 = arith.index_cast %scan3A_675 : i32 to index
        %swap3A_797 = arith.constant 96 : index
        %swap3A_798 = tpu.vector_load %arg21[%swap3A_796, %swap3A_797] {strides = array<i32>} : memref<64x128xf32, #tpu.memory_space<vmem>>, vector<16xf32>,
        tpu.vector_store %arg21[%swap3A_796, %swap3A_797], %mul3A_795 {strides = array<i32>} : memref<64x128xf32, #tpu.memory_space<vmem>>, vector<16xf32>,
        %add3A_799 = arith.constant 32 : i32
        %add3A_800 = arith.addi %add3A_799, %scan3A_675 : i32
        %swap3A_801 = arith.index_cast %add3A_800 : i32 to index
        %swap3A_802 = arith.constant 96 : index
        %swap3A_803 = tpu.vector_load %arg21[%swap3A_801, %swap3A_802] {strides = array<i32>} : memref<64x128xf32, #tpu.memory_space<vmem>>, vector<16xf32>,
        tpu.vector_store %arg21[%swap3A_801, %swap3A_802], %broadcast_in_dim3A_2 {strides = array<i32>} : memref<64x128xf32, #tpu.memory_space<vmem>>, vector<16xf32>,
        %get3A_804 = arith.index_cast %scan3A_675 : i32 to index
        %get3A_805 = arith.constant 112 : index
        %get3A_806 = tpu.vector_load %arg21[%get3A_804, %get3A_805] {strides = array<i32>} : memref<64x128xf32, #tpu.memory_space<vmem>>, vector<16xf32>,
        %add3A_807 = arith.constant 32 : i32
        %add3A_808 = arith.addi %add3A_807, %scan3A_675 : i32
        %get3A_809 = arith.index_cast %add3A_808 : i32 to index
        %get3A_810 = arith.constant 112 : index
        %get3A_811 = tpu.vector_load %arg21[%get3A_809, %get3A_810] {strides = array<i32>} : memref<64x128xf32, #tpu.memory_space<vmem>>, vector<16xf32>,
        %add3A_812 = arith.addf %get3A_806, %get3A_811 : vector<16xf32>
        %mul3A_813 = arith.mulf %add3A_812, %gather3A_677 : vector<16xf32>
        %swap3A_814 = arith.index_cast %scan3A_675 : i32 to index
        %swap3A_815 = arith.constant 112 : index
        %swap3A_816 = tpu.vector_load %arg21[%swap3A_814, %swap3A_815] {strides = array<i32>} : memref<64x128xf32, #tpu.memory_space<vmem>>, vector<16xf32>,
        tpu.vector_store %arg21[%swap3A_814, %swap3A_815], %mul3A_813 {strides = array<i32>} : memref<64x128xf32, #tpu.memory_space<vmem>>, vector<16xf32>,
        %add3A_817 = arith.constant 32 : i32
        %add3A_818 = arith.addi %add3A_817, %scan3A_675 : i32
        %swap3A_819 = arith.index_cast %add3A_818 : i32 to index
        %swap3A_820 = arith.constant 112 : index
        %swap3A_821 = tpu.vector_load %arg21[%swap3A_819, %swap3A_820] {strides = array<i32>} : memref<64x128xf32, #tpu.memory_space<vmem>>, vector<16xf32>,
        tpu.vector_store %arg21[%swap3A_819, %swap3A_820], %broadcast_in_dim3A_2 {strides = array<i32>} : memref<64x128xf32, #tpu.memory_space<vmem>>, vector<16xf32>,
        %scan3A_822 = arith.constant 0 : i32
        %scan3A_823 = arith.constant 2 : i32
        %scan3A_824 = arith.addi %scan3A_525, %scan3A_823 : i32
        %broadcast_in_dim3A_825 = vector.broadcast %scan3A_824 : i32 to vector<16xi32>
        %gather3A_826 = tpu.vector_load_idx %arg17[%broadcast_in_dim3A_825] : memref<32xf32, #tpu.memory_space<vmem>>[vector<16xi32>], vector<16xf32>,
        %get3A_827 = arith.index_cast %scan3A_824 : i32 to index
        %get3A_828 = arith.constant 0 : index
        %get3A_829 = tpu.vector_load %arg21[%get3A_827, %get3A_828] {strides = array<i32>} : memref<64x128xf32, #tpu.memory_space<vmem>>, vector<16xf32>,
        %add3A_830 = arith.constant 32 : i32
        %add3A_831 = arith.addi %add3A_830, %scan3A_824 : i32
        %get3A_832 = arith.index_cast %add3A_831 : i32 to index
        %get3A_833 = arith.constant 0 : index
        %get3A_834 = tpu.vector_load %arg21[%get3A_832, %get3A_833] {strides = array<i32>} : memref<64x128xf32, #tpu.memory_space<vmem>>, vector<16xf32>,
        %add3A_835 = arith.addf %get3A_829, %get3A_834 : vector<16xf32>
        %mul3A_836 = arith.mulf %add3A_835, %gather3A_826 : vector<16xf32>
        %swap3A_837 = arith.index_cast %scan3A_824 : i32 to index
        %swap3A_838 = arith.constant 0 : index
        %swap3A_839 = tpu.vector_load %arg21[%swap3A_837, %swap3A_838] {strides = array<i32>} : memref<64x128xf32, #tpu.memory_space<vmem>>, vector<16xf32>,
        tpu.vector_store %arg21[%swap3A_837, %swap3A_838], %mul3A_836 {strides = array<i32>} : memref<64x128xf32, #tpu.memory_space<vmem>>, vector<16xf32>,
        %add3A_840 = arith.constant 32 : i32
        %add3A_841 = arith.addi %add3A_840, %scan3A_824 : i32
        %swap3A_842 = arith.index_cast %add3A_841 : i32 to index
        %swap3A_843 = arith.constant 0 : index
        %swap3A_844 = tpu.vector_load %arg21[%swap3A_842, %swap3A_843] {strides = array<i32>} : memref<64x128xf32, #tpu.memory_space<vmem>>, vector<16xf32>,
        tpu.vector_store %arg21[%swap3A_842, %swap3A_843], %broadcast_in_dim3A_2 {strides = array<i32>} : memref<64x128xf32, #tpu.memory_space<vmem>>, vector<16xf32>,
        %get3A_845 = arith.index_cast %scan3A_824 : i32 to index
        %get3A_846 = arith.constant 16 : index
        %get3A_847 = tpu.vector_load %arg21[%get3A_845, %get3A_846] {strides = array<i32>} : memref<64x128xf32, #tpu.memory_space<vmem>>, vector<16xf32>,
        %add3A_848 = arith.constant 32 : i32
        %add3A_849 = arith.addi %add3A_848, %scan3A_824 : i32
        %get3A_850 = arith.index_cast %add3A_849 : i32 to index
        %get3A_851 = arith.constant 16 : index
        %get3A_852 = tpu.vector_load %arg21[%get3A_850, %get3A_851] {strides = array<i32>} : memref<64x128xf32, #tpu.memory_space<vmem>>, vector<16xf32>,
        %add3A_853 = arith.addf %get3A_847, %get3A_852 : vector<16xf32>
        %mul3A_854 = arith.mulf %add3A_853, %gather3A_826 : vector<16xf32>
        %swap3A_855 = arith.index_cast %scan3A_824 : i32 to index
        %swap3A_856 = arith.constant 16 : index
        %swap3A_857 = tpu.vector_load %arg21[%swap3A_855, %swap3A_856] {strides = array<i32>} : memref<64x128xf32, #tpu.memory_space<vmem>>, vector<16xf32>,
        tpu.vector_store %arg21[%swap3A_855, %swap3A_856], %mul3A_854 {strides = array<i32>} : memref<64x128xf32, #tpu.memory_space<vmem>>, vector<16xf32>,
        %add3A_858 = arith.constant 32 : i32
        %add3A_859 = arith.addi %add3A_858, %scan3A_824 : i32
        %swap3A_860 = arith.index_cast %add3A_859 : i32 to index
        %swap3A_861 = arith.constant 16 : index
        %swap3A_862 = tpu.vector_load %arg21[%swap3A_860, %swap3A_861] {strides = array<i32>} : memref<64x128xf32, #tpu.memory_space<vmem>>, vector<16xf32>,
        tpu.vector_store %arg21[%swap3A_860, %swap3A_861], %broadcast_in_dim3A_2 {strides = array<i32>} : memref<64x128xf32, #tpu.memory_space<vmem>>, vector<16xf32>,
        %get3A_863 = arith.index_cast %scan3A_824 : i32 to index
        %get3A_864 = arith.constant 32 : index
        %get3A_865 = tpu.vector_load %arg21[%get3A_863, %get3A_864] {strides = array<i32>} : memref<64x128xf32, #tpu.memory_space<vmem>>, vector<16xf32>,
        %add3A_866 = arith.constant 32 : i32
        %add3A_867 = arith.addi %add3A_866, %scan3A_824 : i32
        %get3A_868 = arith.index_cast %add3A_867 : i32 to index
        %get3A_869 = arith.constant 32 : index
        %get3A_870 = tpu.vector_load %arg21[%get3A_868, %get3A_869] {strides = array<i32>} : memref<64x128xf32, #tpu.memory_space<vmem>>, vector<16xf32>,
        %add3A_871 = arith.addf %get3A_865, %get3A_870 : vector<16xf32>
        %mul3A_872 = arith.mulf %add3A_871, %gather3A_826 : vector<16xf32>
        %swap3A_873 = arith.index_cast %scan3A_824 : i32 to index
        %swap3A_874 = arith.constant 32 : index
        %swap3A_875 = tpu.vector_load %arg21[%swap3A_873, %swap3A_874] {strides = array<i32>} : memref<64x128xf32, #tpu.memory_space<vmem>>, vector<16xf32>,
        tpu.vector_store %arg21[%swap3A_873, %swap3A_874], %mul3A_872 {strides = array<i32>} : memref<64x128xf32, #tpu.memory_space<vmem>>, vector<16xf32>,
        %add3A_876 = arith.constant 32 : i32
        %add3A_877 = arith.addi %add3A_876, %scan3A_824 : i32
        %swap3A_878 = arith.index_cast %add3A_877 : i32 to index
        %swap3A_879 = arith.constant 32 : index
        %swap3A_880 = tpu.vector_load %arg21[%swap3A_878, %swap3A_879] {strides = array<i32>} : memref<64x128xf32, #tpu.memory_space<vmem>>, vector<16xf32>,
        tpu.vector_store %arg21[%swap3A_878, %swap3A_879], %broadcast_in_dim3A_2 {strides = array<i32>} : memref<64x128xf32, #tpu.memory_space<vmem>>, vector<16xf32>,
        %get3A_881 = arith.index_cast %scan3A_824 : i32 to index
        %get3A_882 = arith.constant 48 : index
        %get3A_883 = tpu.vector_load %arg21[%get3A_881, %get3A_882] {strides = array<i32>} : memref<64x128xf32, #tpu.memory_space<vmem>>, vector<16xf32>,
        %add3A_884 = arith.constant 32 : i32
        %add3A_885 = arith.addi %add3A_884, %scan3A_824 : i32
        %get3A_886 = arith.index_cast %add3A_885 : i32 to index
        %get3A_887 = arith.constant 48 : index
        %get3A_888 = tpu.vector_load %arg21[%get3A_886, %get3A_887] {strides = array<i32>} : memref<64x128xf32, #tpu.memory_space<vmem>>, vector<16xf32>,
        %add3A_889 = arith.addf %get3A_883, %get3A_888 : vector<16xf32>
        %mul3A_890 = arith.mulf %add3A_889, %gather3A_826 : vector<16xf32>
        %swap3A_891 = arith.index_cast %scan3A_824 : i32 to index
        %swap3A_892 = arith.constant 48 : index
        %swap3A_893 = tpu.vector_load %arg21[%swap3A_891, %swap3A_892] {strides = array<i32>} : memref<64x128xf32, #tpu.memory_space<vmem>>, vector<16xf32>,
        tpu.vector_store %arg21[%swap3A_891, %swap3A_892], %mul3A_890 {strides = array<i32>} : memref<64x128xf32, #tpu.memory_space<vmem>>, vector<16xf32>,
        %add3A_894 = arith.constant 32 : i32
        %add3A_895 = arith.addi %add3A_894, %scan3A_824 : i32
        %swap3A_896 = arith.index_cast %add3A_895 : i32 to index
        %swap3A_897 = arith.constant 48 : index
        %swap3A_898 = tpu.vector_load %arg21[%swap3A_896, %swap3A_897] {strides = array<i32>} : memref<64x128xf32, #tpu.memory_space<vmem>>, vector<16xf32>,
        tpu.vector_store %arg21[%swap3A_896, %swap3A_897], %broadcast_in_dim3A_2 {strides = array<i32>} : memref<64x128xf32, #tpu.memory_space<vmem>>, vector<16xf32>,
        %get3A_899 = arith.index_cast %scan3A_824 : i32 to index
        %get3A_900 = arith.constant 64 : index
        %get3A_901 = tpu.vector_load %arg21[%get3A_899, %get3A_900] {strides = array<i32>} : memref<64x128xf32, #tpu.memory_space<vmem>>, vector<16xf32>,
        %add3A_902 = arith.constant 32 : i32
        %add3A_903 = arith.addi %add3A_902, %scan3A_824 : i32
        %get3A_904 = arith.index_cast %add3A_903 : i32 to index
        %get3A_905 = arith.constant 64 : index
        %get3A_906 = tpu.vector_load %arg21[%get3A_904, %get3A_905] {strides = array<i32>} : memref<64x128xf32, #tpu.memory_space<vmem>>, vector<16xf32>,
        %add3A_907 = arith.addf %get3A_901, %get3A_906 : vector<16xf32>
        %mul3A_908 = arith.mulf %add3A_907, %gather3A_826 : vector<16xf32>
        %swap3A_909 = arith.index_cast %scan3A_824 : i32 to index
        %swap3A_910 = arith.constant 64 : index
        %swap3A_911 = tpu.vector_load %arg21[%swap3A_909, %swap3A_910] {strides = array<i32>} : memref<64x128xf32, #tpu.memory_space<vmem>>, vector<16xf32>,
        tpu.vector_store %arg21[%swap3A_909, %swap3A_910], %mul3A_908 {strides = array<i32>} : memref<64x128xf32, #tpu.memory_space<vmem>>, vector<16xf32>,
        %add3A_912 = arith.constant 32 : i32
        %add3A_913 = arith.addi %add3A_912, %scan3A_824 : i32
        %swap3A_914 = arith.index_cast %add3A_913 : i32 to index
        %swap3A_915 = arith.constant 64 : index
        %swap3A_916 = tpu.vector_load %arg21[%swap3A_914, %swap3A_915] {strides = array<i32>} : memref<64x128xf32, #tpu.memory_space<vmem>>, vector<16xf32>,
        tpu.vector_store %arg21[%swap3A_914, %swap3A_915], %broadcast_in_dim3A_2 {strides = array<i32>} : memref<64x128xf32, #tpu.memory_space<vmem>>, vector<16xf32>,
        %get3A_917 = arith.index_cast %scan3A_824 : i32 to index
        %get3A_918 = arith.constant 80 : index
        %get3A_919 = tpu.vector_load %arg21[%get3A_917, %get3A_918] {strides = array<i32>} : memref<64x128xf32, #tpu.memory_space<vmem>>, vector<16xf32>,
        %add3A_920 = arith.constant 32 : i32
        %add3A_921 = arith.addi %add3A_920, %scan3A_824 : i32
        %get3A_922 = arith.index_cast %add3A_921 : i32 to index
        %get3A_923 = arith.constant 80 : index
        %get3A_924 = tpu.vector_load %arg21[%get3A_922, %get3A_923] {strides = array<i32>} : memref<64x128xf32, #tpu.memory_space<vmem>>, vector<16xf32>,
        %add3A_925 = arith.addf %get3A_919, %get3A_924 : vector<16xf32>
        %mul3A_926 = arith.mulf %add3A_925, %gather3A_826 : vector<16xf32>
        %swap3A_927 = arith.index_cast %scan3A_824 : i32 to index
        %swap3A_928 = arith.constant 80 : index
        %swap3A_929 = tpu.vector_load %arg21[%swap3A_927, %swap3A_928] {strides = array<i32>} : memref<64x128xf32, #tpu.memory_space<vmem>>, vector<16xf32>,
        tpu.vector_store %arg21[%swap3A_927, %swap3A_928], %mul3A_926 {strides = array<i32>} : memref<64x128xf32, #tpu.memory_space<vmem>>, vector<16xf32>,
        %add3A_930 = arith.constant 32 : i32
        %add3A_931 = arith.addi %add3A_930, %scan3A_824 : i32
        %swap3A_932 = arith.index_cast %add3A_931 : i32 to index
        %swap3A_933 = arith.constant 80 : index
        %swap3A_934 = tpu.vector_load %arg21[%swap3A_932, %swap3A_933] {strides = array<i32>} : memref<64x128xf32, #tpu.memory_space<vmem>>, vector<16xf32>,
        tpu.vector_store %arg21[%swap3A_932, %swap3A_933], %broadcast_in_dim3A_2 {strides = array<i32>} : memref<64x128xf32, #tpu.memory_space<vmem>>, vector<16xf32>,
        %get3A_935 = arith.index_cast %scan3A_824 : i32 to index
        %get3A_936 = arith.constant 96 : index
        %get3A_937 = tpu.vector_load %arg21[%get3A_935, %get3A_936] {strides = array<i32>} : memref<64x128xf32, #tpu.memory_space<vmem>>, vector<16xf32>,
        %add3A_938 = arith.constant 32 : i32
        %add3A_939 = arith.addi %add3A_938, %scan3A_824 : i32
        %get3A_940 = arith.index_cast %add3A_939 : i32 to index
        %get3A_941 = arith.constant 96 : index
        %get3A_942 = tpu.vector_load %arg21[%get3A_940, %get3A_941] {strides = array<i32>} : memref<64x128xf32, #tpu.memory_space<vmem>>, vector<16xf32>,
        %add3A_943 = arith.addf %get3A_937, %get3A_942 : vector<16xf32>
        %mul3A_944 = arith.mulf %add3A_943, %gather3A_826 : vector<16xf32>
        %swap3A_945 = arith.index_cast %scan3A_824 : i32 to index
        %swap3A_946 = arith.constant 96 : index
        %swap3A_947 = tpu.vector_load %arg21[%swap3A_945, %swap3A_946] {strides = array<i32>} : memref<64x128xf32, #tpu.memory_space<vmem>>, vector<16xf32>,
        tpu.vector_store %arg21[%swap3A_945, %swap3A_946], %mul3A_944 {strides = array<i32>} : memref<64x128xf32, #tpu.memory_space<vmem>>, vector<16xf32>,
        %add3A_948 = arith.constant 32 : i32
        %add3A_949 = arith.addi %add3A_948, %scan3A_824 : i32
        %swap3A_950 = arith.index_cast %add3A_949 : i32 to index
        %swap3A_951 = arith.constant 96 : index
        %swap3A_952 = tpu.vector_load %arg21[%swap3A_950, %swap3A_951] {strides = array<i32>} : memref<64x128xf32, #tpu.memory_space<vmem>>, vector<16xf32>,
        tpu.vector_store %arg21[%swap3A_950, %swap3A_951], %broadcast_in_dim3A_2 {strides = array<i32>} : memref<64x128xf32, #tpu.memory_space<vmem>>, vector<16xf32>,
        %get3A_953 = arith.index_cast %scan3A_824 : i32 to index
        %get3A_954 = arith.constant 112 : index
        %get3A_955 = tpu.vector_load %arg21[%get3A_953, %get3A_954] {strides = array<i32>} : memref<64x128xf32, #tpu.memory_space<vmem>>, vector<16xf32>,
        %add3A_956 = arith.constant 32 : i32
        %add3A_957 = arith.addi %add3A_956, %scan3A_824 : i32
        %get3A_958 = arith.index_cast %add3A_957 : i32 to index
        %get3A_959 = arith.constant 112 : index
        %get3A_960 = tpu.vector_load %arg21[%get3A_958, %get3A_959] {strides = array<i32>} : memref<64x128xf32, #tpu.memory_space<vmem>>, vector<16xf32>,
        %add3A_961 = arith.addf %get3A_955, %get3A_960 : vector<16xf32>
        %mul3A_962 = arith.mulf %add3A_961, %gather3A_826 : vector<16xf32>
        %swap3A_963 = arith.index_cast %scan3A_824 : i32 to index
        %swap3A_964 = arith.constant 112 : index
        %swap3A_965 = tpu.vector_load %arg21[%swap3A_963, %swap3A_964] {strides = array<i32>} : memref<64x128xf32, #tpu.memory_space<vmem>>, vector<16xf32>,
        tpu.vector_store %arg21[%swap3A_963, %swap3A_964], %mul3A_962 {strides = array<i32>} : memref<64x128xf32, #tpu.memory_space<vmem>>, vector<16xf32>,
        %add3A_966 = arith.constant 32 : i32
        %add3A_967 = arith.addi %add3A_966, %scan3A_824 : i32
        %swap3A_968 = arith.index_cast %add3A_967 : i32 to index
        %swap3A_969 = arith.constant 112 : index
        %swap3A_970 = tpu.vector_load %arg21[%swap3A_968, %swap3A_969] {strides = array<i32>} : memref<64x128xf32, #tpu.memory_space<vmem>>, vector<16xf32>,
        tpu.vector_store %arg21[%swap3A_968, %swap3A_969], %broadcast_in_dim3A_2 {strides = array<i32>} : memref<64x128xf32, #tpu.memory_space<vmem>>, vector<16xf32>,
        %scan3A_971 = arith.constant 0 : i32
        %scan3A_972 = arith.constant 3 : i32
        %scan3A_973 = arith.addi %scan3A_525, %scan3A_972 : i32
        %broadcast_in_dim3A_974 = vector.broadcast %scan3A_973 : i32 to vector<16xi32>
        %gather3A_975 = tpu.vector_load_idx %arg17[%broadcast_in_dim3A_974] : memref<32xf32, #tpu.memory_space<vmem>>[vector<16xi32>], vector<16xf32>,
        %get3A_976 = arith.index_cast %scan3A_973 : i32 to index
        %get3A_977 = arith.constant 0 : index
        %get3A_978 = tpu.vector_load %arg21[%get3A_976, %get3A_977] {strides = array<i32>} : memref<64x128xf32, #tpu.memory_space<vmem>>, vector<16xf32>,
        %add3A_979 = arith.constant 32 : i32
        %add3A_980 = arith.addi %add3A_979, %scan3A_973 : i32
        %get3A_981 = arith.index_cast %add3A_980 : i32 to index
        %get3A_982 = arith.constant 0 : index
        %get3A_983 = tpu.vector_load %arg21[%get3A_981, %get3A_982] {strides = array<i32>} : memref<64x128xf32, #tpu.memory_space<vmem>>, vector<16xf32>,
        %add3A_984 = arith.addf %get3A_978, %get3A_983 : vector<16xf32>
        %mul3A_985 = arith.mulf %add3A_984, %gather3A_975 : vector<16xf32>
        %swap3A_986 = arith.index_cast %scan3A_973 : i32 to index
        %swap3A_987 = arith.constant 0 : index
        %swap3A_988 = tpu.vector_load %arg21[%swap3A_986, %swap3A_987] {strides = array<i32>} : memref<64x128xf32, #tpu.memory_space<vmem>>, vector<16xf32>,
        tpu.vector_store %arg21[%swap3A_986, %swap3A_987], %mul3A_985 {strides = array<i32>} : memref<64x128xf32, #tpu.memory_space<vmem>>, vector<16xf32>,
        %add3A_989 = arith.constant 32 : i32
        %add3A_990 = arith.addi %add3A_989, %scan3A_973 : i32
        %swap3A_991 = arith.index_cast %add3A_990 : i32 to index
        %swap3A_992 = arith.constant 0 : index
        %swap3A_993 = tpu.vector_load %arg21[%swap3A_991, %swap3A_992] {strides = array<i32>} : memref<64x128xf32, #tpu.memory_space<vmem>>, vector<16xf32>,
        tpu.vector_store %arg21[%swap3A_991, %swap3A_992], %broadcast_in_dim3A_2 {strides = array<i32>} : memref<64x128xf32, #tpu.memory_space<vmem>>, vector<16xf32>,
        %get3A_994 = arith.index_cast %scan3A_973 : i32 to index
        %get3A_995 = arith.constant 16 : index
        %get3A_996 = tpu.vector_load %arg21[%get3A_994, %get3A_995] {strides = array<i32>} : memref<64x128xf32, #tpu.memory_space<vmem>>, vector<16xf32>,
        %add3A_997 = arith.constant 32 : i32
        %add3A_998 = arith.addi %add3A_997, %scan3A_973 : i32
        %get3A_999 = arith.index_cast %add3A_998 : i32 to index
        %get3A_1000 = arith.constant 16 : index
        %get3A_1001 = tpu.vector_load %arg21[%get3A_999, %get3A_1000] {strides = array<i32>} : memref<64x128xf32, #tpu.memory_space<vmem>>, vector<16xf32>,
        %add3A_1002 = arith.addf %get3A_996, %get3A_1001 : vector<16xf32>
        %mul3A_1003 = arith.mulf %add3A_1002, %gather3A_975 : vector<16xf32>
        %swap3A_1004 = arith.index_cast %scan3A_973 : i32 to index
        %swap3A_1005 = arith.constant 16 : index
        %swap3A_1006 = tpu.vector_load %arg21[%swap3A_1004, %swap3A_1005] {strides = array<i32>} : memref<64x128xf32, #tpu.memory_space<vmem>>, vector<16xf32>,
        tpu.vector_store %arg21[%swap3A_1004, %swap3A_1005], %mul3A_1003 {strides = array<i32>} : memref<64x128xf32, #tpu.memory_space<vmem>>, vector<16xf32>,
        %add3A_1007 = arith.constant 32 : i32
        %add3A_1008 = arith.addi %add3A_1007, %scan3A_973 : i32
        %swap3A_1009 = arith.index_cast %add3A_1008 : i32 to index
        %swap3A_1010 = arith.constant 16 : index
        %swap3A_1011 = tpu.vector_load %arg21[%swap3A_1009, %swap3A_1010] {strides = array<i32>} : memref<64x128xf32, #tpu.memory_space<vmem>>, vector<16xf32>,
        tpu.vector_store %arg21[%swap3A_1009, %swap3A_1010], %broadcast_in_dim3A_2 {strides = array<i32>} : memref<64x128xf32, #tpu.memory_space<vmem>>, vector<16xf32>,
        %get3A_1012 = arith.index_cast %scan3A_973 : i32 to index
        %get3A_1013 = arith.constant 32 : index
        %get3A_1014 = tpu.vector_load %arg21[%get3A_1012, %get3A_1013] {strides = array<i32>} : memref<64x128xf32, #tpu.memory_space<vmem>>, vector<16xf32>,
        %add3A_1015 = arith.constant 32 : i32
        %add3A_1016 = arith.addi %add3A_1015, %scan3A_973 : i32
        %get3A_1017 = arith.index_cast %add3A_1016 : i32 to index
        %get3A_1018 = arith.constant 32 : index
        %get3A_1019 = tpu.vector_load %arg21[%get3A_1017, %get3A_1018] {strides = array<i32>} : memref<64x128xf32, #tpu.memory_space<vmem>>, vector<16xf32>,
        %add3A_1020 = arith.addf %get3A_1014, %get3A_1019 : vector<16xf32>
        %mul3A_1021 = arith.mulf %add3A_1020, %gather3A_975 : vector<16xf32>
        %swap3A_1022 = arith.index_cast %scan3A_973 : i32 to index
        %swap3A_1023 = arith.constant 32 : index
        %swap3A_1024 = tpu.vector_load %arg21[%swap3A_1022, %swap3A_1023] {strides = array<i32>} : memref<64x128xf32, #tpu.memory_space<vmem>>, vector<16xf32>,
        tpu.vector_store %arg21[%swap3A_1022, %swap3A_1023], %mul3A_1021 {strides = array<i32>} : memref<64x128xf32, #tpu.memory_space<vmem>>, vector<16xf32>,
        %add3A_1025 = arith.constant 32 : i32
        %add3A_1026 = arith.addi %add3A_1025, %scan3A_973 : i32
        %swap3A_1027 = arith.index_cast %add3A_1026 : i32 to index
        %swap3A_1028 = arith.constant 32 : index
        %swap3A_1029 = tpu.vector_load %arg21[%swap3A_1027, %swap3A_1028] {strides = array<i32>} : memref<64x128xf32, #tpu.memory_space<vmem>>, vector<16xf32>,
        tpu.vector_store %arg21[%swap3A_1027, %swap3A_1028], %broadcast_in_dim3A_2 {strides = array<i32>} : memref<64x128xf32, #tpu.memory_space<vmem>>, vector<16xf32>,
        %get3A_1030 = arith.index_cast %scan3A_973 : i32 to index
        %get3A_1031 = arith.constant 48 : index
        %get3A_1032 = tpu.vector_load %arg21[%get3A_1030, %get3A_1031] {strides = array<i32>} : memref<64x128xf32, #tpu.memory_space<vmem>>, vector<16xf32>,
        %add3A_1033 = arith.constant 32 : i32
        %add3A_1034 = arith.addi %add3A_1033, %scan3A_973 : i32
        %get3A_1035 = arith.index_cast %add3A_1034 : i32 to index
        %get3A_1036 = arith.constant 48 : index
        %get3A_1037 = tpu.vector_load %arg21[%get3A_1035, %get3A_1036] {strides = array<i32>} : memref<64x128xf32, #tpu.memory_space<vmem>>, vector<16xf32>,
        %add3A_1038 = arith.addf %get3A_1032, %get3A_1037 : vector<16xf32>
        %mul3A_1039 = arith.mulf %add3A_1038, %gather3A_975 : vector<16xf32>
        %swap3A_1040 = arith.index_cast %scan3A_973 : i32 to index
        %swap3A_1041 = arith.constant 48 : index
        %swap3A_1042 = tpu.vector_load %arg21[%swap3A_1040, %swap3A_1041] {strides = array<i32>} : memref<64x128xf32, #tpu.memory_space<vmem>>, vector<16xf32>,
        tpu.vector_store %arg21[%swap3A_1040, %swap3A_1041], %mul3A_1039 {strides = array<i32>} : memref<64x128xf32, #tpu.memory_space<vmem>>, vector<16xf32>,
        %add3A_1043 = arith.constant 32 : i32
        %add3A_1044 = arith.addi %add3A_1043, %scan3A_973 : i32
        %swap3A_1045 = arith.index_cast %add3A_1044 : i32 to index
        %swap3A_1046 = arith.constant 48 : index
        %swap3A_1047 = tpu.vector_load %arg21[%swap3A_1045, %swap3A_1046] {strides = array<i32>} : memref<64x128xf32, #tpu.memory_space<vmem>>, vector<16xf32>,
        tpu.vector_store %arg21[%swap3A_1045, %swap3A_1046], %broadcast_in_dim3A_2 {strides = array<i32>} : memref<64x128xf32, #tpu.memory_space<vmem>>, vector<16xf32>,
        %get3A_1048 = arith.index_cast %scan3A_973 : i32 to index
        %get3A_1049 = arith.constant 64 : index
        %get3A_1050 = tpu.vector_load %arg21[%get3A_1048, %get3A_1049] {strides = array<i32>} : memref<64x128xf32, #tpu.memory_space<vmem>>, vector<16xf32>,
        %add3A_1051 = arith.constant 32 : i32
        %add3A_1052 = arith.addi %add3A_1051, %scan3A_973 : i32
        %get3A_1053 = arith.index_cast %add3A_1052 : i32 to index
        %get3A_1054 = arith.constant 64 : index
        %get3A_1055 = tpu.vector_load %arg21[%get3A_1053, %get3A_1054] {strides = array<i32>} : memref<64x128xf32, #tpu.memory_space<vmem>>, vector<16xf32>,
        %add3A_1056 = arith.addf %get3A_1050, %get3A_1055 : vector<16xf32>
        %mul3A_1057 = arith.mulf %add3A_1056, %gather3A_975 : vector<16xf32>
        %swap3A_1058 = arith.index_cast %scan3A_973 : i32 to index
        %swap3A_1059 = arith.constant 64 : index
        %swap3A_1060 = tpu.vector_load %arg21[%swap3A_1058, %swap3A_1059] {strides = array<i32>} : memref<64x128xf32, #tpu.memory_space<vmem>>, vector<16xf32>,
        tpu.vector_store %arg21[%swap3A_1058, %swap3A_1059], %mul3A_1057 {strides = array<i32>} : memref<64x128xf32, #tpu.memory_space<vmem>>, vector<16xf32>,
        %add3A_1061 = arith.constant 32 : i32
        %add3A_1062 = arith.addi %add3A_1061, %scan3A_973 : i32
        %swap3A_1063 = arith.index_cast %add3A_1062 : i32 to index
        %swap3A_1064 = arith.constant 64 : index
        %swap3A_1065 = tpu.vector_load %arg21[%swap3A_1063, %swap3A_1064] {strides = array<i32>} : memref<64x128xf32, #tpu.memory_space<vmem>>, vector<16xf32>,
        tpu.vector_store %arg21[%swap3A_1063, %swap3A_1064], %broadcast_in_dim3A_2 {strides = array<i32>} : memref<64x128xf32, #tpu.memory_space<vmem>>, vector<16xf32>,
        %get3A_1066 = arith.index_cast %scan3A_973 : i32 to index
        %get3A_1067 = arith.constant 80 : index
        %get3A_1068 = tpu.vector_load %arg21[%get3A_1066, %get3A_1067] {strides = array<i32>} : memref<64x128xf32, #tpu.memory_space<vmem>>, vector<16xf32>,
        %add3A_1069 = arith.constant 32 : i32
        %add3A_1070 = arith.addi %add3A_1069, %scan3A_973 : i32
        %get3A_1071 = arith.index_cast %add3A_1070 : i32 to index
        %get3A_1072 = arith.constant 80 : index
        %get3A_1073 = tpu.vector_load %arg21[%get3A_1071, %get3A_1072] {strides = array<i32>} : memref<64x128xf32, #tpu.memory_space<vmem>>, vector<16xf32>,
        %add3A_1074 = arith.addf %get3A_1068, %get3A_1073 : vector<16xf32>
        %mul3A_1075 = arith.mulf %add3A_1074, %gather3A_975 : vector<16xf32>
        %swap3A_1076 = arith.index_cast %scan3A_973 : i32 to index
        %swap3A_1077 = arith.constant 80 : index
        %swap3A_1078 = tpu.vector_load %arg21[%swap3A_1076, %swap3A_1077] {strides = array<i32>} : memref<64x128xf32, #tpu.memory_space<vmem>>, vector<16xf32>,
        tpu.vector_store %arg21[%swap3A_1076, %swap3A_1077], %mul3A_1075 {strides = array<i32>} : memref<64x128xf32, #tpu.memory_space<vmem>>, vector<16xf32>,
        %add3A_1079 = arith.constant 32 : i32
        %add3A_1080 = arith.addi %add3A_1079, %scan3A_973 : i32
        %swap3A_1081 = arith.index_cast %add3A_1080 : i32 to index
        %swap3A_1082 = arith.constant 80 : index
        %swap3A_1083 = tpu.vector_load %arg21[%swap3A_1081, %swap3A_1082] {strides = array<i32>} : memref<64x128xf32, #tpu.memory_space<vmem>>, vector<16xf32>,
        tpu.vector_store %arg21[%swap3A_1081, %swap3A_1082], %broadcast_in_dim3A_2 {strides = array<i32>} : memref<64x128xf32, #tpu.memory_space<vmem>>, vector<16xf32>,
        %get3A_1084 = arith.index_cast %scan3A_973 : i32 to index
        %get3A_1085 = arith.constant 96 : index
        %get3A_1086 = tpu.vector_load %arg21[%get3A_1084, %get3A_1085] {strides = array<i32>} : memref<64x128xf32, #tpu.memory_space<vmem>>, vector<16xf32>,
        %add3A_1087 = arith.constant 32 : i32
        %add3A_1088 = arith.addi %add3A_1087, %scan3A_973 : i32
        %get3A_1089 = arith.index_cast %add3A_1088 : i32 to index
        %get3A_1090 = arith.constant 96 : index
        %get3A_1091 = tpu.vector_load %arg21[%get3A_1089, %get3A_1090] {strides = array<i32>} : memref<64x128xf32, #tpu.memory_space<vmem>>, vector<16xf32>,
        %add3A_1092 = arith.addf %get3A_1086, %get3A_1091 : vector<16xf32>
        %mul3A_1093 = arith.mulf %add3A_1092, %gather3A_975 : vector<16xf32>
        %swap3A_1094 = arith.index_cast %scan3A_973 : i32 to index
        %swap3A_1095 = arith.constant 96 : index
        %swap3A_1096 = tpu.vector_load %arg21[%swap3A_1094, %swap3A_1095] {strides = array<i32>} : memref<64x128xf32, #tpu.memory_space<vmem>>, vector<16xf32>,
        tpu.vector_store %arg21[%swap3A_1094, %swap3A_1095], %mul3A_1093 {strides = array<i32>} : memref<64x128xf32, #tpu.memory_space<vmem>>, vector<16xf32>,
        %add3A_1097 = arith.constant 32 : i32
        %add3A_1098 = arith.addi %add3A_1097, %scan3A_973 : i32
        %swap3A_1099 = arith.index_cast %add3A_1098 : i32 to index
        %swap3A_1100 = arith.constant 96 : index
        %swap3A_1101 = tpu.vector_load %arg21[%swap3A_1099, %swap3A_1100] {strides = array<i32>} : memref<64x128xf32, #tpu.memory_space<vmem>>, vector<16xf32>,
        tpu.vector_store %arg21[%swap3A_1099, %swap3A_1100], %broadcast_in_dim3A_2 {strides = array<i32>} : memref<64x128xf32, #tpu.memory_space<vmem>>, vector<16xf32>,
        %get3A_1102 = arith.index_cast %scan3A_973 : i32 to index
        %get3A_1103 = arith.constant 112 : index
        %get3A_1104 = tpu.vector_load %arg21[%get3A_1102, %get3A_1103] {strides = array<i32>} : memref<64x128xf32, #tpu.memory_space<vmem>>, vector<16xf32>,
        %add3A_1105 = arith.constant 32 : i32
        %add3A_1106 = arith.addi %add3A_1105, %scan3A_973 : i32
        %get3A_1107 = arith.index_cast %add3A_1106 : i32 to index
        %get3A_1108 = arith.constant 112 : index
        %get3A_1109 = tpu.vector_load %arg21[%get3A_1107, %get3A_1108] {strides = array<i32>} : memref<64x128xf32, #tpu.memory_space<vmem>>, vector<16xf32>,
        %add3A_1110 = arith.addf %get3A_1104, %get3A_1109 : vector<16xf32>
        %mul3A_1111 = arith.mulf %add3A_1110, %gather3A_975 : vector<16xf32>
        %swap3A_1112 = arith.index_cast %scan3A_973 : i32 to index
        %swap3A_1113 = arith.constant 112 : index
        %swap3A_1114 = tpu.vector_load %arg21[%swap3A_1112, %swap3A_1113] {strides = array<i32>} : memref<64x128xf32, #tpu.memory_space<vmem>>, vector<16xf32>,
        tpu.vector_store %arg21[%swap3A_1112, %swap3A_1113], %mul3A_1111 {strides = array<i32>} : memref<64x128xf32, #tpu.memory_space<vmem>>, vector<16xf32>,
        %add3A_1115 = arith.constant 32 : i32
        %add3A_1116 = arith.addi %add3A_1115, %scan3A_973 : i32
        %swap3A_1117 = arith.index_cast %add3A_1116 : i32 to index
        %swap3A_1118 = arith.constant 112 : index
        %swap3A_1119 = tpu.vector_load %arg21[%swap3A_1117, %swap3A_1118] {strides = array<i32>} : memref<64x128xf32, #tpu.memory_space<vmem>>, vector<16xf32>,
        tpu.vector_store %arg21[%swap3A_1117, %swap3A_1118], %broadcast_in_dim3A_2 {strides = array<i32>} : memref<64x128xf32, #tpu.memory_space<vmem>>, vector<16xf32>,
        %scan3A_1120 = arith.constant 0 : i32
        scf.yield %scan3A_1120 : i32
      }
      %scan3A_310 = arith.constant 32 : i32
      %get3A_311 = arith.constant 0 : index
      %get3A_312 = tpu.vector_load %arg13[%get3A_311] {strides = array<i32>} : memref<32xi32, #tpu.memory_space<vmem>>, vector<16xi32>,
      %and3A = arith.constant 127 : i32
      %and3A_313 = vector.broadcast %and3A : i32 to vector<16xi32>
      %and3A_314 = arith.andi %get3A_312, %and3A_313 : vector<16xi32>
      %add3A_315 = arith.constant 32 : i32
      %add3A_316 = vector.broadcast %add3A_315 : i32 to vector<16xi32>
      %add3A_317 = arith.addi %add3A_316, %iota3A : vector<16xi32>
      %get3A_318 = arith.constant 0 : index
      %get3A_319 = tpu.vector_load %arg17[%get3A_318] {strides = array<i32>} : memref<32xf32, #tpu.memory_space<vmem>>, vector<16xf32>,
      tpu.vector_store_idx %arg21[%add3A_317, %and3A_314], %get3A_319 : memref<64x128xf32, #tpu.memory_space<vmem>>[vector<16xi32>, vector<16xi32>], vector<16xf32>,
      %get3A_320 = arith.constant 16 : index
      %get3A_321 = tpu.vector_load %arg13[%get3A_320] {strides = array<i32>} : memref<32xi32, #tpu.memory_space<vmem>>, vector<16xi32>,
      %and3A_322 = arith.constant 127 : i32
      %and3A_323 = vector.broadcast %and3A_322 : i32 to vector<16xi32>
      %and3A_324 = arith.andi %get3A_321, %and3A_323 : vector<16xi32>
      %add3A_325 = arith.constant 48 : i32
      %add3A_326 = vector.broadcast %add3A_325 : i32 to vector<16xi32>
      %add3A_327 = arith.addi %add3A_326, %iota3A : vector<16xi32>
      %get3A_328 = arith.constant 16 : index
      %get3A_329 = tpu.vector_load %arg17[%get3A_328] {strides = array<i32>} : memref<32xf32, #tpu.memory_space<vmem>>, vector<16xf32>,
      tpu.vector_store_idx %arg21[%add3A_327, %and3A_324], %get3A_329 : memref<64x128xf32, #tpu.memory_space<vmem>>[vector<16xi32>, vector<16xi32>], vector<16xf32>,
      %dma_start3A_330 = arith.constant 0 : i32
      %dma_start3A_331 = arith.constant 0 : i32
      %dma_start3A_332 = tpu.memref_slice %arg21[%dma_start3A_330, %dma_start3A_331] : memref<64x128xf32, #tpu.memory_space<vmem>> -> memref<32x128xf32, #tpu.memory_space<vmem>>
      %dma_start3A_333 = arith.constant 0 : i32
      %dma_start3A_334 = arith.constant 0 : i32
      %dma_start3A_335 = tpu.memref_slice %arg23[%dma_start3A_333, %dma_start3A_334] : memref<10016x128xf32, #tpu.memory_space<vmem_shared>> -> memref<10016x128xf32, #tpu.memory_space<vmem_shared>>
      tpu.enqueue_indirect_dma source(%dma_start3A_332 : memref<32x128xf32, #tpu.memory_space<vmem>>) target(%dma_start3A_335 : memref<10016x128xf32, #tpu.memory_space<vmem_shared>>) offsets(%arg13 : memref<32xi32, #tpu.memory_space<vmem>>) semaphore(%arg27 : memref<!tpu.dma_semaphore, #tpu.memory_space<semaphore_mem>>) {add = true}
      %dma_start3A_336 = arith.constant 32 : i32
      %dma_start3A_337 = arith.constant 0 : i32
      %dma_start3A_338 = tpu.memref_slice %arg21[%dma_start3A_336, %dma_start3A_337] : memref<64x128xf32, #tpu.memory_space<vmem>> -> memref<32x128xf32, #tpu.memory_space<vmem>>
      %dma_start3A_339 = arith.constant 0 : i32
      %dma_start3A_340 = arith.constant 0 : i32
      %dma_start3A_341 = tpu.memref_slice %arg24[%dma_start3A_339, %dma_start3A_340] : memref<80x128xf32, #tpu.memory_space<vmem_shared>> -> memref<80x128xf32, #tpu.memory_space<vmem_shared>>
      tpu.enqueue_indirect_dma source(%dma_start3A_338 : memref<32x128xf32, #tpu.memory_space<vmem>>) target(%dma_start3A_341 : memref<80x128xf32, #tpu.memory_space<vmem_shared>>) offsets(%arg15 : memref<32xi32, #tpu.memory_space<vmem>>) semaphore(%arg29 : memref<!tpu.dma_semaphore, #tpu.memory_space<semaphore_mem>>) {add = true}
      %mul3A_342 = arith.constant 2 : i32
      %mul3A_343 = arith.muli %mul3A_342, %scan3A_178 : i32
      %add3A_344 = arith.constant 1 : i32
      %add3A_345 = arith.addi %mul3A_343, %add3A_344 : i32
      %add3A_346 = arith.constant 1 : i32
      %add3A_347 = arith.addi %add3A_345, %add3A_346 : i32
      %jit3A = arith.constant 2 : i32
      %div3A = arith.divsi %add3A_347, %jit3A : i32
      %sign3A = arith.constant 0 : i32
      %sign3A_348 = arith.cmpi sgt, %add3A_347, %sign3A : i32
      %sign3A_349 = arith.extui %sign3A_348 : i1 to i32
      %sign3A_350 = arith.constant 0 : i32
      %sign3A_351 = arith.cmpi slt, %add3A_347, %sign3A_350 : i32
      %sign3A_352 = arith.extui %sign3A_351 : i1 to i32
      %sign3A_353 = arith.subi %sign3A_349, %sign3A_352 : i32
      %sign3A_354 = arith.constant 0 : i32
      %sign3A_355 = arith.cmpi sgt, %jit3A, %sign3A_354 : i32
      %sign3A_356 = arith.extui %sign3A_355 : i1 to i32
      %sign3A_357 = arith.constant 0 : i32
      %sign3A_358 = arith.cmpi slt, %jit3A, %sign3A_357 : i32
      %sign3A_359 = arith.extui %sign3A_358 : i1 to i32
      %sign3A_360 = arith.subi %sign3A_356, %sign3A_359 : i32
      %ne3A = arith.cmpi ne, %sign3A_353, %sign3A_360 : i32
      %rem3A = arith.remsi %add3A_347, %jit3A : i32
      %ne3A_361 = arith.constant 0 : i32
      %ne3A_362 = arith.cmpi ne, %rem3A, %ne3A_361 : i32
      %and3A_363 = arith.andi %ne3A, %ne3A_362 : i1
      %sub3A = arith.constant 1 : i32
      %sub3A_364 = arith.subi %div3A, %sub3A : i32
      %select_n3A = arith.select %and3A_363, %sub3A_364, %div3A : i32
      "tpu.region"() ({
        %run_scoped3A_525 = tpu.sem_alloc : memref<!tpu.dma_semaphore, #tpu.memory_space<semaphore_mem>>
        %dma_start3A_526 = arith.constant 0 : i32
        %dma_start3A_527 = arith.constant 0 : i32
        %dma_start3A_528 = arith.constant 0 : i32
        %dma_start3A_529 = tpu.memref_slice %arg2[%arg1, %dma_start3A_526, %dma_start3A_527, %dma_start3A_528] : memref<16x161x3x64xi32, #tpu.memory_space<hbm>> -> memref<1x161x3x64xi32, #tpu.memory_space<hbm>>
        %dma_start3A_530 = tpu.memref_squeeze %dma_start3A_529 : memref<1x161x3x64xi32, #tpu.memory_space<hbm>> -> memref<161x3x64xi32, #tpu.memory_space<hbm>>
        %dma_start3A_531 = arith.constant 0 : i32
        %dma_start3A_532 = arith.constant 0 : i32
        %dma_start3A_533 = tpu.memref_slice %dma_start3A_530[%select_n3A, %dma_start3A_531, %dma_start3A_532] : memref<161x3x64xi32, #tpu.memory_space<hbm>> -> memref<1x3x64xi32, #tpu.memory_space<hbm>>
        %dma_start3A_534 = tpu.memref_squeeze %dma_start3A_533 : memref<1x3x64xi32, #tpu.memory_space<hbm>> -> memref<3x64xi32, #tpu.memory_space<hbm>>
        %dma_start3A_535 = arith.constant 0 : i32
        %dma_start3A_536 = arith.constant 0 : i32
        %dma_start3A_537 = arith.constant 0 : i32
        %dma_start3A_538 = tpu.memref_slice %arg2[%arg1, %dma_start3A_535, %dma_start3A_536, %dma_start3A_537] : memref<16x161x3x64xi32, #tpu.memory_space<hbm>> -> memref<1x161x3x64xi32, #tpu.memory_space<hbm>>
        %dma_start3A_539 = tpu.memref_squeeze %dma_start3A_538 : memref<1x161x3x64xi32, #tpu.memory_space<hbm>> -> memref<161x3x64xi32, #tpu.memory_space<hbm>>
        %dma_start3A_540 = arith.constant 0 : i32
        %dma_start3A_541 = arith.constant 0 : i32
        %dma_start3A_542 = tpu.memref_slice %dma_start3A_539[%select_n3A, %dma_start3A_540, %dma_start3A_541] : memref<161x3x64xi32, #tpu.memory_space<hbm>> -> memref<1x3x64xi32, #tpu.memory_space<hbm>>
        %dma_start3A_543 = tpu.memref_squeeze %dma_start3A_542 : memref<1x3x64xi32, #tpu.memory_space<hbm>> -> memref<3x64xi32, #tpu.memory_space<hbm>>
        tpu.enqueue_dma source(%dma_start3A_543 : memref<3x64xi32, #tpu.memory_space<hbm>>) target(%arg12 : memref<3x64xi32, #tpu.memory_space<vmem>>) target_semaphore(%run_scoped3A_525 : memref<!tpu.dma_semaphore, #tpu.memory_space<semaphore_mem>>)
        %dma_wait3A_544 = arith.constant 0 : i32
        %dma_wait3A_545 = arith.constant 0 : i32
        %dma_wait3A_546 = arith.constant 0 : i32
        %dma_wait3A_547 = tpu.memref_slice %arg2[%arg1, %dma_wait3A_544, %dma_wait3A_545, %dma_wait3A_546] : memref<16x161x3x64xi32, #tpu.memory_space<hbm>> -> memref<1x161x3x64xi32, #tpu.memory_space<hbm>>
        %dma_wait3A_548 = tpu.memref_squeeze %dma_wait3A_547 : memref<1x161x3x64xi32, #tpu.memory_space<hbm>> -> memref<161x3x64xi32, #tpu.memory_space<hbm>>
        %dma_wait3A_549 = arith.constant 0 : i32
        %dma_wait3A_550 = arith.constant 0 : i32
        %dma_wait3A_551 = tpu.memref_slice %dma_wait3A_548[%select_n3A, %dma_wait3A_549, %dma_wait3A_550] : memref<161x3x64xi32, #tpu.memory_space<hbm>> -> memref<1x3x64xi32, #tpu.memory_space<hbm>>
        %dma_wait3A_552 = tpu.memref_squeeze %dma_wait3A_551 : memref<1x3x64xi32, #tpu.memory_space<hbm>> -> memref<3x64xi32, #tpu.memory_space<hbm>>
        %dma_wait3A_553 = arith.constant 0 : i32
        %dma_wait3A_554 = arith.constant 0 : i32
        %dma_wait3A_555 = arith.constant 0 : i32
        %dma_wait3A_556 = tpu.memref_slice %arg2[%arg1, %dma_wait3A_553, %dma_wait3A_554, %dma_wait3A_555] : memref<16x161x3x64xi32, #tpu.memory_space<hbm>> -> memref<1x161x3x64xi32, #tpu.memory_space<hbm>>
        %dma_wait3A_557 = tpu.memref_squeeze %dma_wait3A_556 : memref<1x161x3x64xi32, #tpu.memory_space<hbm>> -> memref<161x3x64xi32, #tpu.memory_space<hbm>>
        %dma_wait3A_558 = arith.constant 0 : i32
        %dma_wait3A_559 = arith.constant 0 : i32
        %dma_wait3A_560 = tpu.memref_slice %dma_wait3A_557[%select_n3A, %dma_wait3A_558, %dma_wait3A_559] : memref<161x3x64xi32, #tpu.memory_space<hbm>> -> memref<1x3x64xi32, #tpu.memory_space<hbm>>
        %dma_wait3A_561 = tpu.memref_squeeze %dma_wait3A_560 : memref<1x3x64xi32, #tpu.memory_space<hbm>> -> memref<3x64xi32, #tpu.memory_space<hbm>>
        tpu.wait_dma2 semaphore(%run_scoped3A_525 : memref<!tpu.dma_semaphore, #tpu.memory_space<semaphore_mem>>) src(%dma_wait3A_561 : memref<3x64xi32, #tpu.memory_space<hbm>>) dst(%arg12 : memref<3x64xi32, #tpu.memory_space<vmem>>)
        tpu.yield
      }) : () -> ()
      %get3A_365 = arith.constant 0 : i32
      %get3A_366 = arith.index_cast %get3A_365 : i32 to index
      %get3A_367 = arith.constant 0 : index
      %get3A_368 = tpu.vector_load %arg12[%get3A_366, %get3A_367] {strides = array<i32>} : memref<3x64xi32, #tpu.memory_space<vmem>>, vector<16xi32>,
      %get3A_369 = arith.constant 1 : i32
      %get3A_370 = arith.index_cast %get3A_369 : i32 to index
      %get3A_371 = arith.constant 0 : index
      %get3A_372 = tpu.vector_load %arg12[%get3A_370, %get3A_371] {strides = array<i32>} : memref<3x64xi32, #tpu.memory_space<vmem>>, vector<16xi32>,
      %get3A_373 = arith.constant 2 : i32
      %get3A_374 = arith.index_cast %get3A_373 : i32 to index
      %get3A_375 = arith.constant 0 : index
      %get3A_376 = tpu.vector_load %arg12[%get3A_374, %get3A_375] {strides = array<i32>} : memref<3x64xi32, #tpu.memory_space<vmem>>, vector<16xi32>,
      %gather3A_377 = tpu.vector_load_idx %arg9[%get3A_368] : memref<10016xf32, #tpu.memory_space<vmem>>[vector<16xi32>], vector<16xf32>,
      %gather3A_378 = tpu.vector_load_idx %arg10[%get3A_372] : memref<10016xf32, #tpu.memory_space<vmem>>[vector<16xi32>], vector<16xf32>,
      %add3A_379 = arith.addf %gather3A_377, %gather3A_378 : vector<16xf32>
      %gather3A_380 = tpu.vector_load_idx %arg11[%get3A_376] : memref<10016xf32, #tpu.memory_space<vmem>>[vector<16xi32>], vector<16xf32>,
      %add3A_381 = arith.addf %add3A_379, %gather3A_380 : vector<16xf32>
      %mul3A_382 = arith.constant 0.00999999977 : f32
      %mul3A_383 = vector.broadcast %mul3A_382 : f32 to vector<16xf32>
      %mul3A_384 = arith.mulf %mul3A_383, %add3A_381 : vector<16xf32>
      %max3A_385 = arith.maximumf %add3A_381, %mul3A_384 : vector<16xf32>
      %exp3A_386 = math.exp %max3A_385 : vector<16xf32>
      %swap3A_387 = arith.constant 0 : index
      %swap3A_388 = tpu.vector_load %arg17[%swap3A_387] {strides = array<i32>} : memref<32xf32, #tpu.memory_space<vmem>>, vector<16xf32>,
      tpu.vector_store %arg17[%swap3A_387], %exp3A_386 {strides = array<i32>} : memref<32xf32, #tpu.memory_space<vmem>>, vector<16xf32>,
      %mul3A_389 = arith.constant 2 : i32
      %mul3A_390 = vector.broadcast %mul3A_389 : i32 to vector<16xi32>
      %mul3A_391 = arith.muli %get3A_372, %mul3A_390 : vector<16xi32>
      %add3A_392 = vector.broadcast %arg0 : i32 to vector<16xi32>
      %add3A_393 = arith.addi %mul3A_391, %add3A_392 : vector<16xi32>
      %swap3A_394 = arith.constant 0 : index
      %swap3A_395 = tpu.vector_load %arg19[%swap3A_394] {strides = array<i32>} : memref<64xi32, #tpu.memory_space<vmem>>, vector<16xi32>,
      tpu.vector_store %arg19[%swap3A_394], %add3A_393 {strides = array<i32>} : memref<64xi32, #tpu.memory_space<vmem>>, vector<16xi32>,
      %mul3A_396 = arith.constant 2 : i32
      %mul3A_397 = vector.broadcast %mul3A_396 : i32 to vector<16xi32>
      %mul3A_398 = arith.muli %get3A_376, %mul3A_397 : vector<16xi32>
      %add3A_399 = arith.constant 20480 : i32
      %add3A_400 = arith.addi %add3A_399, %arg0 : i32
      %add3A_401 = vector.broadcast %add3A_400 : i32 to vector<16xi32>
      %add3A_402 = arith.addi %mul3A_398, %add3A_401 : vector<16xi32>
      %swap3A_403 = arith.constant 32 : index
      %swap3A_404 = tpu.vector_load %arg19[%swap3A_403] {strides = array<i32>} : memref<64xi32, #tpu.memory_space<vmem>>, vector<16xi32>,
      tpu.vector_store %arg19[%swap3A_403], %add3A_402 {strides = array<i32>} : memref<64xi32, #tpu.memory_space<vmem>>, vector<16xi32>,
      %get3A_405 = arith.constant 0 : i32
      %get3A_406 = arith.index_cast %get3A_405 : i32 to index
      %get3A_407 = arith.constant 16 : index
      %get3A_408 = tpu.vector_load %arg12[%get3A_406, %get3A_407] {strides = array<i32>} : memref<3x64xi32, #tpu.memory_space<vmem>>, vector<16xi32>,
      %get3A_409 = arith.constant 1 : i32
      %get3A_410 = arith.index_cast %get3A_409 : i32 to index
      %get3A_411 = arith.constant 16 : index
      %get3A_412 = tpu.vector_load %arg12[%get3A_410, %get3A_411] {strides = array<i32>} : memref<3x64xi32, #tpu.memory_space<vmem>>, vector<16xi32>,
      %get3A_413 = arith.constant 2 : i32
      %get3A_414 = arith.index_cast %get3A_413 : i32 to index
      %get3A_415 = arith.constant 16 : index
      %get3A_416 = tpu.vector_load %arg12[%get3A_414, %get3A_415] {strides = array<i32>} : memref<3x64xi32, #tpu.memory_space<vmem>>, vector<16xi32>,
      %gather3A_417 = tpu.vector_load_idx %arg9[%get3A_408] : memref<10016xf32, #tpu.memory_space<vmem>>[vector<16xi32>], vector<16xf32>,
      %gather3A_418 = tpu.vector_load_idx %arg10[%get3A_412] : memref<10016xf32, #tpu.memory_space<vmem>>[vector<16xi32>], vector<16xf32>,
      %add3A_419 = arith.addf %gather3A_417, %gather3A_418 : vector<16xf32>
      %gather3A_420 = tpu.vector_load_idx %arg11[%get3A_416] : memref<10016xf32, #tpu.memory_space<vmem>>[vector<16xi32>], vector<16xf32>,
      %add3A_421 = arith.addf %add3A_419, %gather3A_420 : vector<16xf32>
      %mul3A_422 = arith.constant 0.00999999977 : f32
      %mul3A_423 = vector.broadcast %mul3A_422 : f32 to vector<16xf32>
      %mul3A_424 = arith.mulf %mul3A_423, %add3A_421 : vector<16xf32>
      %max3A_425 = arith.maximumf %add3A_421, %mul3A_424 : vector<16xf32>
      %exp3A_426 = math.exp %max3A_425 : vector<16xf32>
      %swap3A_427 = arith.constant 16 : index
      %swap3A_428 = tpu.vector_load %arg17[%swap3A_427] {strides = array<i32>} : memref<32xf32, #tpu.memory_space<vmem>>, vector<16xf32>,
      tpu.vector_store %arg17[%swap3A_427], %exp3A_426 {strides = array<i32>} : memref<32xf32, #tpu.memory_space<vmem>>, vector<16xf32>,
      %mul3A_429 = arith.constant 2 : i32
      %mul3A_430 = vector.broadcast %mul3A_429 : i32 to vector<16xi32>
      %mul3A_431 = arith.muli %get3A_412, %mul3A_430 : vector<16xi32>
      %add3A_432 = vector.broadcast %arg0 : i32 to vector<16xi32>
      %add3A_433 = arith.addi %mul3A_431, %add3A_432 : vector<16xi32>
      %swap3A_434 = arith.constant 16 : index
      %swap3A_435 = tpu.vector_load %arg19[%swap3A_434] {strides = array<i32>} : memref<64xi32, #tpu.memory_space<vmem>>, vector<16xi32>,
      tpu.vector_store %arg19[%swap3A_434], %add3A_433 {strides = array<i32>} : memref<64xi32, #tpu.memory_space<vmem>>, vector<16xi32>,
      %mul3A_436 = arith.constant 2 : i32
      %mul3A_437 = vector.broadcast %mul3A_436 : i32 to vector<16xi32>
      %mul3A_438 = arith.muli %get3A_416, %mul3A_437 : vector<16xi32>
      %add3A_439 = arith.constant 20480 : i32
      %add3A_440 = arith.addi %add3A_439, %arg0 : i32
      %add3A_441 = vector.broadcast %add3A_440 : i32 to vector<16xi32>
      %add3A_442 = arith.addi %mul3A_438, %add3A_441 : vector<16xi32>
      %swap3A_443 = arith.constant 48 : index
      %swap3A_444 = tpu.vector_load %arg19[%swap3A_443] {strides = array<i32>} : memref<64xi32, #tpu.memory_space<vmem>>, vector<16xi32>,
      tpu.vector_store %arg19[%swap3A_443], %add3A_442 {strides = array<i32>} : memref<64xi32, #tpu.memory_space<vmem>>, vector<16xi32>,
      %dma_wait3A_445 = arith.constant 0 : i32
      %dma_wait3A_446 = arith.constant 0 : i32
      %dma_wait3A_447 = tpu.memref_slice %arg21[%dma_wait3A_445, %dma_wait3A_446] : memref<64x128xf32, #tpu.memory_space<vmem>> -> memref<32x128xf32, #tpu.memory_space<vmem>>
      %dma_wait3A_448 = arith.constant 0 : i32
      %dma_wait3A_449 = arith.constant 0 : i32
      %dma_wait3A_450 = tpu.memref_slice %arg23[%dma_wait3A_448, %dma_wait3A_449] : memref<10016x128xf32, #tpu.memory_space<vmem_shared>> -> memref<10016x128xf32, #tpu.memory_space<vmem_shared>>
      tpu.wait_indirect_dma semaphore(%arg27 : memref<!tpu.dma_semaphore, #tpu.memory_space<semaphore_mem>>) src(%dma_wait3A_447 : memref<32x128xf32, #tpu.memory_space<vmem>>) dst(%dma_wait3A_450 : memref<10016x128xf32, #tpu.memory_space<vmem_shared>>)
      %dma_wait3A_451 = arith.constant 32 : i32
      %dma_wait3A_452 = arith.constant 0 : i32
      %dma_wait3A_453 = tpu.memref_slice %arg21[%dma_wait3A_451, %dma_wait3A_452] : memref<64x128xf32, #tpu.memory_space<vmem>> -> memref<32x128xf32, #tpu.memory_space<vmem>>
      %dma_wait3A_454 = arith.constant 0 : i32
      %dma_wait3A_455 = arith.constant 0 : i32
      %dma_wait3A_456 = tpu.memref_slice %arg24[%dma_wait3A_454, %dma_wait3A_455] : memref<80x128xf32, #tpu.memory_space<vmem_shared>> -> memref<80x128xf32, #tpu.memory_space<vmem_shared>>
      tpu.wait_indirect_dma semaphore(%arg29 : memref<!tpu.dma_semaphore, #tpu.memory_space<semaphore_mem>>) src(%dma_wait3A_453 : memref<32x128xf32, #tpu.memory_space<vmem>>) dst(%dma_wait3A_456 : memref<80x128xf32, #tpu.memory_space<vmem_shared>>)
      %get3A_457 = arith.constant 0 : i32
      %get3A_458 = arith.index_cast %get3A_457 : i32 to index
      %get3A_459 = arith.constant 0 : index
      %get3A_460 = tpu.vector_load %arg12[%get3A_458, %get3A_459] {strides = array<i32>} : memref<3x64xi32, #tpu.memory_space<vmem>>, vector<16xi32>,
      %swap3A_461 = arith.constant 0 : index
      %swap3A_462 = tpu.vector_load %arg13[%swap3A_461] {strides = array<i32>} : memref<32xi32, #tpu.memory_space<vmem>>, vector<16xi32>,
      tpu.vector_store %arg13[%swap3A_461], %get3A_460 {strides = array<i32>} : memref<32xi32, #tpu.memory_space<vmem>>, vector<16xi32>,
      %shift_right_logical3A_463 = arith.constant 7 : i32
      %shift_right_logical3A_464 = vector.broadcast %shift_right_logical3A_463 : i32 to vector<16xi32>
      %shift_right_logical3A_465 = arith.shrui %get3A_460, %shift_right_logical3A_464 : vector<16xi32>
      %swap3A_466 = arith.constant 0 : index
      %swap3A_467 = tpu.vector_load %arg15[%swap3A_466] {strides = array<i32>} : memref<32xi32, #tpu.memory_space<vmem>>, vector<16xi32>,
      tpu.vector_store %arg15[%swap3A_466], %shift_right_logical3A_465 {strides = array<i32>} : memref<32xi32, #tpu.memory_space<vmem>>, vector<16xi32>,
      %get3A_468 = arith.constant 0 : i32
      %get3A_469 = arith.index_cast %get3A_468 : i32 to index
      %get3A_470 = arith.constant 16 : index
      %get3A_471 = tpu.vector_load %arg12[%get3A_469, %get3A_470] {strides = array<i32>} : memref<3x64xi32, #tpu.memory_space<vmem>>, vector<16xi32>,
      %swap3A_472 = arith.constant 16 : index
      %swap3A_473 = tpu.vector_load %arg13[%swap3A_472] {strides = array<i32>} : memref<32xi32, #tpu.memory_space<vmem>>, vector<16xi32>,
      tpu.vector_store %arg13[%swap3A_472], %get3A_471 {strides = array<i32>} : memref<32xi32, #tpu.memory_space<vmem>>, vector<16xi32>,
      %shift_right_logical3A_474 = arith.constant 7 : i32
      %shift_right_logical3A_475 = vector.broadcast %shift_right_logical3A_474 : i32 to vector<16xi32>
      %shift_right_logical3A_476 = arith.shrui %get3A_471, %shift_right_logical3A_475 : vector<16xi32>
      %swap3A_477 = arith.constant 16 : index
      %swap3A_478 = tpu.vector_load %arg15[%swap3A_477] {strides = array<i32>} : memref<32xi32, #tpu.memory_space<vmem>>, vector<16xi32>,
      tpu.vector_store %arg15[%swap3A_477], %shift_right_logical3A_476 {strides = array<i32>} : memref<32xi32, #tpu.memory_space<vmem>>, vector<16xi32>,
      %dma_start3A_479 = arith.constant 0 : i32
      %dma_start3A_480 = arith.constant 0 : i32
      %dma_start3A_481 = tpu.memref_slice %arg6[%dma_start3A_479, %dma_start3A_480] : memref<40960x128xf32, #tpu.memory_space<hbm>> -> memref<40960x128xf32, #tpu.memory_space<hbm>>
      tpu.enqueue_indirect_dma source(%dma_start3A_481 : memref<40960x128xf32, #tpu.memory_space<hbm>>) target(%arg21 : memref<64x128xf32, #tpu.memory_space<vmem>>) offsets(%arg19 : memref<64xi32, #tpu.memory_space<vmem>>) semaphore(%arg25 : memref<!tpu.dma_semaphore, #tpu.memory_space<semaphore_mem>>)
      %dma_wait3A_482 = arith.constant 0 : i32
      %dma_wait3A_483 = arith.constant 0 : i32
      %dma_wait3A_484 = tpu.memref_slice %arg6[%dma_wait3A_482, %dma_wait3A_483] : memref<40960x128xf32, #tpu.memory_space<hbm>> -> memref<40960x128xf32, #tpu.memory_space<hbm>>
      tpu.wait_indirect_dma semaphore(%arg26 : memref<!tpu.dma_semaphore, #tpu.memory_space<semaphore_mem>>) src(%dma_wait3A_484 : memref<40960x128xf32, #tpu.memory_space<hbm>>) dst(%arg22 : memref<64x128xf32, #tpu.memory_space<vmem>>)
      %scan3A_485 = arith.constant 0 : i32
      %scan3A_486 = arith.constant 0 : i32
      %scan3A_487 = arith.constant 32 : i32
      %scan3A_488 = arith.addi %scan3A_486, %scan3A_487 : i32
      %scan3A_489 = arith.constant 4 : i32
      %scan3A_490 = scf.for %scan3A_525 = %scan3A_486 to %scan3A_488 step %scan3A_489 iter_args(%scan3A_526 = %scan3A_485) -> (i32)  : i32 {
        %broadcast_in_dim3A_527 = vector.broadcast %scan3A_525 : i32 to vector<16xi32>
        %gather3A_528 = tpu.vector_load_idx %arg18[%broadcast_in_dim3A_527] : memref<32xf32, #tpu.memory_space<vmem>>[vector<16xi32>], vector<16xf32>,
        %get3A_529 = arith.index_cast %scan3A_525 : i32 to index
        %get3A_530 = arith.constant 0 : index
        %get3A_531 = tpu.vector_load %arg22[%get3A_529, %get3A_530] {strides = array<i32>} : memref<64x128xf32, #tpu.memory_space<vmem>>, vector<16xf32>,
        %add3A_532 = arith.constant 32 : i32
        %add3A_533 = arith.addi %add3A_532, %scan3A_525 : i32
        %get3A_534 = arith.index_cast %add3A_533 : i32 to index
        %get3A_535 = arith.constant 0 : index
        %get3A_536 = tpu.vector_load %arg22[%get3A_534, %get3A_535] {strides = array<i32>} : memref<64x128xf32, #tpu.memory_space<vmem>>, vector<16xf32>,
        %add3A_537 = arith.addf %get3A_531, %get3A_536 : vector<16xf32>
        %mul3A_538 = arith.mulf %add3A_537, %gather3A_528 : vector<16xf32>
        %swap3A_539 = arith.index_cast %scan3A_525 : i32 to index
        %swap3A_540 = arith.constant 0 : index
        %swap3A_541 = tpu.vector_load %arg22[%swap3A_539, %swap3A_540] {strides = array<i32>} : memref<64x128xf32, #tpu.memory_space<vmem>>, vector<16xf32>,
        tpu.vector_store %arg22[%swap3A_539, %swap3A_540], %mul3A_538 {strides = array<i32>} : memref<64x128xf32, #tpu.memory_space<vmem>>, vector<16xf32>,
        %add3A_542 = arith.constant 32 : i32
        %add3A_543 = arith.addi %add3A_542, %scan3A_525 : i32
        %swap3A_544 = arith.index_cast %add3A_543 : i32 to index
        %swap3A_545 = arith.constant 0 : index
        %swap3A_546 = tpu.vector_load %arg22[%swap3A_544, %swap3A_545] {strides = array<i32>} : memref<64x128xf32, #tpu.memory_space<vmem>>, vector<16xf32>,
        tpu.vector_store %arg22[%swap3A_544, %swap3A_545], %broadcast_in_dim3A_2 {strides = array<i32>} : memref<64x128xf32, #tpu.memory_space<vmem>>, vector<16xf32>,
        %get3A_547 = arith.index_cast %scan3A_525 : i32 to index
        %get3A_548 = arith.constant 16 : index
        %get3A_549 = tpu.vector_load %arg22[%get3A_547, %get3A_548] {strides = array<i32>} : memref<64x128xf32, #tpu.memory_space<vmem>>, vector<16xf32>,
        %add3A_550 = arith.constant 32 : i32
        %add3A_551 = arith.addi %add3A_550, %scan3A_525 : i32
        %get3A_552 = arith.index_cast %add3A_551 : i32 to index
        %get3A_553 = arith.constant 16 : index
        %get3A_554 = tpu.vector_load %arg22[%get3A_552, %get3A_553] {strides = array<i32>} : memref<64x128xf32, #tpu.memory_space<vmem>>, vector<16xf32>,
        %add3A_555 = arith.addf %get3A_549, %get3A_554 : vector<16xf32>
        %mul3A_556 = arith.mulf %add3A_555, %gather3A_528 : vector<16xf32>
        %swap3A_557 = arith.index_cast %scan3A_525 : i32 to index
        %swap3A_558 = arith.constant 16 : index
        %swap3A_559 = tpu.vector_load %arg22[%swap3A_557, %swap3A_558] {strides = array<i32>} : memref<64x128xf32, #tpu.memory_space<vmem>>, vector<16xf32>,
        tpu.vector_store %arg22[%swap3A_557, %swap3A_558], %mul3A_556 {strides = array<i32>} : memref<64x128xf32, #tpu.memory_space<vmem>>, vector<16xf32>,
        %add3A_560 = arith.constant 32 : i32
        %add3A_561 = arith.addi %add3A_560, %scan3A_525 : i32
        %swap3A_562 = arith.index_cast %add3A_561 : i32 to index
        %swap3A_563 = arith.constant 16 : index
        %swap3A_564 = tpu.vector_load %arg22[%swap3A_562, %swap3A_563] {strides = array<i32>} : memref<64x128xf32, #tpu.memory_space<vmem>>, vector<16xf32>,
        tpu.vector_store %arg22[%swap3A_562, %swap3A_563], %broadcast_in_dim3A_2 {strides = array<i32>} : memref<64x128xf32, #tpu.memory_space<vmem>>, vector<16xf32>,
        %get3A_565 = arith.index_cast %scan3A_525 : i32 to index
        %get3A_566 = arith.constant 32 : index
        %get3A_567 = tpu.vector_load %arg22[%get3A_565, %get3A_566] {strides = array<i32>} : memref<64x128xf32, #tpu.memory_space<vmem>>, vector<16xf32>,
        %add3A_568 = arith.constant 32 : i32
        %add3A_569 = arith.addi %add3A_568, %scan3A_525 : i32
        %get3A_570 = arith.index_cast %add3A_569 : i32 to index
        %get3A_571 = arith.constant 32 : index
        %get3A_572 = tpu.vector_load %arg22[%get3A_570, %get3A_571] {strides = array<i32>} : memref<64x128xf32, #tpu.memory_space<vmem>>, vector<16xf32>,
        %add3A_573 = arith.addf %get3A_567, %get3A_572 : vector<16xf32>
        %mul3A_574 = arith.mulf %add3A_573, %gather3A_528 : vector<16xf32>
        %swap3A_575 = arith.index_cast %scan3A_525 : i32 to index
        %swap3A_576 = arith.constant 32 : index
        %swap3A_577 = tpu.vector_load %arg22[%swap3A_575, %swap3A_576] {strides = array<i32>} : memref<64x128xf32, #tpu.memory_space<vmem>>, vector<16xf32>,
        tpu.vector_store %arg22[%swap3A_575, %swap3A_576], %mul3A_574 {strides = array<i32>} : memref<64x128xf32, #tpu.memory_space<vmem>>, vector<16xf32>,
        %add3A_578 = arith.constant 32 : i32
        %add3A_579 = arith.addi %add3A_578, %scan3A_525 : i32
        %swap3A_580 = arith.index_cast %add3A_579 : i32 to index
        %swap3A_581 = arith.constant 32 : index
        %swap3A_582 = tpu.vector_load %arg22[%swap3A_580, %swap3A_581] {strides = array<i32>} : memref<64x128xf32, #tpu.memory_space<vmem>>, vector<16xf32>,
        tpu.vector_store %arg22[%swap3A_580, %swap3A_581], %broadcast_in_dim3A_2 {strides = array<i32>} : memref<64x128xf32, #tpu.memory_space<vmem>>, vector<16xf32>,
        %get3A_583 = arith.index_cast %scan3A_525 : i32 to index
        %get3A_584 = arith.constant 48 : index
        %get3A_585 = tpu.vector_load %arg22[%get3A_583, %get3A_584] {strides = array<i32>} : memref<64x128xf32, #tpu.memory_space<vmem>>, vector<16xf32>,
        %add3A_586 = arith.constant 32 : i32
        %add3A_587 = arith.addi %add3A_586, %scan3A_525 : i32
        %get3A_588 = arith.index_cast %add3A_587 : i32 to index
        %get3A_589 = arith.constant 48 : index
        %get3A_590 = tpu.vector_load %arg22[%get3A_588, %get3A_589] {strides = array<i32>} : memref<64x128xf32, #tpu.memory_space<vmem>>, vector<16xf32>,
        %add3A_591 = arith.addf %get3A_585, %get3A_590 : vector<16xf32>
        %mul3A_592 = arith.mulf %add3A_591, %gather3A_528 : vector<16xf32>
        %swap3A_593 = arith.index_cast %scan3A_525 : i32 to index
        %swap3A_594 = arith.constant 48 : index
        %swap3A_595 = tpu.vector_load %arg22[%swap3A_593, %swap3A_594] {strides = array<i32>} : memref<64x128xf32, #tpu.memory_space<vmem>>, vector<16xf32>,
        tpu.vector_store %arg22[%swap3A_593, %swap3A_594], %mul3A_592 {strides = array<i32>} : memref<64x128xf32, #tpu.memory_space<vmem>>, vector<16xf32>,
        %add3A_596 = arith.constant 32 : i32
        %add3A_597 = arith.addi %add3A_596, %scan3A_525 : i32
        %swap3A_598 = arith.index_cast %add3A_597 : i32 to index
        %swap3A_599 = arith.constant 48 : index
        %swap3A_600 = tpu.vector_load %arg22[%swap3A_598, %swap3A_599] {strides = array<i32>} : memref<64x128xf32, #tpu.memory_space<vmem>>, vector<16xf32>,
        tpu.vector_store %arg22[%swap3A_598, %swap3A_599], %broadcast_in_dim3A_2 {strides = array<i32>} : memref<64x128xf32, #tpu.memory_space<vmem>>, vector<16xf32>,
        %get3A_601 = arith.index_cast %scan3A_525 : i32 to index
        %get3A_602 = arith.constant 64 : index
        %get3A_603 = tpu.vector_load %arg22[%get3A_601, %get3A_602] {strides = array<i32>} : memref<64x128xf32, #tpu.memory_space<vmem>>, vector<16xf32>,
        %add3A_604 = arith.constant 32 : i32
        %add3A_605 = arith.addi %add3A_604, %scan3A_525 : i32
        %get3A_606 = arith.index_cast %add3A_605 : i32 to index
        %get3A_607 = arith.constant 64 : index
        %get3A_608 = tpu.vector_load %arg22[%get3A_606, %get3A_607] {strides = array<i32>} : memref<64x128xf32, #tpu.memory_space<vmem>>, vector<16xf32>,
        %add3A_609 = arith.addf %get3A_603, %get3A_608 : vector<16xf32>
        %mul3A_610 = arith.mulf %add3A_609, %gather3A_528 : vector<16xf32>
        %swap3A_611 = arith.index_cast %scan3A_525 : i32 to index
        %swap3A_612 = arith.constant 64 : index
        %swap3A_613 = tpu.vector_load %arg22[%swap3A_611, %swap3A_612] {strides = array<i32>} : memref<64x128xf32, #tpu.memory_space<vmem>>, vector<16xf32>,
        tpu.vector_store %arg22[%swap3A_611, %swap3A_612], %mul3A_610 {strides = array<i32>} : memref<64x128xf32, #tpu.memory_space<vmem>>, vector<16xf32>,
        %add3A_614 = arith.constant 32 : i32
        %add3A_615 = arith.addi %add3A_614, %scan3A_525 : i32
        %swap3A_616 = arith.index_cast %add3A_615 : i32 to index
        %swap3A_617 = arith.constant 64 : index
        %swap3A_618 = tpu.vector_load %arg22[%swap3A_616, %swap3A_617] {strides = array<i32>} : memref<64x128xf32, #tpu.memory_space<vmem>>, vector<16xf32>,
        tpu.vector_store %arg22[%swap3A_616, %swap3A_617], %broadcast_in_dim3A_2 {strides = array<i32>} : memref<64x128xf32, #tpu.memory_space<vmem>>, vector<16xf32>,
        %get3A_619 = arith.index_cast %scan3A_525 : i32 to index
        %get3A_620 = arith.constant 80 : index
        %get3A_621 = tpu.vector_load %arg22[%get3A_619, %get3A_620] {strides = array<i32>} : memref<64x128xf32, #tpu.memory_space<vmem>>, vector<16xf32>,
        %add3A_622 = arith.constant 32 : i32
        %add3A_623 = arith.addi %add3A_622, %scan3A_525 : i32
        %get3A_624 = arith.index_cast %add3A_623 : i32 to index
        %get3A_625 = arith.constant 80 : index
        %get3A_626 = tpu.vector_load %arg22[%get3A_624, %get3A_625] {strides = array<i32>} : memref<64x128xf32, #tpu.memory_space<vmem>>, vector<16xf32>,
        %add3A_627 = arith.addf %get3A_621, %get3A_626 : vector<16xf32>
        %mul3A_628 = arith.mulf %add3A_627, %gather3A_528 : vector<16xf32>
        %swap3A_629 = arith.index_cast %scan3A_525 : i32 to index
        %swap3A_630 = arith.constant 80 : index
        %swap3A_631 = tpu.vector_load %arg22[%swap3A_629, %swap3A_630] {strides = array<i32>} : memref<64x128xf32, #tpu.memory_space<vmem>>, vector<16xf32>,
        tpu.vector_store %arg22[%swap3A_629, %swap3A_630], %mul3A_628 {strides = array<i32>} : memref<64x128xf32, #tpu.memory_space<vmem>>, vector<16xf32>,
        %add3A_632 = arith.constant 32 : i32
        %add3A_633 = arith.addi %add3A_632, %scan3A_525 : i32
        %swap3A_634 = arith.index_cast %add3A_633 : i32 to index
        %swap3A_635 = arith.constant 80 : index
        %swap3A_636 = tpu.vector_load %arg22[%swap3A_634, %swap3A_635] {strides = array<i32>} : memref<64x128xf32, #tpu.memory_space<vmem>>, vector<16xf32>,
        tpu.vector_store %arg22[%swap3A_634, %swap3A_635], %broadcast_in_dim3A_2 {strides = array<i32>} : memref<64x128xf32, #tpu.memory_space<vmem>>, vector<16xf32>,
        %get3A_637 = arith.index_cast %scan3A_525 : i32 to index
        %get3A_638 = arith.constant 96 : index
        %get3A_639 = tpu.vector_load %arg22[%get3A_637, %get3A_638] {strides = array<i32>} : memref<64x128xf32, #tpu.memory_space<vmem>>, vector<16xf32>,
        %add3A_640 = arith.constant 32 : i32
        %add3A_641 = arith.addi %add3A_640, %scan3A_525 : i32
        %get3A_642 = arith.index_cast %add3A_641 : i32 to index
        %get3A_643 = arith.constant 96 : index
        %get3A_644 = tpu.vector_load %arg22[%get3A_642, %get3A_643] {strides = array<i32>} : memref<64x128xf32, #tpu.memory_space<vmem>>, vector<16xf32>,
        %add3A_645 = arith.addf %get3A_639, %get3A_644 : vector<16xf32>
        %mul3A_646 = arith.mulf %add3A_645, %gather3A_528 : vector<16xf32>
        %swap3A_647 = arith.index_cast %scan3A_525 : i32 to index
        %swap3A_648 = arith.constant 96 : index
        %swap3A_649 = tpu.vector_load %arg22[%swap3A_647, %swap3A_648] {strides = array<i32>} : memref<64x128xf32, #tpu.memory_space<vmem>>, vector<16xf32>,
        tpu.vector_store %arg22[%swap3A_647, %swap3A_648], %mul3A_646 {strides = array<i32>} : memref<64x128xf32, #tpu.memory_space<vmem>>, vector<16xf32>,
        %add3A_650 = arith.constant 32 : i32
        %add3A_651 = arith.addi %add3A_650, %scan3A_525 : i32
        %swap3A_652 = arith.index_cast %add3A_651 : i32 to index
        %swap3A_653 = arith.constant 96 : index
        %swap3A_654 = tpu.vector_load %arg22[%swap3A_652, %swap3A_653] {strides = array<i32>} : memref<64x128xf32, #tpu.memory_space<vmem>>, vector<16xf32>,
        tpu.vector_store %arg22[%swap3A_652, %swap3A_653], %broadcast_in_dim3A_2 {strides = array<i32>} : memref<64x128xf32, #tpu.memory_space<vmem>>, vector<16xf32>,
        %get3A_655 = arith.index_cast %scan3A_525 : i32 to index
        %get3A_656 = arith.constant 112 : index
        %get3A_657 = tpu.vector_load %arg22[%get3A_655, %get3A_656] {strides = array<i32>} : memref<64x128xf32, #tpu.memory_space<vmem>>, vector<16xf32>,
        %add3A_658 = arith.constant 32 : i32
        %add3A_659 = arith.addi %add3A_658, %scan3A_525 : i32
        %get3A_660 = arith.index_cast %add3A_659 : i32 to index
        %get3A_661 = arith.constant 112 : index
        %get3A_662 = tpu.vector_load %arg22[%get3A_660, %get3A_661] {strides = array<i32>} : memref<64x128xf32, #tpu.memory_space<vmem>>, vector<16xf32>,
        %add3A_663 = arith.addf %get3A_657, %get3A_662 : vector<16xf32>
        %mul3A_664 = arith.mulf %add3A_663, %gather3A_528 : vector<16xf32>
        %swap3A_665 = arith.index_cast %scan3A_525 : i32 to index
        %swap3A_666 = arith.constant 112 : index
        %swap3A_667 = tpu.vector_load %arg22[%swap3A_665, %swap3A_666] {strides = array<i32>} : memref<64x128xf32, #tpu.memory_space<vmem>>, vector<16xf32>,
        tpu.vector_store %arg22[%swap3A_665, %swap3A_666], %mul3A_664 {strides = array<i32>} : memref<64x128xf32, #tpu.memory_space<vmem>>, vector<16xf32>,
        %add3A_668 = arith.constant 32 : i32
        %add3A_669 = arith.addi %add3A_668, %scan3A_525 : i32
        %swap3A_670 = arith.index_cast %add3A_669 : i32 to index
        %swap3A_671 = arith.constant 112 : index
        %swap3A_672 = tpu.vector_load %arg22[%swap3A_670, %swap3A_671] {strides = array<i32>} : memref<64x128xf32, #tpu.memory_space<vmem>>, vector<16xf32>,
        tpu.vector_store %arg22[%swap3A_670, %swap3A_671], %broadcast_in_dim3A_2 {strides = array<i32>} : memref<64x128xf32, #tpu.memory_space<vmem>>, vector<16xf32>,
        %scan3A_673 = arith.constant 0 : i32
        %scan3A_674 = arith.constant 1 : i32
        %scan3A_675 = arith.addi %scan3A_525, %scan3A_674 : i32
        %broadcast_in_dim3A_676 = vector.broadcast %scan3A_675 : i32 to vector<16xi32>
        %gather3A_677 = tpu.vector_load_idx %arg18[%broadcast_in_dim3A_676] : memref<32xf32, #tpu.memory_space<vmem>>[vector<16xi32>], vector<16xf32>,
        %get3A_678 = arith.index_cast %scan3A_675 : i32 to index
        %get3A_679 = arith.constant 0 : index
        %get3A_680 = tpu.vector_load %arg22[%get3A_678, %get3A_679] {strides = array<i32>} : memref<64x128xf32, #tpu.memory_space<vmem>>, vector<16xf32>,
        %add3A_681 = arith.constant 32 : i32
        %add3A_682 = arith.addi %add3A_681, %scan3A_675 : i32
        %get3A_683 = arith.index_cast %add3A_682 : i32 to index
        %get3A_684 = arith.constant 0 : index
        %get3A_685 = tpu.vector_load %arg22[%get3A_683, %get3A_684] {strides = array<i32>} : memref<64x128xf32, #tpu.memory_space<vmem>>, vector<16xf32>,
        %add3A_686 = arith.addf %get3A_680, %get3A_685 : vector<16xf32>
        %mul3A_687 = arith.mulf %add3A_686, %gather3A_677 : vector<16xf32>
        %swap3A_688 = arith.index_cast %scan3A_675 : i32 to index
        %swap3A_689 = arith.constant 0 : index
        %swap3A_690 = tpu.vector_load %arg22[%swap3A_688, %swap3A_689] {strides = array<i32>} : memref<64x128xf32, #tpu.memory_space<vmem>>, vector<16xf32>,
        tpu.vector_store %arg22[%swap3A_688, %swap3A_689], %mul3A_687 {strides = array<i32>} : memref<64x128xf32, #tpu.memory_space<vmem>>, vector<16xf32>,
        %add3A_691 = arith.constant 32 : i32
        %add3A_692 = arith.addi %add3A_691, %scan3A_675 : i32
        %swap3A_693 = arith.index_cast %add3A_692 : i32 to index
        %swap3A_694 = arith.constant 0 : index
        %swap3A_695 = tpu.vector_load %arg22[%swap3A_693, %swap3A_694] {strides = array<i32>} : memref<64x128xf32, #tpu.memory_space<vmem>>, vector<16xf32>,
        tpu.vector_store %arg22[%swap3A_693, %swap3A_694], %broadcast_in_dim3A_2 {strides = array<i32>} : memref<64x128xf32, #tpu.memory_space<vmem>>, vector<16xf32>,
        %get3A_696 = arith.index_cast %scan3A_675 : i32 to index
        %get3A_697 = arith.constant 16 : index
        %get3A_698 = tpu.vector_load %arg22[%get3A_696, %get3A_697] {strides = array<i32>} : memref<64x128xf32, #tpu.memory_space<vmem>>, vector<16xf32>,
        %add3A_699 = arith.constant 32 : i32
        %add3A_700 = arith.addi %add3A_699, %scan3A_675 : i32
        %get3A_701 = arith.index_cast %add3A_700 : i32 to index
        %get3A_702 = arith.constant 16 : index
        %get3A_703 = tpu.vector_load %arg22[%get3A_701, %get3A_702] {strides = array<i32>} : memref<64x128xf32, #tpu.memory_space<vmem>>, vector<16xf32>,
        %add3A_704 = arith.addf %get3A_698, %get3A_703 : vector<16xf32>
        %mul3A_705 = arith.mulf %add3A_704, %gather3A_677 : vector<16xf32>
        %swap3A_706 = arith.index_cast %scan3A_675 : i32 to index
        %swap3A_707 = arith.constant 16 : index
        %swap3A_708 = tpu.vector_load %arg22[%swap3A_706, %swap3A_707] {strides = array<i32>} : memref<64x128xf32, #tpu.memory_space<vmem>>, vector<16xf32>,
        tpu.vector_store %arg22[%swap3A_706, %swap3A_707], %mul3A_705 {strides = array<i32>} : memref<64x128xf32, #tpu.memory_space<vmem>>, vector<16xf32>,
        %add3A_709 = arith.constant 32 : i32
        %add3A_710 = arith.addi %add3A_709, %scan3A_675 : i32
        %swap3A_711 = arith.index_cast %add3A_710 : i32 to index
        %swap3A_712 = arith.constant 16 : index
        %swap3A_713 = tpu.vector_load %arg22[%swap3A_711, %swap3A_712] {strides = array<i32>} : memref<64x128xf32, #tpu.memory_space<vmem>>, vector<16xf32>,
        tpu.vector_store %arg22[%swap3A_711, %swap3A_712], %broadcast_in_dim3A_2 {strides = array<i32>} : memref<64x128xf32, #tpu.memory_space<vmem>>, vector<16xf32>,
        %get3A_714 = arith.index_cast %scan3A_675 : i32 to index
        %get3A_715 = arith.constant 32 : index
        %get3A_716 = tpu.vector_load %arg22[%get3A_714, %get3A_715] {strides = array<i32>} : memref<64x128xf32, #tpu.memory_space<vmem>>, vector<16xf32>,
        %add3A_717 = arith.constant 32 : i32
        %add3A_718 = arith.addi %add3A_717, %scan3A_675 : i32
        %get3A_719 = arith.index_cast %add3A_718 : i32 to index
        %get3A_720 = arith.constant 32 : index
        %get3A_721 = tpu.vector_load %arg22[%get3A_719, %get3A_720] {strides = array<i32>} : memref<64x128xf32, #tpu.memory_space<vmem>>, vector<16xf32>,
        %add3A_722 = arith.addf %get3A_716, %get3A_721 : vector<16xf32>
        %mul3A_723 = arith.mulf %add3A_722, %gather3A_677 : vector<16xf32>
        %swap3A_724 = arith.index_cast %scan3A_675 : i32 to index
        %swap3A_725 = arith.constant 32 : index
        %swap3A_726 = tpu.vector_load %arg22[%swap3A_724, %swap3A_725] {strides = array<i32>} : memref<64x128xf32, #tpu.memory_space<vmem>>, vector<16xf32>,
        tpu.vector_store %arg22[%swap3A_724, %swap3A_725], %mul3A_723 {strides = array<i32>} : memref<64x128xf32, #tpu.memory_space<vmem>>, vector<16xf32>,
        %add3A_727 = arith.constant 32 : i32
        %add3A_728 = arith.addi %add3A_727, %scan3A_675 : i32
        %swap3A_729 = arith.index_cast %add3A_728 : i32 to index
        %swap3A_730 = arith.constant 32 : index
        %swap3A_731 = tpu.vector_load %arg22[%swap3A_729, %swap3A_730] {strides = array<i32>} : memref<64x128xf32, #tpu.memory_space<vmem>>, vector<16xf32>,
        tpu.vector_store %arg22[%swap3A_729, %swap3A_730], %broadcast_in_dim3A_2 {strides = array<i32>} : memref<64x128xf32, #tpu.memory_space<vmem>>, vector<16xf32>,
        %get3A_732 = arith.index_cast %scan3A_675 : i32 to index
        %get3A_733 = arith.constant 48 : index
        %get3A_734 = tpu.vector_load %arg22[%get3A_732, %get3A_733] {strides = array<i32>} : memref<64x128xf32, #tpu.memory_space<vmem>>, vector<16xf32>,
        %add3A_735 = arith.constant 32 : i32
        %add3A_736 = arith.addi %add3A_735, %scan3A_675 : i32
        %get3A_737 = arith.index_cast %add3A_736 : i32 to index
        %get3A_738 = arith.constant 48 : index
        %get3A_739 = tpu.vector_load %arg22[%get3A_737, %get3A_738] {strides = array<i32>} : memref<64x128xf32, #tpu.memory_space<vmem>>, vector<16xf32>,
        %add3A_740 = arith.addf %get3A_734, %get3A_739 : vector<16xf32>
        %mul3A_741 = arith.mulf %add3A_740, %gather3A_677 : vector<16xf32>
        %swap3A_742 = arith.index_cast %scan3A_675 : i32 to index
        %swap3A_743 = arith.constant 48 : index
        %swap3A_744 = tpu.vector_load %arg22[%swap3A_742, %swap3A_743] {strides = array<i32>} : memref<64x128xf32, #tpu.memory_space<vmem>>, vector<16xf32>,
        tpu.vector_store %arg22[%swap3A_742, %swap3A_743], %mul3A_741 {strides = array<i32>} : memref<64x128xf32, #tpu.memory_space<vmem>>, vector<16xf32>,
        %add3A_745 = arith.constant 32 : i32
        %add3A_746 = arith.addi %add3A_745, %scan3A_675 : i32
        %swap3A_747 = arith.index_cast %add3A_746 : i32 to index
        %swap3A_748 = arith.constant 48 : index
        %swap3A_749 = tpu.vector_load %arg22[%swap3A_747, %swap3A_748] {strides = array<i32>} : memref<64x128xf32, #tpu.memory_space<vmem>>, vector<16xf32>,
        tpu.vector_store %arg22[%swap3A_747, %swap3A_748], %broadcast_in_dim3A_2 {strides = array<i32>} : memref<64x128xf32, #tpu.memory_space<vmem>>, vector<16xf32>,
        %get3A_750 = arith.index_cast %scan3A_675 : i32 to index
        %get3A_751 = arith.constant 64 : index
        %get3A_752 = tpu.vector_load %arg22[%get3A_750, %get3A_751] {strides = array<i32>} : memref<64x128xf32, #tpu.memory_space<vmem>>, vector<16xf32>,
        %add3A_753 = arith.constant 32 : i32
        %add3A_754 = arith.addi %add3A_753, %scan3A_675 : i32
        %get3A_755 = arith.index_cast %add3A_754 : i32 to index
        %get3A_756 = arith.constant 64 : index
        %get3A_757 = tpu.vector_load %arg22[%get3A_755, %get3A_756] {strides = array<i32>} : memref<64x128xf32, #tpu.memory_space<vmem>>, vector<16xf32>,
        %add3A_758 = arith.addf %get3A_752, %get3A_757 : vector<16xf32>
        %mul3A_759 = arith.mulf %add3A_758, %gather3A_677 : vector<16xf32>
        %swap3A_760 = arith.index_cast %scan3A_675 : i32 to index
        %swap3A_761 = arith.constant 64 : index
        %swap3A_762 = tpu.vector_load %arg22[%swap3A_760, %swap3A_761] {strides = array<i32>} : memref<64x128xf32, #tpu.memory_space<vmem>>, vector<16xf32>,
        tpu.vector_store %arg22[%swap3A_760, %swap3A_761], %mul3A_759 {strides = array<i32>} : memref<64x128xf32, #tpu.memory_space<vmem>>, vector<16xf32>,
        %add3A_763 = arith.constant 32 : i32
        %add3A_764 = arith.addi %add3A_763, %scan3A_675 : i32
        %swap3A_765 = arith.index_cast %add3A_764 : i32 to index
        %swap3A_766 = arith.constant 64 : index
        %swap3A_767 = tpu.vector_load %arg22[%swap3A_765, %swap3A_766] {strides = array<i32>} : memref<64x128xf32, #tpu.memory_space<vmem>>, vector<16xf32>,
        tpu.vector_store %arg22[%swap3A_765, %swap3A_766], %broadcast_in_dim3A_2 {strides = array<i32>} : memref<64x128xf32, #tpu.memory_space<vmem>>, vector<16xf32>,
        %get3A_768 = arith.index_cast %scan3A_675 : i32 to index
        %get3A_769 = arith.constant 80 : index
        %get3A_770 = tpu.vector_load %arg22[%get3A_768, %get3A_769] {strides = array<i32>} : memref<64x128xf32, #tpu.memory_space<vmem>>, vector<16xf32>,
        %add3A_771 = arith.constant 32 : i32
        %add3A_772 = arith.addi %add3A_771, %scan3A_675 : i32
        %get3A_773 = arith.index_cast %add3A_772 : i32 to index
        %get3A_774 = arith.constant 80 : index
        %get3A_775 = tpu.vector_load %arg22[%get3A_773, %get3A_774] {strides = array<i32>} : memref<64x128xf32, #tpu.memory_space<vmem>>, vector<16xf32>,
        %add3A_776 = arith.addf %get3A_770, %get3A_775 : vector<16xf32>
        %mul3A_777 = arith.mulf %add3A_776, %gather3A_677 : vector<16xf32>
        %swap3A_778 = arith.index_cast %scan3A_675 : i32 to index
        %swap3A_779 = arith.constant 80 : index
        %swap3A_780 = tpu.vector_load %arg22[%swap3A_778, %swap3A_779] {strides = array<i32>} : memref<64x128xf32, #tpu.memory_space<vmem>>, vector<16xf32>,
        tpu.vector_store %arg22[%swap3A_778, %swap3A_779], %mul3A_777 {strides = array<i32>} : memref<64x128xf32, #tpu.memory_space<vmem>>, vector<16xf32>,
        %add3A_781 = arith.constant 32 : i32
        %add3A_782 = arith.addi %add3A_781, %scan3A_675 : i32
        %swap3A_783 = arith.index_cast %add3A_782 : i32 to index
        %swap3A_784 = arith.constant 80 : index
        %swap3A_785 = tpu.vector_load %arg22[%swap3A_783, %swap3A_784] {strides = array<i32>} : memref<64x128xf32, #tpu.memory_space<vmem>>, vector<16xf32>,
        tpu.vector_store %arg22[%swap3A_783, %swap3A_784], %broadcast_in_dim3A_2 {strides = array<i32>} : memref<64x128xf32, #tpu.memory_space<vmem>>, vector<16xf32>,
        %get3A_786 = arith.index_cast %scan3A_675 : i32 to index
        %get3A_787 = arith.constant 96 : index
        %get3A_788 = tpu.vector_load %arg22[%get3A_786, %get3A_787] {strides = array<i32>} : memref<64x128xf32, #tpu.memory_space<vmem>>, vector<16xf32>,
        %add3A_789 = arith.constant 32 : i32
        %add3A_790 = arith.addi %add3A_789, %scan3A_675 : i32
        %get3A_791 = arith.index_cast %add3A_790 : i32 to index
        %get3A_792 = arith.constant 96 : index
        %get3A_793 = tpu.vector_load %arg22[%get3A_791, %get3A_792] {strides = array<i32>} : memref<64x128xf32, #tpu.memory_space<vmem>>, vector<16xf32>,
        %add3A_794 = arith.addf %get3A_788, %get3A_793 : vector<16xf32>
        %mul3A_795 = arith.mulf %add3A_794, %gather3A_677 : vector<16xf32>
        %swap3A_796 = arith.index_cast %scan3A_675 : i32 to index
        %swap3A_797 = arith.constant 96 : index
        %swap3A_798 = tpu.vector_load %arg22[%swap3A_796, %swap3A_797] {strides = array<i32>} : memref<64x128xf32, #tpu.memory_space<vmem>>, vector<16xf32>,
        tpu.vector_store %arg22[%swap3A_796, %swap3A_797], %mul3A_795 {strides = array<i32>} : memref<64x128xf32, #tpu.memory_space<vmem>>, vector<16xf32>,
        %add3A_799 = arith.constant 32 : i32
        %add3A_800 = arith.addi %add3A_799, %scan3A_675 : i32
        %swap3A_801 = arith.index_cast %add3A_800 : i32 to index
        %swap3A_802 = arith.constant 96 : index
        %swap3A_803 = tpu.vector_load %arg22[%swap3A_801, %swap3A_802] {strides = array<i32>} : memref<64x128xf32, #tpu.memory_space<vmem>>, vector<16xf32>,
        tpu.vector_store %arg22[%swap3A_801, %swap3A_802], %broadcast_in_dim3A_2 {strides = array<i32>} : memref<64x128xf32, #tpu.memory_space<vmem>>, vector<16xf32>,
        %get3A_804 = arith.index_cast %scan3A_675 : i32 to index
        %get3A_805 = arith.constant 112 : index
        %get3A_806 = tpu.vector_load %arg22[%get3A_804, %get3A_805] {strides = array<i32>} : memref<64x128xf32, #tpu.memory_space<vmem>>, vector<16xf32>,
        %add3A_807 = arith.constant 32 : i32
        %add3A_808 = arith.addi %add3A_807, %scan3A_675 : i32
        %get3A_809 = arith.index_cast %add3A_808 : i32 to index
        %get3A_810 = arith.constant 112 : index
        %get3A_811 = tpu.vector_load %arg22[%get3A_809, %get3A_810] {strides = array<i32>} : memref<64x128xf32, #tpu.memory_space<vmem>>, vector<16xf32>,
        %add3A_812 = arith.addf %get3A_806, %get3A_811 : vector<16xf32>
        %mul3A_813 = arith.mulf %add3A_812, %gather3A_677 : vector<16xf32>
        %swap3A_814 = arith.index_cast %scan3A_675 : i32 to index
        %swap3A_815 = arith.constant 112 : index
        %swap3A_816 = tpu.vector_load %arg22[%swap3A_814, %swap3A_815] {strides = array<i32>} : memref<64x128xf32, #tpu.memory_space<vmem>>, vector<16xf32>,
        tpu.vector_store %arg22[%swap3A_814, %swap3A_815], %mul3A_813 {strides = array<i32>} : memref<64x128xf32, #tpu.memory_space<vmem>>, vector<16xf32>,
        %add3A_817 = arith.constant 32 : i32
        %add3A_818 = arith.addi %add3A_817, %scan3A_675 : i32
        %swap3A_819 = arith.index_cast %add3A_818 : i32 to index
        %swap3A_820 = arith.constant 112 : index
        %swap3A_821 = tpu.vector_load %arg22[%swap3A_819, %swap3A_820] {strides = array<i32>} : memref<64x128xf32, #tpu.memory_space<vmem>>, vector<16xf32>,
        tpu.vector_store %arg22[%swap3A_819, %swap3A_820], %broadcast_in_dim3A_2 {strides = array<i32>} : memref<64x128xf32, #tpu.memory_space<vmem>>, vector<16xf32>,
        %scan3A_822 = arith.constant 0 : i32
        %scan3A_823 = arith.constant 2 : i32
        %scan3A_824 = arith.addi %scan3A_525, %scan3A_823 : i32
        %broadcast_in_dim3A_825 = vector.broadcast %scan3A_824 : i32 to vector<16xi32>
        %gather3A_826 = tpu.vector_load_idx %arg18[%broadcast_in_dim3A_825] : memref<32xf32, #tpu.memory_space<vmem>>[vector<16xi32>], vector<16xf32>,
        %get3A_827 = arith.index_cast %scan3A_824 : i32 to index
        %get3A_828 = arith.constant 0 : index
        %get3A_829 = tpu.vector_load %arg22[%get3A_827, %get3A_828] {strides = array<i32>} : memref<64x128xf32, #tpu.memory_space<vmem>>, vector<16xf32>,
        %add3A_830 = arith.constant 32 : i32
        %add3A_831 = arith.addi %add3A_830, %scan3A_824 : i32
        %get3A_832 = arith.index_cast %add3A_831 : i32 to index
        %get3A_833 = arith.constant 0 : index
        %get3A_834 = tpu.vector_load %arg22[%get3A_832, %get3A_833] {strides = array<i32>} : memref<64x128xf32, #tpu.memory_space<vmem>>, vector<16xf32>,
        %add3A_835 = arith.addf %get3A_829, %get3A_834 : vector<16xf32>
        %mul3A_836 = arith.mulf %add3A_835, %gather3A_826 : vector<16xf32>
        %swap3A_837 = arith.index_cast %scan3A_824 : i32 to index
        %swap3A_838 = arith.constant 0 : index
        %swap3A_839 = tpu.vector_load %arg22[%swap3A_837, %swap3A_838] {strides = array<i32>} : memref<64x128xf32, #tpu.memory_space<vmem>>, vector<16xf32>,
        tpu.vector_store %arg22[%swap3A_837, %swap3A_838], %mul3A_836 {strides = array<i32>} : memref<64x128xf32, #tpu.memory_space<vmem>>, vector<16xf32>,
        %add3A_840 = arith.constant 32 : i32
        %add3A_841 = arith.addi %add3A_840, %scan3A_824 : i32
        %swap3A_842 = arith.index_cast %add3A_841 : i32 to index
        %swap3A_843 = arith.constant 0 : index
        %swap3A_844 = tpu.vector_load %arg22[%swap3A_842, %swap3A_843] {strides = array<i32>} : memref<64x128xf32, #tpu.memory_space<vmem>>, vector<16xf32>,
        tpu.vector_store %arg22[%swap3A_842, %swap3A_843], %broadcast_in_dim3A_2 {strides = array<i32>} : memref<64x128xf32, #tpu.memory_space<vmem>>, vector<16xf32>,
        %get3A_845 = arith.index_cast %scan3A_824 : i32 to index
        %get3A_846 = arith.constant 16 : index
        %get3A_847 = tpu.vector_load %arg22[%get3A_845, %get3A_846] {strides = array<i32>} : memref<64x128xf32, #tpu.memory_space<vmem>>, vector<16xf32>,
        %add3A_848 = arith.constant 32 : i32
        %add3A_849 = arith.addi %add3A_848, %scan3A_824 : i32
        %get3A_850 = arith.index_cast %add3A_849 : i32 to index
        %get3A_851 = arith.constant 16 : index
        %get3A_852 = tpu.vector_load %arg22[%get3A_850, %get3A_851] {strides = array<i32>} : memref<64x128xf32, #tpu.memory_space<vmem>>, vector<16xf32>,
        %add3A_853 = arith.addf %get3A_847, %get3A_852 : vector<16xf32>
        %mul3A_854 = arith.mulf %add3A_853, %gather3A_826 : vector<16xf32>
        %swap3A_855 = arith.index_cast %scan3A_824 : i32 to index
        %swap3A_856 = arith.constant 16 : index
        %swap3A_857 = tpu.vector_load %arg22[%swap3A_855, %swap3A_856] {strides = array<i32>} : memref<64x128xf32, #tpu.memory_space<vmem>>, vector<16xf32>,
        tpu.vector_store %arg22[%swap3A_855, %swap3A_856], %mul3A_854 {strides = array<i32>} : memref<64x128xf32, #tpu.memory_space<vmem>>, vector<16xf32>,
        %add3A_858 = arith.constant 32 : i32
        %add3A_859 = arith.addi %add3A_858, %scan3A_824 : i32
        %swap3A_860 = arith.index_cast %add3A_859 : i32 to index
        %swap3A_861 = arith.constant 16 : index
        %swap3A_862 = tpu.vector_load %arg22[%swap3A_860, %swap3A_861] {strides = array<i32>} : memref<64x128xf32, #tpu.memory_space<vmem>>, vector<16xf32>,
        tpu.vector_store %arg22[%swap3A_860, %swap3A_861], %broadcast_in_dim3A_2 {strides = array<i32>} : memref<64x128xf32, #tpu.memory_space<vmem>>, vector<16xf32>,
        %get3A_863 = arith.index_cast %scan3A_824 : i32 to index
        %get3A_864 = arith.constant 32 : index
        %get3A_865 = tpu.vector_load %arg22[%get3A_863, %get3A_864] {strides = array<i32>} : memref<64x128xf32, #tpu.memory_space<vmem>>, vector<16xf32>,
        %add3A_866 = arith.constant 32 : i32
        %add3A_867 = arith.addi %add3A_866, %scan3A_824 : i32
        %get3A_868 = arith.index_cast %add3A_867 : i32 to index
        %get3A_869 = arith.constant 32 : index
        %get3A_870 = tpu.vector_load %arg22[%get3A_868, %get3A_869] {strides = array<i32>} : memref<64x128xf32, #tpu.memory_space<vmem>>, vector<16xf32>,
        %add3A_871 = arith.addf %get3A_865, %get3A_870 : vector<16xf32>
        %mul3A_872 = arith.mulf %add3A_871, %gather3A_826 : vector<16xf32>
        %swap3A_873 = arith.index_cast %scan3A_824 : i32 to index
        %swap3A_874 = arith.constant 32 : index
        %swap3A_875 = tpu.vector_load %arg22[%swap3A_873, %swap3A_874] {strides = array<i32>} : memref<64x128xf32, #tpu.memory_space<vmem>>, vector<16xf32>,
        tpu.vector_store %arg22[%swap3A_873, %swap3A_874], %mul3A_872 {strides = array<i32>} : memref<64x128xf32, #tpu.memory_space<vmem>>, vector<16xf32>,
        %add3A_876 = arith.constant 32 : i32
        %add3A_877 = arith.addi %add3A_876, %scan3A_824 : i32
        %swap3A_878 = arith.index_cast %add3A_877 : i32 to index
        %swap3A_879 = arith.constant 32 : index
        %swap3A_880 = tpu.vector_load %arg22[%swap3A_878, %swap3A_879] {strides = array<i32>} : memref<64x128xf32, #tpu.memory_space<vmem>>, vector<16xf32>,
        tpu.vector_store %arg22[%swap3A_878, %swap3A_879], %broadcast_in_dim3A_2 {strides = array<i32>} : memref<64x128xf32, #tpu.memory_space<vmem>>, vector<16xf32>,
        %get3A_881 = arith.index_cast %scan3A_824 : i32 to index
        %get3A_882 = arith.constant 48 : index
        %get3A_883 = tpu.vector_load %arg22[%get3A_881, %get3A_882] {strides = array<i32>} : memref<64x128xf32, #tpu.memory_space<vmem>>, vector<16xf32>,
        %add3A_884 = arith.constant 32 : i32
        %add3A_885 = arith.addi %add3A_884, %scan3A_824 : i32
        %get3A_886 = arith.index_cast %add3A_885 : i32 to index
        %get3A_887 = arith.constant 48 : index
        %get3A_888 = tpu.vector_load %arg22[%get3A_886, %get3A_887] {strides = array<i32>} : memref<64x128xf32, #tpu.memory_space<vmem>>, vector<16xf32>,
        %add3A_889 = arith.addf %get3A_883, %get3A_888 : vector<16xf32>
        %mul3A_890 = arith.mulf %add3A_889, %gather3A_826 : vector<16xf32>
        %swap3A_891 = arith.index_cast %scan3A_824 : i32 to index
        %swap3A_892 = arith.constant 48 : index
        %swap3A_893 = tpu.vector_load %arg22[%swap3A_891, %swap3A_892] {strides = array<i32>} : memref<64x128xf32, #tpu.memory_space<vmem>>, vector<16xf32>,
        tpu.vector_store %arg22[%swap3A_891, %swap3A_892], %mul3A_890 {strides = array<i32>} : memref<64x128xf32, #tpu.memory_space<vmem>>, vector<16xf32>,
        %add3A_894 = arith.constant 32 : i32
        %add3A_895 = arith.addi %add3A_894, %scan3A_824 : i32
        %swap3A_896 = arith.index_cast %add3A_895 : i32 to index
        %swap3A_897 = arith.constant 48 : index
        %swap3A_898 = tpu.vector_load %arg22[%swap3A_896, %swap3A_897] {strides = array<i32>} : memref<64x128xf32, #tpu.memory_space<vmem>>, vector<16xf32>,
        tpu.vector_store %arg22[%swap3A_896, %swap3A_897], %broadcast_in_dim3A_2 {strides = array<i32>} : memref<64x128xf32, #tpu.memory_space<vmem>>, vector<16xf32>,
        %get3A_899 = arith.index_cast %scan3A_824 : i32 to index
        %get3A_900 = arith.constant 64 : index
        %get3A_901 = tpu.vector_load %arg22[%get3A_899, %get3A_900] {strides = array<i32>} : memref<64x128xf32, #tpu.memory_space<vmem>>, vector<16xf32>,
        %add3A_902 = arith.constant 32 : i32
        %add3A_903 = arith.addi %add3A_902, %scan3A_824 : i32
        %get3A_904 = arith.index_cast %add3A_903 : i32 to index
        %get3A_905 = arith.constant 64 : index
        %get3A_906 = tpu.vector_load %arg22[%get3A_904, %get3A_905] {strides = array<i32>} : memref<64x128xf32, #tpu.memory_space<vmem>>, vector<16xf32>,
        %add3A_907 = arith.addf %get3A_901, %get3A_906 : vector<16xf32>
        %mul3A_908 = arith.mulf %add3A_907, %gather3A_826 : vector<16xf32>
        %swap3A_909 = arith.index_cast %scan3A_824 : i32 to index
        %swap3A_910 = arith.constant 64 : index
        %swap3A_911 = tpu.vector_load %arg22[%swap3A_909, %swap3A_910] {strides = array<i32>} : memref<64x128xf32, #tpu.memory_space<vmem>>, vector<16xf32>,
        tpu.vector_store %arg22[%swap3A_909, %swap3A_910], %mul3A_908 {strides = array<i32>} : memref<64x128xf32, #tpu.memory_space<vmem>>, vector<16xf32>,
        %add3A_912 = arith.constant 32 : i32
        %add3A_913 = arith.addi %add3A_912, %scan3A_824 : i32
        %swap3A_914 = arith.index_cast %add3A_913 : i32 to index
        %swap3A_915 = arith.constant 64 : index
        %swap3A_916 = tpu.vector_load %arg22[%swap3A_914, %swap3A_915] {strides = array<i32>} : memref<64x128xf32, #tpu.memory_space<vmem>>, vector<16xf32>,
        tpu.vector_store %arg22[%swap3A_914, %swap3A_915], %broadcast_in_dim3A_2 {strides = array<i32>} : memref<64x128xf32, #tpu.memory_space<vmem>>, vector<16xf32>,
        %get3A_917 = arith.index_cast %scan3A_824 : i32 to index
        %get3A_918 = arith.constant 80 : index
        %get3A_919 = tpu.vector_load %arg22[%get3A_917, %get3A_918] {strides = array<i32>} : memref<64x128xf32, #tpu.memory_space<vmem>>, vector<16xf32>,
        %add3A_920 = arith.constant 32 : i32
        %add3A_921 = arith.addi %add3A_920, %scan3A_824 : i32
        %get3A_922 = arith.index_cast %add3A_921 : i32 to index
        %get3A_923 = arith.constant 80 : index
        %get3A_924 = tpu.vector_load %arg22[%get3A_922, %get3A_923] {strides = array<i32>} : memref<64x128xf32, #tpu.memory_space<vmem>>, vector<16xf32>,
        %add3A_925 = arith.addf %get3A_919, %get3A_924 : vector<16xf32>
        %mul3A_926 = arith.mulf %add3A_925, %gather3A_826 : vector<16xf32>
        %swap3A_927 = arith.index_cast %scan3A_824 : i32 to index
        %swap3A_928 = arith.constant 80 : index
        %swap3A_929 = tpu.vector_load %arg22[%swap3A_927, %swap3A_928] {strides = array<i32>} : memref<64x128xf32, #tpu.memory_space<vmem>>, vector<16xf32>,
        tpu.vector_store %arg22[%swap3A_927, %swap3A_928], %mul3A_926 {strides = array<i32>} : memref<64x128xf32, #tpu.memory_space<vmem>>, vector<16xf32>,
        %add3A_930 = arith.constant 32 : i32
        %add3A_931 = arith.addi %add3A_930, %scan3A_824 : i32
        %swap3A_932 = arith.index_cast %add3A_931 : i32 to index
        %swap3A_933 = arith.constant 80 : index
        %swap3A_934 = tpu.vector_load %arg22[%swap3A_932, %swap3A_933] {strides = array<i32>} : memref<64x128xf32, #tpu.memory_space<vmem>>, vector<16xf32>,
        tpu.vector_store %arg22[%swap3A_932, %swap3A_933], %broadcast_in_dim3A_2 {strides = array<i32>} : memref<64x128xf32, #tpu.memory_space<vmem>>, vector<16xf32>,
        %get3A_935 = arith.index_cast %scan3A_824 : i32 to index
        %get3A_936 = arith.constant 96 : index
        %get3A_937 = tpu.vector_load %arg22[%get3A_935, %get3A_936] {strides = array<i32>} : memref<64x128xf32, #tpu.memory_space<vmem>>, vector<16xf32>,
        %add3A_938 = arith.constant 32 : i32
        %add3A_939 = arith.addi %add3A_938, %scan3A_824 : i32
        %get3A_940 = arith.index_cast %add3A_939 : i32 to index
        %get3A_941 = arith.constant 96 : index
        %get3A_942 = tpu.vector_load %arg22[%get3A_940, %get3A_941] {strides = array<i32>} : memref<64x128xf32, #tpu.memory_space<vmem>>, vector<16xf32>,
        %add3A_943 = arith.addf %get3A_937, %get3A_942 : vector<16xf32>
        %mul3A_944 = arith.mulf %add3A_943, %gather3A_826 : vector<16xf32>
        %swap3A_945 = arith.index_cast %scan3A_824 : i32 to index
        %swap3A_946 = arith.constant 96 : index
        %swap3A_947 = tpu.vector_load %arg22[%swap3A_945, %swap3A_946] {strides = array<i32>} : memref<64x128xf32, #tpu.memory_space<vmem>>, vector<16xf32>,
        tpu.vector_store %arg22[%swap3A_945, %swap3A_946], %mul3A_944 {strides = array<i32>} : memref<64x128xf32, #tpu.memory_space<vmem>>, vector<16xf32>,
        %add3A_948 = arith.constant 32 : i32
        %add3A_949 = arith.addi %add3A_948, %scan3A_824 : i32
        %swap3A_950 = arith.index_cast %add3A_949 : i32 to index
        %swap3A_951 = arith.constant 96 : index
        %swap3A_952 = tpu.vector_load %arg22[%swap3A_950, %swap3A_951] {strides = array<i32>} : memref<64x128xf32, #tpu.memory_space<vmem>>, vector<16xf32>,
        tpu.vector_store %arg22[%swap3A_950, %swap3A_951], %broadcast_in_dim3A_2 {strides = array<i32>} : memref<64x128xf32, #tpu.memory_space<vmem>>, vector<16xf32>,
        %get3A_953 = arith.index_cast %scan3A_824 : i32 to index
        %get3A_954 = arith.constant 112 : index
        %get3A_955 = tpu.vector_load %arg22[%get3A_953, %get3A_954] {strides = array<i32>} : memref<64x128xf32, #tpu.memory_space<vmem>>, vector<16xf32>,
        %add3A_956 = arith.constant 32 : i32
        %add3A_957 = arith.addi %add3A_956, %scan3A_824 : i32
        %get3A_958 = arith.index_cast %add3A_957 : i32 to index
        %get3A_959 = arith.constant 112 : index
        %get3A_960 = tpu.vector_load %arg22[%get3A_958, %get3A_959] {strides = array<i32>} : memref<64x128xf32, #tpu.memory_space<vmem>>, vector<16xf32>,
        %add3A_961 = arith.addf %get3A_955, %get3A_960 : vector<16xf32>
        %mul3A_962 = arith.mulf %add3A_961, %gather3A_826 : vector<16xf32>
        %swap3A_963 = arith.index_cast %scan3A_824 : i32 to index
        %swap3A_964 = arith.constant 112 : index
        %swap3A_965 = tpu.vector_load %arg22[%swap3A_963, %swap3A_964] {strides = array<i32>} : memref<64x128xf32, #tpu.memory_space<vmem>>, vector<16xf32>,
        tpu.vector_store %arg22[%swap3A_963, %swap3A_964], %mul3A_962 {strides = array<i32>} : memref<64x128xf32, #tpu.memory_space<vmem>>, vector<16xf32>,
        %add3A_966 = arith.constant 32 : i32
        %add3A_967 = arith.addi %add3A_966, %scan3A_824 : i32
        %swap3A_968 = arith.index_cast %add3A_967 : i32 to index
        %swap3A_969 = arith.constant 112 : index
        %swap3A_970 = tpu.vector_load %arg22[%swap3A_968, %swap3A_969] {strides = array<i32>} : memref<64x128xf32, #tpu.memory_space<vmem>>, vector<16xf32>,
        tpu.vector_store %arg22[%swap3A_968, %swap3A_969], %broadcast_in_dim3A_2 {strides = array<i32>} : memref<64x128xf32, #tpu.memory_space<vmem>>, vector<16xf32>,
        %scan3A_971 = arith.constant 0 : i32
        %scan3A_972 = arith.constant 3 : i32
        %scan3A_973 = arith.addi %scan3A_525, %scan3A_972 : i32
        %broadcast_in_dim3A_974 = vector.broadcast %scan3A_973 : i32 to vector<16xi32>
        %gather3A_975 = tpu.vector_load_idx %arg18[%broadcast_in_dim3A_974] : memref<32xf32, #tpu.memory_space<vmem>>[vector<16xi32>], vector<16xf32>,
        %get3A_976 = arith.index_cast %scan3A_973 : i32 to index
        %get3A_977 = arith.constant 0 : index
        %get3A_978 = tpu.vector_load %arg22[%get3A_976, %get3A_977] {strides = array<i32>} : memref<64x128xf32, #tpu.memory_space<vmem>>, vector<16xf32>,
        %add3A_979 = arith.constant 32 : i32
        %add3A_980 = arith.addi %add3A_979, %scan3A_973 : i32
        %get3A_981 = arith.index_cast %add3A_980 : i32 to index
        %get3A_982 = arith.constant 0 : index
        %get3A_983 = tpu.vector_load %arg22[%get3A_981, %get3A_982] {strides = array<i32>} : memref<64x128xf32, #tpu.memory_space<vmem>>, vector<16xf32>,
        %add3A_984 = arith.addf %get3A_978, %get3A_983 : vector<16xf32>
        %mul3A_985 = arith.mulf %add3A_984, %gather3A_975 : vector<16xf32>
        %swap3A_986 = arith.index_cast %scan3A_973 : i32 to index
        %swap3A_987 = arith.constant 0 : index
        %swap3A_988 = tpu.vector_load %arg22[%swap3A_986, %swap3A_987] {strides = array<i32>} : memref<64x128xf32, #tpu.memory_space<vmem>>, vector<16xf32>,
        tpu.vector_store %arg22[%swap3A_986, %swap3A_987], %mul3A_985 {strides = array<i32>} : memref<64x128xf32, #tpu.memory_space<vmem>>, vector<16xf32>,
        %add3A_989 = arith.constant 32 : i32
        %add3A_990 = arith.addi %add3A_989, %scan3A_973 : i32
        %swap3A_991 = arith.index_cast %add3A_990 : i32 to index
        %swap3A_992 = arith.constant 0 : index
        %swap3A_993 = tpu.vector_load %arg22[%swap3A_991, %swap3A_992] {strides = array<i32>} : memref<64x128xf32, #tpu.memory_space<vmem>>, vector<16xf32>,
        tpu.vector_store %arg22[%swap3A_991, %swap3A_992], %broadcast_in_dim3A_2 {strides = array<i32>} : memref<64x128xf32, #tpu.memory_space<vmem>>, vector<16xf32>,
        %get3A_994 = arith.index_cast %scan3A_973 : i32 to index
        %get3A_995 = arith.constant 16 : index
        %get3A_996 = tpu.vector_load %arg22[%get3A_994, %get3A_995] {strides = array<i32>} : memref<64x128xf32, #tpu.memory_space<vmem>>, vector<16xf32>,
        %add3A_997 = arith.constant 32 : i32
        %add3A_998 = arith.addi %add3A_997, %scan3A_973 : i32
        %get3A_999 = arith.index_cast %add3A_998 : i32 to index
        %get3A_1000 = arith.constant 16 : index
        %get3A_1001 = tpu.vector_load %arg22[%get3A_999, %get3A_1000] {strides = array<i32>} : memref<64x128xf32, #tpu.memory_space<vmem>>, vector<16xf32>,
        %add3A_1002 = arith.addf %get3A_996, %get3A_1001 : vector<16xf32>
        %mul3A_1003 = arith.mulf %add3A_1002, %gather3A_975 : vector<16xf32>
        %swap3A_1004 = arith.index_cast %scan3A_973 : i32 to index
        %swap3A_1005 = arith.constant 16 : index
        %swap3A_1006 = tpu.vector_load %arg22[%swap3A_1004, %swap3A_1005] {strides = array<i32>} : memref<64x128xf32, #tpu.memory_space<vmem>>, vector<16xf32>,
        tpu.vector_store %arg22[%swap3A_1004, %swap3A_1005], %mul3A_1003 {strides = array<i32>} : memref<64x128xf32, #tpu.memory_space<vmem>>, vector<16xf32>,
        %add3A_1007 = arith.constant 32 : i32
        %add3A_1008 = arith.addi %add3A_1007, %scan3A_973 : i32
        %swap3A_1009 = arith.index_cast %add3A_1008 : i32 to index
        %swap3A_1010 = arith.constant 16 : index
        %swap3A_1011 = tpu.vector_load %arg22[%swap3A_1009, %swap3A_1010] {strides = array<i32>} : memref<64x128xf32, #tpu.memory_space<vmem>>, vector<16xf32>,
        tpu.vector_store %arg22[%swap3A_1009, %swap3A_1010], %broadcast_in_dim3A_2 {strides = array<i32>} : memref<64x128xf32, #tpu.memory_space<vmem>>, vector<16xf32>,
        %get3A_1012 = arith.index_cast %scan3A_973 : i32 to index
        %get3A_1013 = arith.constant 32 : index
        %get3A_1014 = tpu.vector_load %arg22[%get3A_1012, %get3A_1013] {strides = array<i32>} : memref<64x128xf32, #tpu.memory_space<vmem>>, vector<16xf32>,
        %add3A_1015 = arith.constant 32 : i32
        %add3A_1016 = arith.addi %add3A_1015, %scan3A_973 : i32
        %get3A_1017 = arith.index_cast %add3A_1016 : i32 to index
        %get3A_1018 = arith.constant 32 : index
        %get3A_1019 = tpu.vector_load %arg22[%get3A_1017, %get3A_1018] {strides = array<i32>} : memref<64x128xf32, #tpu.memory_space<vmem>>, vector<16xf32>,
        %add3A_1020 = arith.addf %get3A_1014, %get3A_1019 : vector<16xf32>
        %mul3A_1021 = arith.mulf %add3A_1020, %gather3A_975 : vector<16xf32>
        %swap3A_1022 = arith.index_cast %scan3A_973 : i32 to index
        %swap3A_1023 = arith.constant 32 : index
        %swap3A_1024 = tpu.vector_load %arg22[%swap3A_1022, %swap3A_1023] {strides = array<i32>} : memref<64x128xf32, #tpu.memory_space<vmem>>, vector<16xf32>,
        tpu.vector_store %arg22[%swap3A_1022, %swap3A_1023], %mul3A_1021 {strides = array<i32>} : memref<64x128xf32, #tpu.memory_space<vmem>>, vector<16xf32>,
        %add3A_1025 = arith.constant 32 : i32
        %add3A_1026 = arith.addi %add3A_1025, %scan3A_973 : i32
        %swap3A_1027 = arith.index_cast %add3A_1026 : i32 to index
        %swap3A_1028 = arith.constant 32 : index
        %swap3A_1029 = tpu.vector_load %arg22[%swap3A_1027, %swap3A_1028] {strides = array<i32>} : memref<64x128xf32, #tpu.memory_space<vmem>>, vector<16xf32>,
        tpu.vector_store %arg22[%swap3A_1027, %swap3A_1028], %broadcast_in_dim3A_2 {strides = array<i32>} : memref<64x128xf32, #tpu.memory_space<vmem>>, vector<16xf32>,
        %get3A_1030 = arith.index_cast %scan3A_973 : i32 to index
        %get3A_1031 = arith.constant 48 : index
        %get3A_1032 = tpu.vector_load %arg22[%get3A_1030, %get3A_1031] {strides = array<i32>} : memref<64x128xf32, #tpu.memory_space<vmem>>, vector<16xf32>,
        %add3A_1033 = arith.constant 32 : i32
        %add3A_1034 = arith.addi %add3A_1033, %scan3A_973 : i32
        %get3A_1035 = arith.index_cast %add3A_1034 : i32 to index
        %get3A_1036 = arith.constant 48 : index
        %get3A_1037 = tpu.vector_load %arg22[%get3A_1035, %get3A_1036] {strides = array<i32>} : memref<64x128xf32, #tpu.memory_space<vmem>>, vector<16xf32>,
        %add3A_1038 = arith.addf %get3A_1032, %get3A_1037 : vector<16xf32>
        %mul3A_1039 = arith.mulf %add3A_1038, %gather3A_975 : vector<16xf32>
        %swap3A_1040 = arith.index_cast %scan3A_973 : i32 to index
        %swap3A_1041 = arith.constant 48 : index
        %swap3A_1042 = tpu.vector_load %arg22[%swap3A_1040, %swap3A_1041] {strides = array<i32>} : memref<64x128xf32, #tpu.memory_space<vmem>>, vector<16xf32>,
        tpu.vector_store %arg22[%swap3A_1040, %swap3A_1041], %mul3A_1039 {strides = array<i32>} : memref<64x128xf32, #tpu.memory_space<vmem>>, vector<16xf32>,
        %add3A_1043 = arith.constant 32 : i32
        %add3A_1044 = arith.addi %add3A_1043, %scan3A_973 : i32
        %swap3A_1045 = arith.index_cast %add3A_1044 : i32 to index
        %swap3A_1046 = arith.constant 48 : index
        %swap3A_1047 = tpu.vector_load %arg22[%swap3A_1045, %swap3A_1046] {strides = array<i32>} : memref<64x128xf32, #tpu.memory_space<vmem>>, vector<16xf32>,
        tpu.vector_store %arg22[%swap3A_1045, %swap3A_1046], %broadcast_in_dim3A_2 {strides = array<i32>} : memref<64x128xf32, #tpu.memory_space<vmem>>, vector<16xf32>,
        %get3A_1048 = arith.index_cast %scan3A_973 : i32 to index
        %get3A_1049 = arith.constant 64 : index
        %get3A_1050 = tpu.vector_load %arg22[%get3A_1048, %get3A_1049] {strides = array<i32>} : memref<64x128xf32, #tpu.memory_space<vmem>>, vector<16xf32>,
        %add3A_1051 = arith.constant 32 : i32
        %add3A_1052 = arith.addi %add3A_1051, %scan3A_973 : i32
        %get3A_1053 = arith.index_cast %add3A_1052 : i32 to index
        %get3A_1054 = arith.constant 64 : index
        %get3A_1055 = tpu.vector_load %arg22[%get3A_1053, %get3A_1054] {strides = array<i32>} : memref<64x128xf32, #tpu.memory_space<vmem>>, vector<16xf32>,
        %add3A_1056 = arith.addf %get3A_1050, %get3A_1055 : vector<16xf32>
        %mul3A_1057 = arith.mulf %add3A_1056, %gather3A_975 : vector<16xf32>
        %swap3A_1058 = arith.index_cast %scan3A_973 : i32 to index
        %swap3A_1059 = arith.constant 64 : index
        %swap3A_1060 = tpu.vector_load %arg22[%swap3A_1058, %swap3A_1059] {strides = array<i32>} : memref<64x128xf32, #tpu.memory_space<vmem>>, vector<16xf32>,
        tpu.vector_store %arg22[%swap3A_1058, %swap3A_1059], %mul3A_1057 {strides = array<i32>} : memref<64x128xf32, #tpu.memory_space<vmem>>, vector<16xf32>,
        %add3A_1061 = arith.constant 32 : i32
        %add3A_1062 = arith.addi %add3A_1061, %scan3A_973 : i32
        %swap3A_1063 = arith.index_cast %add3A_1062 : i32 to index
        %swap3A_1064 = arith.constant 64 : index
        %swap3A_1065 = tpu.vector_load %arg22[%swap3A_1063, %swap3A_1064] {strides = array<i32>} : memref<64x128xf32, #tpu.memory_space<vmem>>, vector<16xf32>,
        tpu.vector_store %arg22[%swap3A_1063, %swap3A_1064], %broadcast_in_dim3A_2 {strides = array<i32>} : memref<64x128xf32, #tpu.memory_space<vmem>>, vector<16xf32>,
        %get3A_1066 = arith.index_cast %scan3A_973 : i32 to index
        %get3A_1067 = arith.constant 80 : index
        %get3A_1068 = tpu.vector_load %arg22[%get3A_1066, %get3A_1067] {strides = array<i32>} : memref<64x128xf32, #tpu.memory_space<vmem>>, vector<16xf32>,
        %add3A_1069 = arith.constant 32 : i32
        %add3A_1070 = arith.addi %add3A_1069, %scan3A_973 : i32
        %get3A_1071 = arith.index_cast %add3A_1070 : i32 to index
        %get3A_1072 = arith.constant 80 : index
        %get3A_1073 = tpu.vector_load %arg22[%get3A_1071, %get3A_1072] {strides = array<i32>} : memref<64x128xf32, #tpu.memory_space<vmem>>, vector<16xf32>,
        %add3A_1074 = arith.addf %get3A_1068, %get3A_1073 : vector<16xf32>
        %mul3A_1075 = arith.mulf %add3A_1074, %gather3A_975 : vector<16xf32>
        %swap3A_1076 = arith.index_cast %scan3A_973 : i32 to index
        %swap3A_1077 = arith.constant 80 : index
        %swap3A_1078 = tpu.vector_load %arg22[%swap3A_1076, %swap3A_1077] {strides = array<i32>} : memref<64x128xf32, #tpu.memory_space<vmem>>, vector<16xf32>,
        tpu.vector_store %arg22[%swap3A_1076, %swap3A_1077], %mul3A_1075 {strides = array<i32>} : memref<64x128xf32, #tpu.memory_space<vmem>>, vector<16xf32>,
        %add3A_1079 = arith.constant 32 : i32
        %add3A_1080 = arith.addi %add3A_1079, %scan3A_973 : i32
        %swap3A_1081 = arith.index_cast %add3A_1080 : i32 to index
        %swap3A_1082 = arith.constant 80 : index
        %swap3A_1083 = tpu.vector_load %arg22[%swap3A_1081, %swap3A_1082] {strides = array<i32>} : memref<64x128xf32, #tpu.memory_space<vmem>>, vector<16xf32>,
        tpu.vector_store %arg22[%swap3A_1081, %swap3A_1082], %broadcast_in_dim3A_2 {strides = array<i32>} : memref<64x128xf32, #tpu.memory_space<vmem>>, vector<16xf32>,
        %get3A_1084 = arith.index_cast %scan3A_973 : i32 to index
        %get3A_1085 = arith.constant 96 : index
        %get3A_1086 = tpu.vector_load %arg22[%get3A_1084, %get3A_1085] {strides = array<i32>} : memref<64x128xf32, #tpu.memory_space<vmem>>, vector<16xf32>,
        %add3A_1087 = arith.constant 32 : i32
        %add3A_1088 = arith.addi %add3A_1087, %scan3A_973 : i32
        %get3A_1089 = arith.index_cast %add3A_1088 : i32 to index
        %get3A_1090 = arith.constant 96 : index
        %get3A_1091 = tpu.vector_load %arg22[%get3A_1089, %get3A_1090] {strides = array<i32>} : memref<64x128xf32, #tpu.memory_space<vmem>>, vector<16xf32>,
        %add3A_1092 = arith.addf %get3A_1086, %get3A_1091 : vector<16xf32>
        %mul3A_1093 = arith.mulf %add3A_1092, %gather3A_975 : vector<16xf32>
        %swap3A_1094 = arith.index_cast %scan3A_973 : i32 to index
        %swap3A_1095 = arith.constant 96 : index
        %swap3A_1096 = tpu.vector_load %arg22[%swap3A_1094, %swap3A_1095] {strides = array<i32>} : memref<64x128xf32, #tpu.memory_space<vmem>>, vector<16xf32>,
        tpu.vector_store %arg22[%swap3A_1094, %swap3A_1095], %mul3A_1093 {strides = array<i32>} : memref<64x128xf32, #tpu.memory_space<vmem>>, vector<16xf32>,
        %add3A_1097 = arith.constant 32 : i32
        %add3A_1098 = arith.addi %add3A_1097, %scan3A_973 : i32
        %swap3A_1099 = arith.index_cast %add3A_1098 : i32 to index
        %swap3A_1100 = arith.constant 96 : index
        %swap3A_1101 = tpu.vector_load %arg22[%swap3A_1099, %swap3A_1100] {strides = array<i32>} : memref<64x128xf32, #tpu.memory_space<vmem>>, vector<16xf32>,
        tpu.vector_store %arg22[%swap3A_1099, %swap3A_1100], %broadcast_in_dim3A_2 {strides = array<i32>} : memref<64x128xf32, #tpu.memory_space<vmem>>, vector<16xf32>,
        %get3A_1102 = arith.index_cast %scan3A_973 : i32 to index
        %get3A_1103 = arith.constant 112 : index
        %get3A_1104 = tpu.vector_load %arg22[%get3A_1102, %get3A_1103] {strides = array<i32>} : memref<64x128xf32, #tpu.memory_space<vmem>>, vector<16xf32>,
        %add3A_1105 = arith.constant 32 : i32
        %add3A_1106 = arith.addi %add3A_1105, %scan3A_973 : i32
        %get3A_1107 = arith.index_cast %add3A_1106 : i32 to index
        %get3A_1108 = arith.constant 112 : index
        %get3A_1109 = tpu.vector_load %arg22[%get3A_1107, %get3A_1108] {strides = array<i32>} : memref<64x128xf32, #tpu.memory_space<vmem>>, vector<16xf32>,
        %add3A_1110 = arith.addf %get3A_1104, %get3A_1109 : vector<16xf32>
        %mul3A_1111 = arith.mulf %add3A_1110, %gather3A_975 : vector<16xf32>
        %swap3A_1112 = arith.index_cast %scan3A_973 : i32 to index
        %swap3A_1113 = arith.constant 112 : index
        %swap3A_1114 = tpu.vector_load %arg22[%swap3A_1112, %swap3A_1113] {strides = array<i32>} : memref<64x128xf32, #tpu.memory_space<vmem>>, vector<16xf32>,
        tpu.vector_store %arg22[%swap3A_1112, %swap3A_1113], %mul3A_1111 {strides = array<i32>} : memref<64x128xf32, #tpu.memory_space<vmem>>, vector<16xf32>,
        %add3A_1115 = arith.constant 32 : i32
        %add3A_1116 = arith.addi %add3A_1115, %scan3A_973 : i32
        %swap3A_1117 = arith.index_cast %add3A_1116 : i32 to index
        %swap3A_1118 = arith.constant 112 : index
        %swap3A_1119 = tpu.vector_load %arg22[%swap3A_1117, %swap3A_1118] {strides = array<i32>} : memref<64x128xf32, #tpu.memory_space<vmem>>, vector<16xf32>,
        tpu.vector_store %arg22[%swap3A_1117, %swap3A_1118], %broadcast_in_dim3A_2 {strides = array<i32>} : memref<64x128xf32, #tpu.memory_space<vmem>>, vector<16xf32>,
        %scan3A_1120 = arith.constant 0 : i32
        scf.yield %scan3A_1120 : i32
      }
      %scan3A_491 = arith.constant 32 : i32
      %get3A_492 = arith.constant 0 : index
      %get3A_493 = tpu.vector_load %arg14[%get3A_492] {strides = array<i32>} : memref<32xi32, #tpu.memory_space<vmem>>, vector<16xi32>,
      %and3A_494 = arith.constant 127 : i32
      %and3A_495 = vector.broadcast %and3A_494 : i32 to vector<16xi32>
      %and3A_496 = arith.andi %get3A_493, %and3A_495 : vector<16xi32>
      %add3A_497 = arith.constant 32 : i32
      %add3A_498 = vector.broadcast %add3A_497 : i32 to vector<16xi32>
      %add3A_499 = arith.addi %add3A_498, %iota3A : vector<16xi32>
      %get3A_500 = arith.constant 0 : index
      %get3A_501 = tpu.vector_load %arg18[%get3A_500] {strides = array<i32>} : memref<32xf32, #tpu.memory_space<vmem>>, vector<16xf32>,
      tpu.vector_store_idx %arg22[%add3A_499, %and3A_496], %get3A_501 : memref<64x128xf32, #tpu.memory_space<vmem>>[vector<16xi32>, vector<16xi32>], vector<16xf32>,
      %get3A_502 = arith.constant 16 : index
      %get3A_503 = tpu.vector_load %arg14[%get3A_502] {strides = array<i32>} : memref<32xi32, #tpu.memory_space<vmem>>, vector<16xi32>,
      %and3A_504 = arith.constant 127 : i32
      %and3A_505 = vector.broadcast %and3A_504 : i32 to vector<16xi32>
      %and3A_506 = arith.andi %get3A_503, %and3A_505 : vector<16xi32>
      %add3A_507 = arith.constant 48 : i32
      %add3A_508 = vector.broadcast %add3A_507 : i32 to vector<16xi32>
      %add3A_509 = arith.addi %add3A_508, %iota3A : vector<16xi32>
      %get3A_510 = arith.constant 16 : index
      %get3A_511 = tpu.vector_load %arg18[%get3A_510] {strides = array<i32>} : memref<32xf32, #tpu.memory_space<vmem>>, vector<16xf32>,
      tpu.vector_store_idx %arg22[%add3A_509, %and3A_506], %get3A_511 : memref<64x128xf32, #tpu.memory_space<vmem>>[vector<16xi32>, vector<16xi32>], vector<16xf32>,
      %dma_start3A_512 = arith.constant 0 : i32
      %dma_start3A_513 = arith.constant 0 : i32
      %dma_start3A_514 = tpu.memref_slice %arg22[%dma_start3A_512, %dma_start3A_513] : memref<64x128xf32, #tpu.memory_space<vmem>> -> memref<32x128xf32, #tpu.memory_space<vmem>>
      %dma_start3A_515 = arith.constant 0 : i32
      %dma_start3A_516 = arith.constant 0 : i32
      %dma_start3A_517 = tpu.memref_slice %arg23[%dma_start3A_515, %dma_start3A_516] : memref<10016x128xf32, #tpu.memory_space<vmem_shared>> -> memref<10016x128xf32, #tpu.memory_space<vmem_shared>>
      tpu.enqueue_indirect_dma source(%dma_start3A_514 : memref<32x128xf32, #tpu.memory_space<vmem>>) target(%dma_start3A_517 : memref<10016x128xf32, #tpu.memory_space<vmem_shared>>) offsets(%arg14 : memref<32xi32, #tpu.memory_space<vmem>>) semaphore(%arg28 : memref<!tpu.dma_semaphore, #tpu.memory_space<semaphore_mem>>) {add = true}
      %dma_start3A_518 = arith.constant 32 : i32
      %dma_start3A_519 = arith.constant 0 : i32
      %dma_start3A_520 = tpu.memref_slice %arg22[%dma_start3A_518, %dma_start3A_519] : memref<64x128xf32, #tpu.memory_space<vmem>> -> memref<32x128xf32, #tpu.memory_space<vmem>>
      %dma_start3A_521 = arith.constant 0 : i32
      %dma_start3A_522 = arith.constant 0 : i32
      %dma_start3A_523 = tpu.memref_slice %arg24[%dma_start3A_521, %dma_start3A_522] : memref<80x128xf32, #tpu.memory_space<vmem_shared>> -> memref<80x128xf32, #tpu.memory_space<vmem_shared>>
      tpu.enqueue_indirect_dma source(%dma_start3A_520 : memref<32x128xf32, #tpu.memory_space<vmem>>) target(%dma_start3A_523 : memref<80x128xf32, #tpu.memory_space<vmem_shared>>) offsets(%arg16 : memref<32xi32, #tpu.memory_space<vmem>>) semaphore(%arg30 : memref<!tpu.dma_semaphore, #tpu.memory_space<semaphore_mem>>) {add = true}
      %scan3A_524 = arith.constant 0 : i32
      scf.yield %scan3A_524 : i32
    }
    %scan3A_145 = arith.constant 160 : i32
    %dma_wait3A = arith.constant 0 : i32
    %dma_wait3A_146 = arith.constant 0 : i32
    %dma_wait3A_147 = tpu.memref_slice %arg6[%dma_wait3A, %dma_wait3A_146] : memref<40960x128xf32, #tpu.memory_space<hbm>> -> memref<40960x128xf32, #tpu.memory_space<hbm>>
    tpu.wait_indirect_dma semaphore(%arg25 : memref<!tpu.dma_semaphore, #tpu.memory_space<semaphore_mem>>) src(%dma_wait3A_147 : memref<40960x128xf32, #tpu.memory_space<hbm>>) dst(%arg21 : memref<64x128xf32, #tpu.memory_space<vmem>>)
    %dma_wait3A_148 = arith.constant 0 : i32
    %dma_wait3A_149 = arith.constant 0 : i32
    %dma_wait3A_150 = tpu.memref_slice %arg22[%dma_wait3A_148, %dma_wait3A_149] : memref<64x128xf32, #tpu.memory_space<vmem>> -> memref<32x128xf32, #tpu.memory_space<vmem>>
    %dma_wait3A_151 = arith.constant 0 : i32
    %dma_wait3A_152 = arith.constant 0 : i32
    %dma_wait3A_153 = tpu.memref_slice %arg23[%dma_wait3A_151, %dma_wait3A_152] : memref<10016x128xf32, #tpu.memory_space<vmem_shared>> -> memref<10016x128xf32, #tpu.memory_space<vmem_shared>>
    tpu.wait_indirect_dma semaphore(%arg28 : memref<!tpu.dma_semaphore, #tpu.memory_space<semaphore_mem>>) src(%dma_wait3A_150 : memref<32x128xf32, #tpu.memory_space<vmem>>) dst(%dma_wait3A_153 : memref<10016x128xf32, #tpu.memory_space<vmem_shared>>)
    %dma_wait3A_154 = arith.constant 32 : i32
    %dma_wait3A_155 = arith.constant 0 : i32
    %dma_wait3A_156 = tpu.memref_slice %arg22[%dma_wait3A_154, %dma_wait3A_155] : memref<64x128xf32, #tpu.memory_space<vmem>> -> memref<32x128xf32, #tpu.memory_space<vmem>>
    %dma_wait3A_157 = arith.constant 0 : i32
    %dma_wait3A_158 = arith.constant 0 : i32
    %dma_wait3A_159 = tpu.memref_slice %arg24[%dma_wait3A_157, %dma_wait3A_158] : memref<80x128xf32, #tpu.memory_space<vmem_shared>> -> memref<80x128xf32, #tpu.memory_space<vmem_shared>>
    tpu.wait_indirect_dma semaphore(%arg30 : memref<!tpu.dma_semaphore, #tpu.memory_space<semaphore_mem>>) src(%dma_wait3A_156 : memref<32x128xf32, #tpu.memory_space<vmem>>) dst(%dma_wait3A_159 : memref<80x128xf32, #tpu.memory_space<vmem_shared>>)
    %barrier3A_160 = arith.constant 0 : index
    tpu.barrier barrier_id(%barrier3A_160)
    %scan3A_161 = arith.constant 0 : i32
    %scan3A_162 = arith.constant 0 : i32
    %scan3A_163 = arith.constant 156 : i32
    %scan3A_164 = arith.addi %scan3A_162, %scan3A_163 : i32
    %scan3A_165 = arith.constant 1 : i32
    %scan3A_166 = scf.for %scan3A_178 = %scan3A_162 to %scan3A_164 step %scan3A_165 iter_args(%scan3A_179 = %scan3A_161) -> (i32)  : i32 {
      %rem3A = arith.constant 16 : i32
      %rem3A_180 = arith.remsi %scan3A_178, %rem3A : i32
      %eq3A_181 = arith.cmpi eq, %rem3A_180, %arg1 : i32
      %convert_element_type3A_182 = arith.extui %eq3A_181 : i1 to i32
      %cond3A_183 = arith.constant 0 : i32
      %cond3A_184 = arith.cmpi ne, %convert_element_type3A_182, %cond3A_183 : i32
      scf.if %cond3A_184 {
        %mul3A_186 = arith.constant 2 : i32
        %mul3A_187 = arith.muli %scan3A_178, %mul3A_186 : i32
        %mul3A_188 = arith.constant 32 : i32
        %mul3A_189 = arith.muli %mul3A_187, %mul3A_188 : i32
        "tpu.region"() ({
          %run_scoped3A_190 = tpu.sem_alloc : memref<!tpu.dma_semaphore, #tpu.memory_space<semaphore_mem>>
          %dma_start3A_191 = arith.constant 0 : i32
          %dma_start3A_192 = arith.constant 0 : i32
          %dma_start3A_193 = tpu.memref_slice %arg7[%arg0, %dma_start3A_191, %dma_start3A_192] : memref<2x10240x128xf32, #tpu.memory_space<hbm>> -> memref<1x10240x128xf32, #tpu.memory_space<hbm>>
          %dma_start3A_194 = tpu.memref_squeeze %dma_start3A_193 : memref<1x10240x128xf32, #tpu.memory_space<hbm>> -> memref<10240x128xf32, #tpu.memory_space<hbm>>
          %dma_start3A_195 = arith.constant 0 : i32
          %dma_start3A_196 = tpu.memref_slice %dma_start3A_194[%mul3A_189, %dma_start3A_195] : memref<10240x128xf32, #tpu.memory_space<hbm>> -> memref<64x128xf32, #tpu.memory_space<hbm>>
          %dma_start3A_197 = arith.constant 0 : i32
          %dma_start3A_198 = tpu.memref_slice %arg23[%mul3A_189, %dma_start3A_197] : memref<10016x128xf32, #tpu.memory_space<vmem_shared>> -> memref<64x128xf32, #tpu.memory_space<vmem_shared>>
          tpu.enqueue_dma source(%dma_start3A_198 : memref<64x128xf32, #tpu.memory_space<vmem_shared>>) target(%dma_start3A_196 : memref<64x128xf32, #tpu.memory_space<hbm>>) target_semaphore(%run_scoped3A_190 : memref<!tpu.dma_semaphore, #tpu.memory_space<semaphore_mem>>)
          %dma_wait3A_199 = arith.constant 0 : i32
          %dma_wait3A_200 = arith.constant 0 : i32
          %dma_wait3A_201 = tpu.memref_slice %arg7[%arg0, %dma_wait3A_199, %dma_wait3A_200] : memref<2x10240x128xf32, #tpu.memory_space<hbm>> -> memref<1x10240x128xf32, #tpu.memory_space<hbm>>
          %dma_wait3A_202 = tpu.memref_squeeze %dma_wait3A_201 : memref<1x10240x128xf32, #tpu.memory_space<hbm>> -> memref<10240x128xf32, #tpu.memory_space<hbm>>
          %dma_wait3A_203 = arith.constant 0 : i32
          %dma_wait3A_204 = tpu.memref_slice %dma_wait3A_202[%mul3A_189, %dma_wait3A_203] : memref<10240x128xf32, #tpu.memory_space<hbm>> -> memref<64x128xf32, #tpu.memory_space<hbm>>
          %dma_wait3A_205 = arith.constant 0 : i32
          %dma_wait3A_206 = tpu.memref_slice %arg23[%mul3A_189, %dma_wait3A_205] : memref<10016x128xf32, #tpu.memory_space<vmem_shared>> -> memref<64x128xf32, #tpu.memory_space<vmem_shared>>
          tpu.wait_dma2 semaphore(%run_scoped3A_190 : memref<!tpu.dma_semaphore, #tpu.memory_space<semaphore_mem>>) src(%dma_wait3A_206 : memref<64x128xf32, #tpu.memory_space<vmem_shared>>) dst(%dma_wait3A_204 : memref<64x128xf32, #tpu.memory_space<hbm>>)
          tpu.yield
        }) : () -> ()
      } else {
      }
      %scan3A_185 = arith.constant 0 : i32
      scf.yield %scan3A_185 : i32
    }
    %scan3A_167 = arith.constant 156 : i32
    %eq3A_168 = arith.constant 2 : i32
    %eq3A_169 = arith.cmpi eq, %arg1, %eq3A_168 : i32
    %convert_element_type3A_170 = arith.extui %eq3A_169 : i1 to i32
    %cond3A_171 = arith.constant 0 : i32
    %cond3A_172 = arith.cmpi ne, %convert_element_type3A_170, %cond3A_171 : i32
    scf.if %cond3A_172 {
      "tpu.region"() ({
        %run_scoped3A_178 = tpu.sem_alloc : memref<!tpu.dma_semaphore, #tpu.memory_space<semaphore_mem>>
        %dma_start3A_179 = arith.constant 0 : i32
        %dma_start3A_180 = arith.constant 0 : i32
        %dma_start3A_181 = tpu.memref_slice %arg7[%arg0, %dma_start3A_179, %dma_start3A_180] : memref<2x10240x128xf32, #tpu.memory_space<hbm>> -> memref<1x10240x128xf32, #tpu.memory_space<hbm>>
        %dma_start3A_182 = tpu.memref_squeeze %dma_start3A_181 : memref<1x10240x128xf32, #tpu.memory_space<hbm>> -> memref<10240x128xf32, #tpu.memory_space<hbm>>
        %dma_start3A_183 = arith.constant 9984 : i32
        %dma_start3A_184 = arith.constant 0 : i32
        %dma_start3A_185 = tpu.memref_slice %dma_start3A_182[%dma_start3A_183, %dma_start3A_184] : memref<10240x128xf32, #tpu.memory_space<hbm>> -> memref<32x128xf32, #tpu.memory_space<hbm>>
        %dma_start3A_186 = arith.constant 9984 : i32
        %dma_start3A_187 = arith.constant 0 : i32
        %dma_start3A_188 = tpu.memref_slice %arg23[%dma_start3A_186, %dma_start3A_187] : memref<10016x128xf32, #tpu.memory_space<vmem_shared>> -> memref<32x128xf32, #tpu.memory_space<vmem_shared>>
        tpu.enqueue_dma source(%dma_start3A_188 : memref<32x128xf32, #tpu.memory_space<vmem_shared>>) target(%dma_start3A_185 : memref<32x128xf32, #tpu.memory_space<hbm>>) target_semaphore(%run_scoped3A_178 : memref<!tpu.dma_semaphore, #tpu.memory_space<semaphore_mem>>)
        %dma_wait3A_189 = arith.constant 0 : i32
        %dma_wait3A_190 = arith.constant 0 : i32
        %dma_wait3A_191 = tpu.memref_slice %arg7[%arg0, %dma_wait3A_189, %dma_wait3A_190] : memref<2x10240x128xf32, #tpu.memory_space<hbm>> -> memref<1x10240x128xf32, #tpu.memory_space<hbm>>
        %dma_wait3A_192 = tpu.memref_squeeze %dma_wait3A_191 : memref<1x10240x128xf32, #tpu.memory_space<hbm>> -> memref<10240x128xf32, #tpu.memory_space<hbm>>
        %dma_wait3A_193 = arith.constant 9984 : i32
        %dma_wait3A_194 = arith.constant 0 : i32
        %dma_wait3A_195 = tpu.memref_slice %dma_wait3A_192[%dma_wait3A_193, %dma_wait3A_194] : memref<10240x128xf32, #tpu.memory_space<hbm>> -> memref<32x128xf32, #tpu.memory_space<hbm>>
        %dma_wait3A_196 = arith.constant 9984 : i32
        %dma_wait3A_197 = arith.constant 0 : i32
        %dma_wait3A_198 = tpu.memref_slice %arg23[%dma_wait3A_196, %dma_wait3A_197] : memref<10016x128xf32, #tpu.memory_space<vmem_shared>> -> memref<32x128xf32, #tpu.memory_space<vmem_shared>>
        tpu.wait_dma2 semaphore(%run_scoped3A_178 : memref<!tpu.dma_semaphore, #tpu.memory_space<semaphore_mem>>) src(%dma_wait3A_198 : memref<32x128xf32, #tpu.memory_space<vmem_shared>>) dst(%dma_wait3A_195 : memref<32x128xf32, #tpu.memory_space<hbm>>)
        tpu.yield
      }) : () -> ()
    } else {
    }
    %eq3A_173 = arith.constant 0 : i32
    %eq3A_174 = arith.cmpi eq, %arg1, %eq3A_173 : i32
    %convert_element_type3A_175 = arith.extui %eq3A_174 : i1 to i32
    %cond3A_176 = arith.constant 0 : i32
    %cond3A_177 = arith.cmpi ne, %convert_element_type3A_175, %cond3A_176 : i32
    scf.if %cond3A_177 {
      "tpu.region"() ({
        %run_scoped3A_178 = tpu.sem_alloc : memref<!tpu.dma_semaphore, #tpu.memory_space<semaphore_mem>>
        %dma_start3A_179 = arith.constant 0 : i32
        %dma_start3A_180 = arith.constant 0 : i32
        %dma_start3A_181 = tpu.memref_slice %arg8[%arg0, %dma_start3A_179, %dma_start3A_180] : memref<2x80x128xf32, #tpu.memory_space<hbm>> -> memref<1x80x128xf32, #tpu.memory_space<hbm>>
        %dma_start3A_182 = tpu.memref_squeeze %dma_start3A_181 : memref<1x80x128xf32, #tpu.memory_space<hbm>> -> memref<80x128xf32, #tpu.memory_space<hbm>>
        tpu.enqueue_dma source(%arg24 : memref<80x128xf32, #tpu.memory_space<vmem_shared>>) target(%dma_start3A_182 : memref<80x128xf32, #tpu.memory_space<hbm>>) target_semaphore(%run_scoped3A_178 : memref<!tpu.dma_semaphore, #tpu.memory_space<semaphore_mem>>)
        %dma_wait3A_183 = arith.constant 0 : i32
        %dma_wait3A_184 = arith.constant 0 : i32
        %dma_wait3A_185 = tpu.memref_slice %arg8[%arg0, %dma_wait3A_183, %dma_wait3A_184] : memref<2x80x128xf32, #tpu.memory_space<hbm>> -> memref<1x80x128xf32, #tpu.memory_space<hbm>>
        %dma_wait3A_186 = tpu.memref_squeeze %dma_wait3A_185 : memref<1x80x128xf32, #tpu.memory_space<hbm>> -> memref<80x128xf32, #tpu.memory_space<hbm>>
        tpu.wait_dma2 semaphore(%run_scoped3A_178 : memref<!tpu.dma_semaphore, #tpu.memory_space<semaphore_mem>>) src(%arg24 : memref<80x128xf32, #tpu.memory_space<vmem_shared>>) dst(%dma_wait3A_186 : memref<80x128xf32, #tpu.memory_space<hbm>>)
        tpu.yield
      }) : () -> ()
    } else {
    }
    return
  }
}

module attributes {stable_mosaic.version = 14 : i64} {
  func.func @_mm_body(%arg0: i32, %arg1: memref<512x256xf32, #tpu.memory_space<vmem>>, %arg2: memref<512x256xf32, #tpu.memory_space<vmem>>, %arg3: memref<256x256xf32, #tpu.memory_space<vmem>>, %arg4: memref<256x256xf32, #tpu.memory_space<vmem>>, %arg5: memref<256x256xf32, #tpu.memory_space<vmem>>, %arg6: memref<1x256xf32, #tpu.memory_space<vmem>>, %arg7: memref<1x256xf32, #tpu.memory_space<vmem>>, %arg8: memref<1x1xf32, #tpu.memory_space<vmem>>, %arg9: memref<512x256xf32, #tpu.memory_space<vmem>>, %arg10: memref<512x256xf32, #tpu.memory_space<vmem>>, %arg11: memref<512x256xf32, #tpu.memory_space<vmem>>, %arg12: memref<512x16xf32, #tpu.memory_space<vmem>>, %arg13: memref<512x16xf32, #tpu.memory_space<vmem>>, %arg14: memref<512x16xf32, #tpu.memory_space<vmem>>) attributes {dimension_semantics = [#tpu.dimension_semantics<arbitrary>], iteration_bounds = array<i64: 20>, scalar_prefetch = 0 : i64, scratch_operands = 0 : i64, tpu.core_type = #tpu.core_type<tc>, window_params = [{transform_indices = @transform_0, window_bounds = array<i64: 512, 256>}, {transform_indices = @transform_1, window_bounds = array<i64: 512, 256>}, {pipeline_mode = #tpu.pipeline_mode<synchronous>, transform_indices = @transform_2, window_bounds = array<i64: 256, 256>}, {pipeline_mode = #tpu.pipeline_mode<synchronous>, transform_indices = @transform_3, window_bounds = array<i64: 256, 256>}, {pipeline_mode = #tpu.pipeline_mode<synchronous>, transform_indices = @transform_4, window_bounds = array<i64: 256, 256>}, {pipeline_mode = #tpu.pipeline_mode<synchronous>, transform_indices = @transform_5, window_bounds = array<i64: 1, 256>}, {pipeline_mode = #tpu.pipeline_mode<synchronous>, transform_indices = @transform_6, window_bounds = array<i64: 1, 256>}, {pipeline_mode = #tpu.pipeline_mode<synchronous>, transform_indices = @transform_7, window_bounds = array<i64: 1, 1>}, {transform_indices = @transform_8, window_bounds = array<i64: 512, 256>}, {transform_indices = @transform_9, window_bounds = array<i64: 512, 256>}, {transform_indices = @transform_10, window_bounds = array<i64: 512, 256>}, {transform_indices = @transform_11, window_bounds = array<i64: 512, 16>}, {transform_indices = @transform_12, window_bounds = array<i64: 512, 16>}, {transform_indices = @transform_13, window_bounds = array<i64: 512, 16>}]} {
    %get3A = arith.constant 0 : index
    %get3A_0 = arith.constant 0 : index
    %get3A_1 = vector.load %arg1[%get3A, %get3A_0] : memref<512x256xf32, #tpu.memory_space<vmem>>, vector<512x256xf32>
    %get3A_2 = arith.constant 0 : index
    %get3A_3 = arith.constant 0 : index
    %get3A_4 = vector.load %arg2[%get3A_2, %get3A_3] : memref<512x256xf32, #tpu.memory_space<vmem>>, vector<512x256xf32>
    %get3A_5 = arith.constant 0 : index
    %get3A_6 = arith.constant 0 : index
    %get3A_7 = vector.load %arg3[%get3A_5, %get3A_6] : memref<256x256xf32, #tpu.memory_space<vmem>>, vector<256x256xf32>
    %dot_general3A = arith.constant dense<0.000000e+00> : vector<512x256xf32>
    %dot_general3A_8 = tpu.matmul %get3A_1, %get3A_7, %dot_general3A {dimension_numbers = #tpu.dot_dimension_numbers<[1], [1], [0], [0], [0, 0, 1, 0], [], []>, transpose_lhs_hint = false} : vector<512x256xf32>, vector<256x256xf32>, vector<512x256xf32> -> vector<512x256xf32>
    %get3A_9 = arith.constant 0 : index
    %get3A_10 = arith.constant 0 : index
    %get3A_11 = vector.load %arg6[%get3A_9, %get3A_10] : memref<1x256xf32, #tpu.memory_space<vmem>>, vector<1x256xf32>
    %add3A = vector.broadcast %get3A_11 : vector<1x256xf32> to vector<512x256xf32>
    %add3A_12 = arith.addf %dot_general3A_8, %add3A : vector<512x256xf32>
    %get3A_13 = arith.constant 0 : index
    %get3A_14 = arith.constant 0 : index
    %get3A_15 = vector.load %arg4[%get3A_13, %get3A_14] : memref<256x256xf32, #tpu.memory_space<vmem>>, vector<256x256xf32>
    %dot_general3A_16 = arith.constant dense<0.000000e+00> : vector<512x256xf32>
    %dot_general3A_17 = tpu.matmul %get3A_4, %get3A_15, %dot_general3A_16 {dimension_numbers = #tpu.dot_dimension_numbers<[1], [1], [0], [0], [0, 0, 1, 0], [], []>, transpose_lhs_hint = false} : vector<512x256xf32>, vector<256x256xf32>, vector<512x256xf32> -> vector<512x256xf32>
    %get3A_18 = arith.constant 0 : index
    %get3A_19 = arith.constant 0 : index
    %get3A_20 = vector.load %arg5[%get3A_18, %get3A_19] : memref<256x256xf32, #tpu.memory_space<vmem>>, vector<256x256xf32>
    %dot_general3A_21 = arith.constant dense<0.000000e+00> : vector<512x256xf32>
    %dot_general3A_22 = tpu.matmul %get3A_1, %get3A_20, %dot_general3A_21 {dimension_numbers = #tpu.dot_dimension_numbers<[1], [1], [0], [0], [0, 0, 1, 0], [], []>, transpose_lhs_hint = false} : vector<512x256xf32>, vector<256x256xf32>, vector<512x256xf32> -> vector<512x256xf32>
    %swap3A = arith.constant 0 : index
    %swap3A_23 = arith.constant 0 : index
    %swap3A_24 = vector.load %arg9[%swap3A, %swap3A_23] : memref<512x256xf32, #tpu.memory_space<vmem>>, vector<512x256xf32>
    tpu.vector_store %arg9[%swap3A, %swap3A_23], %add3A_12 {strides = array<i32>} : memref<512x256xf32, #tpu.memory_space<vmem>>, vector<512x256xf32>,
    %swap3A_25 = arith.constant 0 : index
    %swap3A_26 = arith.constant 0 : index
    %swap3A_27 = vector.load %arg10[%swap3A_25, %swap3A_26] : memref<512x256xf32, #tpu.memory_space<vmem>>, vector<512x256xf32>
    tpu.vector_store %arg10[%swap3A_25, %swap3A_26], %dot_general3A_17 {strides = array<i32>} : memref<512x256xf32, #tpu.memory_space<vmem>>, vector<512x256xf32>,
    %swap3A_28 = arith.constant 0 : index
    %swap3A_29 = arith.constant 0 : index
    %swap3A_30 = vector.load %arg11[%swap3A_28, %swap3A_29] : memref<512x256xf32, #tpu.memory_space<vmem>>, vector<512x256xf32>
    tpu.vector_store %arg11[%swap3A_28, %swap3A_29], %dot_general3A_22 {strides = array<i32>} : memref<512x256xf32, #tpu.memory_space<vmem>>, vector<512x256xf32>,
    %get3A_31 = arith.constant 0 : index
    %get3A_32 = arith.constant 0 : index
    %get3A_33 = vector.load %arg7[%get3A_31, %get3A_32] : memref<1x256xf32, #tpu.memory_space<vmem>>, vector<1x256xf32>
    %mul3A = vector.broadcast %get3A_33 : vector<1x256xf32> to vector<512x256xf32>
    %mul3A_34 = arith.mulf %add3A_12, %mul3A : vector<512x256xf32>
    %reduce_sum3A = arith.constant dense<0.000000e+00> : vector<512xf32>
    %reduce_sum3A_35 = vector.multi_reduction <add>, %mul3A_34, %reduce_sum3A [1] : vector<512x256xf32> to vector<512xf32>
    %broadcast_in_dim3A = vector.shape_cast %reduce_sum3A_35 : vector<512xf32> to vector<512x1xf32>
    %get3A_36 = arith.constant 0 : index
    %get3A_37 = arith.constant 0 : index
    %get3A_38 = vector.load %arg8[%get3A_36, %get3A_37] : memref<1x1xf32, #tpu.memory_space<vmem>>, vector<1x1xf32>
    %add3A_39 = vector.broadcast %get3A_38 : vector<1x1xf32> to vector<512x1xf32>
    %add3A_40 = arith.addf %broadcast_in_dim3A, %add3A_39 : vector<512x1xf32>
    %mul3A_41 = vector.broadcast %get3A_33 : vector<1x256xf32> to vector<512x256xf32>
    %mul3A_42 = arith.mulf %dot_general3A_17, %mul3A_41 : vector<512x256xf32>
    %reduce_sum3A_43 = arith.constant dense<0.000000e+00> : vector<512xf32>
    %reduce_sum3A_44 = vector.multi_reduction <add>, %mul3A_42, %reduce_sum3A_43 [1] : vector<512x256xf32> to vector<512xf32>
    %broadcast_in_dim3A_45 = vector.shape_cast %reduce_sum3A_44 : vector<512xf32> to vector<512x1xf32>
    %mul3A_46 = vector.broadcast %get3A_33 : vector<1x256xf32> to vector<512x256xf32>
    %mul3A_47 = arith.mulf %dot_general3A_22, %mul3A_46 : vector<512x256xf32>
    %reduce_sum3A_48 = arith.constant dense<0.000000e+00> : vector<512xf32>
    %reduce_sum3A_49 = vector.multi_reduction <add>, %mul3A_47, %reduce_sum3A_48 [1] : vector<512x256xf32> to vector<512xf32>
    %broadcast_in_dim3A_50 = vector.shape_cast %reduce_sum3A_49 : vector<512xf32> to vector<512x1xf32>
    %broadcast_in_dim3A_51 = vector.shape_cast %add3A_40 : vector<512x1xf32> to vector<512x1xf32>
    %broadcast_in_dim3A_52 = vector.broadcast %broadcast_in_dim3A_51 : vector<512x1xf32> to vector<512x16xf32>
    %swap3A_53 = arith.constant 0 : index
    %swap3A_54 = arith.constant 0 : index
    %swap3A_55 = vector.load %arg12[%swap3A_53, %swap3A_54] : memref<512x16xf32, #tpu.memory_space<vmem>>, vector<512x16xf32>
    tpu.vector_store %arg12[%swap3A_53, %swap3A_54], %broadcast_in_dim3A_52 {strides = array<i32>} : memref<512x16xf32, #tpu.memory_space<vmem>>, vector<512x16xf32>,
    %broadcast_in_dim3A_56 = vector.shape_cast %broadcast_in_dim3A_45 : vector<512x1xf32> to vector<512x1xf32>
    %broadcast_in_dim3A_57 = vector.broadcast %broadcast_in_dim3A_56 : vector<512x1xf32> to vector<512x16xf32>
    %swap3A_58 = arith.constant 0 : index
    %swap3A_59 = arith.constant 0 : index
    %swap3A_60 = vector.load %arg13[%swap3A_58, %swap3A_59] : memref<512x16xf32, #tpu.memory_space<vmem>>, vector<512x16xf32>
    tpu.vector_store %arg13[%swap3A_58, %swap3A_59], %broadcast_in_dim3A_57 {strides = array<i32>} : memref<512x16xf32, #tpu.memory_space<vmem>>, vector<512x16xf32>,
    %broadcast_in_dim3A_61 = vector.shape_cast %broadcast_in_dim3A_50 : vector<512x1xf32> to vector<512x1xf32>
    %broadcast_in_dim3A_62 = vector.broadcast %broadcast_in_dim3A_61 : vector<512x1xf32> to vector<512x16xf32>
    %swap3A_63 = arith.constant 0 : index
    %swap3A_64 = arith.constant 0 : index
    %swap3A_65 = vector.load %arg14[%swap3A_63, %swap3A_64] : memref<512x16xf32, #tpu.memory_space<vmem>>, vector<512x16xf32>
    tpu.vector_store %arg14[%swap3A_63, %swap3A_64], %broadcast_in_dim3A_62 {strides = array<i32>} : memref<512x16xf32, #tpu.memory_space<vmem>>, vector<512x16xf32>,
    return
  }
  func.func @transform_0(%arg0: i32) -> (i32, i32) {
    %c0_i32 = arith.constant 0 : i32
    %c0_i32_0 = arith.constant 0 : i32
    return %arg0, %c0_i32 : i32, i32
  }
  func.func @transform_1(%arg0: i32) -> (i32, i32) {
    %c0_i32 = arith.constant 0 : i32
    %c0_i32_0 = arith.constant 0 : i32
    return %arg0, %c0_i32 : i32, i32
  }
  func.func @transform_2(%arg0: i32) -> (i32, i32) {
    %c0_i32 = arith.constant 0 : i32
    %c0_i32_0 = arith.constant 0 : i32
    %c0_i32_1 = arith.constant 0 : i32
    return %c0_i32, %c0_i32_0 : i32, i32
  }
  func.func @transform_3(%arg0: i32) -> (i32, i32) {
    %c0_i32 = arith.constant 0 : i32
    %c0_i32_0 = arith.constant 0 : i32
    %c0_i32_1 = arith.constant 0 : i32
    return %c0_i32, %c0_i32_0 : i32, i32
  }
  func.func @transform_4(%arg0: i32) -> (i32, i32) {
    %c0_i32 = arith.constant 0 : i32
    %c0_i32_0 = arith.constant 0 : i32
    %c0_i32_1 = arith.constant 0 : i32
    return %c0_i32, %c0_i32_0 : i32, i32
  }
  func.func @transform_5(%arg0: i32) -> (i32, i32) {
    %c0_i32 = arith.constant 0 : i32
    %c0_i32_0 = arith.constant 0 : i32
    %c0_i32_1 = arith.constant 0 : i32
    return %c0_i32, %c0_i32_0 : i32, i32
  }
  func.func @transform_6(%arg0: i32) -> (i32, i32) {
    %c0_i32 = arith.constant 0 : i32
    %c0_i32_0 = arith.constant 0 : i32
    %c0_i32_1 = arith.constant 0 : i32
    return %c0_i32, %c0_i32_0 : i32, i32
  }
  func.func @transform_7(%arg0: i32) -> (i32, i32) {
    %c0_i32 = arith.constant 0 : i32
    %c0_i32_0 = arith.constant 0 : i32
    %c0_i32_1 = arith.constant 0 : i32
    return %c0_i32, %c0_i32_0 : i32, i32
  }
  func.func @transform_8(%arg0: i32) -> (i32, i32) {
    %c0_i32 = arith.constant 0 : i32
    %c0_i32_0 = arith.constant 0 : i32
    return %arg0, %c0_i32 : i32, i32
  }
  func.func @transform_9(%arg0: i32) -> (i32, i32) {
    %c0_i32 = arith.constant 0 : i32
    %c0_i32_0 = arith.constant 0 : i32
    return %arg0, %c0_i32 : i32, i32
  }
  func.func @transform_10(%arg0: i32) -> (i32, i32) {
    %c0_i32 = arith.constant 0 : i32
    %c0_i32_0 = arith.constant 0 : i32
    return %arg0, %c0_i32 : i32, i32
  }
  func.func @transform_11(%arg0: i32) -> (i32, i32) {
    %c0_i32 = arith.constant 0 : i32
    %c0_i32_0 = arith.constant 0 : i32
    return %arg0, %c0_i32 : i32, i32
  }
  func.func @transform_12(%arg0: i32) -> (i32, i32) {
    %c0_i32 = arith.constant 0 : i32
    %c0_i32_0 = arith.constant 0 : i32
    return %arg0, %c0_i32 : i32, i32
  }
  func.func @transform_13(%arg0: i32) -> (i32, i32) {
    %c0_i32 = arith.constant 0 : i32
    %c0_i32_0 = arith.constant 0 : i32
    return %arg0, %c0_i32 : i32, i32
  }
}

module attributes {stable_mosaic.version = 14 : i64} {
  func.func @_epi_body(%arg0: i32, %arg1: memref<512x256xf32, #tpu.memory_space<vmem>>, %arg2: memref<1x512x128xf32, #tpu.memory_space<vmem>>, %arg3: memref<1x512x128xf32, #tpu.memory_space<vmem>>, %arg4: memref<512x1xf32, #tpu.memory_space<vmem>>, %arg5: memref<512x256xf32, #tpu.memory_space<vmem>>) attributes {dimension_semantics = [#tpu.dimension_semantics<arbitrary>], iteration_bounds = array<i64: 20>, scalar_prefetch = 0 : i64, scratch_operands = 0 : i64, tpu.core_type = #tpu.core_type<tc>, window_params = [{transform_indices = @transform_0, window_bounds = array<i64: 512, 256>}, {transform_indices = @transform_1, window_bounds = array<i64: 1, 512, 128>}, {transform_indices = @transform_2, window_bounds = array<i64: 1, 512, 128>}, {transform_indices = @transform_3, window_bounds = array<i64: 512, 1>}, {transform_indices = @transform_4, window_bounds = array<i64: 512, 256>}]} {
    %get3A = arith.constant 0 : index
    %get3A_0 = arith.constant 0 : index
    %get3A_1 = arith.constant 0 : index
    %get3A_2 = vector.load %arg2[%get3A, %get3A_0, %get3A_1] : memref<1x512x128xf32, #tpu.memory_space<vmem>>, vector<1x512x128xf32>
    %get3A_3 = vector.shape_cast %get3A_2 : vector<1x512x128xf32> to vector<512x128xf32>
    %get3A_4 = arith.constant 0 : index
    %get3A_5 = arith.constant 0 : index
    %get3A_6 = arith.constant 0 : index
    %get3A_7 = vector.load %arg3[%get3A_4, %get3A_5, %get3A_6] : memref<1x512x128xf32, #tpu.memory_space<vmem>>, vector<1x512x128xf32>
    %get3A_8 = vector.shape_cast %get3A_7 : vector<1x512x128xf32> to vector<512x128xf32>
    %concatenate3A = tpu.concatenate %get3A_3, %get3A_8 in 1 : vector<512x128xf32>, vector<512x128xf32> -> vector<512x256xf32>
    %get3A_9 = arith.constant 0 : index
    %get3A_10 = arith.constant 0 : index
    %get3A_11 = vector.load %arg4[%get3A_9, %get3A_10] : memref<512x1xf32, #tpu.memory_space<vmem>>, vector<512x1xf32>
    %get3A_12 = arith.constant 0 : index
    %get3A_13 = arith.constant 0 : index
    %get3A_14 = vector.load %arg1[%get3A_12, %get3A_13] : memref<512x256xf32, #tpu.memory_space<vmem>>, vector<512x256xf32>
    %mul3A = vector.broadcast %get3A_11 : vector<512x1xf32> to vector<512x256xf32>
    %mul3A_15 = arith.mulf %mul3A, %get3A_14 : vector<512x256xf32>
    %add3A = arith.addf %mul3A_15, %concatenate3A : vector<512x256xf32>
    %eq3A = arith.constant 0.000000e+00 : f32
    %eq3A_16 = vector.broadcast %eq3A : f32 to vector<512x1xf32>
    %eq3A_17 = arith.cmpf oeq, %get3A_11, %eq3A_16 : vector<512x1xf32>
    %jit3A = arith.constant 9.99999996E-13 : f32
    %broadcast_in_dim3A = vector.broadcast %jit3A : f32 to vector<512x1xf32>
    %select_n3A = arith.select %eq3A_17, %broadcast_in_dim3A, %get3A_11 : vector<512x1xi1>, vector<512x1xf32>
    %div3A = vector.broadcast %select_n3A : vector<512x1xf32> to vector<512x256xf32>
    %div3A_18 = arith.divf %add3A, %div3A : vector<512x256xf32>
    %gt3A = arith.constant 0.000000e+00 : f32
    %gt3A_19 = vector.broadcast %gt3A : f32 to vector<512x256xf32>
    %gt3A_20 = arith.cmpf ogt, %div3A_18, %gt3A_19 : vector<512x256xf32>
    %min3A = arith.constant 0.000000e+00 : f32
    %min3A_21 = vector.broadcast %min3A : f32 to vector<512x256xf32>
    %min3A_22 = arith.minimumf %div3A_18, %min3A_21 : vector<512x256xf32>
    %exp3A = math.exp %min3A_22 : vector<512x256xf32>
    %sub3A = arith.constant 1.000000e+00 : f32
    %sub3A_23 = vector.broadcast %sub3A : f32 to vector<512x256xf32>
    %sub3A_24 = arith.subf %exp3A, %sub3A_23 : vector<512x256xf32>
    %select_n3A_25 = arith.select %gt3A_20, %div3A_18, %sub3A_24 : vector<512x256xi1>, vector<512x256xf32>
    %swap3A = arith.constant 0 : index
    %swap3A_26 = arith.constant 0 : index
    %swap3A_27 = vector.load %arg5[%swap3A, %swap3A_26] : memref<512x256xf32, #tpu.memory_space<vmem>>, vector<512x256xf32>
    tpu.vector_store %arg5[%swap3A, %swap3A_26], %select_n3A_25 {strides = array<i32>} : memref<512x256xf32, #tpu.memory_space<vmem>>, vector<512x256xf32>,
    return
  }
  func.func @transform_0(%arg0: i32) -> (i32, i32) {
    %c0_i32 = arith.constant 0 : i32
    %c0_i32_0 = arith.constant 0 : i32
    return %arg0, %c0_i32 : i32, i32
  }
  func.func @transform_1(%arg0: i32) -> (i32, i32, i32) {
    %c0_i32 = arith.constant 0 : i32
    %c0_i32_0 = arith.constant 0 : i32
    %c0_i32_1 = arith.constant 0 : i32
    return %c0_i32, %arg0, %c0_i32_0 : i32, i32, i32
  }
  func.func @transform_2(%arg0: i32) -> (i32, i32, i32) {
    %c1_i32 = arith.constant 1 : i32
    %c0_i32 = arith.constant 0 : i32
    %c0_i32_0 = arith.constant 0 : i32
    return %c1_i32, %arg0, %c0_i32 : i32, i32, i32
  }
  func.func @transform_3(%arg0: i32) -> (i32, i32) {
    %c0_i32 = arith.constant 0 : i32
    %c0_i32_0 = arith.constant 0 : i32
    return %arg0, %c0_i32 : i32, i32
  }
  func.func @transform_4(%arg0: i32) -> (i32, i32) {
    %c0_i32 = arith.constant 0 : i32
    %c0_i32_0 = arith.constant 0 : i32
    return %arg0, %c0_i32 : i32, i32
  }
}

</mosaic_0001>

<sc_bundles>
// kernel: kernel.5.cloned.1.call-start
scs
__scs_entry_jumppad:
0x0: {  	(pc) =	sbr.rel $0x88, $3  }
0x1: {  	(tag) =	ssettag $0x0;
	lr =	simm.s32 $0x1  }
0x2: {  	[smem:$0x3F9A] =	sst lr;
	_ =	strace $0xD0000000  }
0x3: {  	_ = 	snop  }
0x4: {  	_ = 	snop  }
0x5: {  	_ = 	snop  }
0x6: {  	_ = 	snop  }
0x7: {  	_ = 	snop  }
__scs_overlays_trampoline_lowered:
0x8: {  	[smem:$0x3FA9] =	sst s0  }
0x9: {  	[smem:$0x3FAA] =	sst s1  }
0xa: {  	[smem:$0x3FAB] =	sst s2  }
0xb: {  	[smem:$0x3FAC] =	sst s3  }
0xc: {  	[smem:$0x3FAD] =	sst s4  }
0xd: {  	[smem:$0x3FAE] =	sst s5  }
0xe: {  	[smem:$0x3FAF] =	sst s6  }
0xf: {  	[smem:$0x3FB0] =	sst s7  }
0x10: {  	[smem:$0x3FB1] =	sst s8  }
0x11: {  	[smem:$0x3FB2] =	sst s9;
	s0 =	simm.s32 @!p0 $0x0  }
0x12: {  	s1 =	sld [smem:$0x3F98];
	s0 =	simm.s32 @p0 $0x1  }
0x13: {  	[smem:$0x3FB3] =	sst s0;
	s0 =	simm.s32 @!p1 $0x0  }
0x14: {  	s2 =	sld [smem:$0x3F97];
	s0 =	simm.s32 @p1 $0x1  }
0x15: {  	[smem:$0x3FB4] =	sst s0;
	s0 =	simm.s32 @!p2 $0x0  }
0x16: {  	s3 =	sld [smem:$0x3FDB];
	s0 =	simm.s32 @p2 $0x1  }
0x17: {  	s4 =	simm.s32 $0x1BF5;
	[smem:$0x3FB6] =	sst s0  }
0x18: {  	s0 =	sld [smem:$0x3F99];
	_ =	swait.ge [sflag:s4], $0x0  }
0x19: {  	s7 =	sld [smem:$0x3F9A]  }
0x1a: {  	s8 =	sadd.s32 $0xFFFFE003, lr  }
0x1b: {  	s9 =	sadd.s32 $0xFFFFFEF7, lr;
	s5 =	simm.s32 $0xFFFFFFFF;
	p2 =	slt.u32 s8, $0xFFFFF086  }
0x1c: {  	p1 =	slt.u32 s9, $0xF7A;
	s5 =	simm.s32 @!p2 $0x0  }
0x1d: {  	s5 =	simm.s32 @p1 $0x1;
	p0 =	seq.s32 s7, s2  }
0x1e: {  	s7 =	smul.u32 @!p0 $0xF7A, s2;
	p2 =	seq.s32 @!p0 s5, $0x0  }
0x1f: {  	s9 =	smul.u32 $0xF7A, s1;
	s8 =	simm.s32 @!p0 $0x1BF5;
	p2 =	por !p2, p0  }
0x20: {  	[sflag:s8] =	ssyncset.s32 @!p0 $0xFFFFF086;
	s6 =	sadd.s32 @!p0 s3, s7;
	s7 =	simm.s32 @!p0 $0x108  }
0x21: {  	s3 =	sadd.s32 s3, s9;
	s6 =	sadd.s32 @!p0 $0x88, s6;
	s7 =	simm.s32 @p2 $0x1082  }
0x22: {  	[simem:s7], [sflag:s8] =	dma.local @!p0 [hbm:s6], $0xF7A  }
0x23: {  	s9 =	sor.u32 $0xD0000000, s2;
	s6 =	simm.s32 $0x108;
	_ =	swait.ge @!p0 [sflag:s8], $0x0  }
0x24: {  	s3 =	sadd.s32 $0x88, s3;
	s6 =	simm.s32 @!p1 $0x1082;
	[sflag:s4] =	ssyncset.s32 $0xFFFFF086  }
0x25: {  	[simem:s6], [sflag:s4] =	dma.local [hbm:s3], $0xF7A  }
0x26: {  	[smem:$0x3F9A] =	sst s1;
	(tag) =	ssettag s2;
	_ =	strace s9  }
0x27: {  	s1 =	sld [smem:$0x3FAA]  }
0x28: {  	s2 =	sld [smem:$0x3FAB]  }
0x29: {  	s4 =	sld [smem:$0x3FAD]  }
0x2a: {  	p0 =	seq.s32 s5, $0x0;
	s5 =	sld [smem:$0x3FAE]  }
0x2b: {  	s6 =	sld [smem:$0x3FAF]  }
0x2c: {  	s7 =	sld [smem:$0x3FB0]  }
0x2d: {  	s3 =	simm.s32 $0x108;
	s8 =	sld [smem:$0x3FB1]  }
0x2e: {  	s3 =	simm.s32 @!p0 $0x1082;
	s9 =	sld [smem:$0x3FB2]  }
0x2f: {  	lr =	sadd.s32 s0, s3;
	s0 =	sld [smem:$0x3FA9]  }
0x30: {  	s3 =	sld [smem:$0x3FAC]  }
0x31: {  	[smem:$0x3FB5] =	sst s10  }
0x32: {  	s10 =	sld [smem:$0x3FB3];
	_ =	sdelay $0x3  }
0x33: {  	p0 =	seq.s32 s10, $0x1;
	s10 =	sld [smem:$0x3FB5];
	_ =	sdelay $0x3  }
0x34: {  	[smem:$0x3FB5] =	sst s10  }
0x35: {  	s10 =	sld [smem:$0x3FB4];
	_ =	sdelay $0x3  }
0x36: {  	p1 =	seq.s32 s10, $0x1;
	s10 =	sld [smem:$0x3FB5];
	_ =	sdelay $0x3  }
0x37: {  	[smem:$0x3FB5] =	sst s10  }
0x38: {  	s10 =	sld [smem:$0x3FB6]  }
0x39: {  	_ = 	snop;
	(pc) =	sbr.ind lr, $3  }
0x3a: {  	_ = 	snop  }
0x3b: {  	_ = 	snop  }
0x3c: {  	p2 =	seq.s32 s10, $0x1;
	s10 =	sld [smem:$0x3FB5]  }
0x3d: {  	_ =	shalt  }
0x3e: {  	_ =	shalt  }
0x3f: {  	_ =	shalt  }
0x40: {  	_ =	shalt  }
0x41: {  	_ =	shalt  }
0x42: {  	_ =	shalt  }
0x43: {  	_ =	shalt  }
0x44: {  	_ =	shalt  }
0x45: {  	_ =	shalt  }
0x46: {  	_ =	shalt  }
0x47: {  	_ =	shalt  }
0x48: {  	_ =	shalt  }
0x49: {  	_ =	shalt  }
0x4a: {  	_ =	shalt  }
0x4b: {  	_ =	shalt  }
0x4c: {  	_ =	shalt  }
0x4d: {  	_ =	shalt  }
0x4e: {  	_ =	shalt  }
0x4f: {  	_ =	shalt  }
0x50: {  	_ =	shalt  }
0x51: {  	_ =	shalt  }
0x52: {  	_ =	shalt  }
0x53: {  	_ =	shalt  }
0x54: {  	_ =	shalt  }
0x55: {  	_ =	shalt  }
0x56: {  	_ =	shalt  }
0x57: {  	_ =	shalt  }
0x58: {  	_ =	shalt  }
0x59: {  	_ =	shalt  }
0x5a: {  	_ =	shalt  }
0x5b: {  	_ =	shalt  }
0x5c: {  	_ =	shalt  }
0x5d: {  	_ =	shalt  }
0x5e: {  	_ =	shalt  }
0x5f: {  	_ =	shalt  }
0x60: {  	_ =	shalt  }
0x61: {  	_ =	shalt  }
0x62: {  	_ =	shalt  }
0x63: {  	_ =	shalt  }
0x64: {  	_ =	shalt  }
0x65: {  	_ =	shalt  }
0x66: {  	_ =	shalt  }
0x67: {  	_ =	shalt  }
0x68: {  	_ =	shalt  }
0x69: {  	_ =	shalt  }
0x6a: {  	_ =	shalt  }
0x6b: {  	_ =	shalt  }
0x6c: {  	_ =	shalt  }
0x6d: {  	_ =	shalt  }
0x6e: {  	_ =	shalt  }
0x6f: {  	_ =	shalt  }
0x70: {  	_ =	shalt  }
0x71: {  	_ =	shalt  }
0x72: {  	_ =	shalt  }
0x73: {  	_ =	shalt  }
0x74: {  	_ =	shalt  }
0x75: {  	_ =	shalt  }
0x76: {  	_ =	shalt  }
0x77: {  	_ =	shalt  }
0x78: {  	_ =	shalt  }
0x79: {  	_ =	shalt  }
0x7a: {  	_ =	shalt  }
0x7b: {  	_ =	shalt  }
0x7c: {  	_ =	shalt  }
0x7d: {  	_ =	shalt  }
0x7e: {  	_ =	shalt  }
0x7f: {  	_ =	shalt  }
0x80: {  	_ =	shalt  }
0x81: {  	_ =	shalt  }
0x82: {  	_ =	shalt  }
0x83: {  	_ =	shalt  }
0x84: {  	_ =	shalt  }
0x85: {  	_ =	shalt  }
0x86: {  	_ =	shalt  }
0x87: {  	_ =	shalt  }
.Lfunc_end0:
.L_simem_size_0:
called_computation_lowered:
.L_overlay_start_0:
0x88: {  	s2 =	sld [smem:$0x3FD9]  }
0x89: {  	s3 =	sld [smem:$0x3FFE];
	_ =	sdelay $0x1  }
0x8a: {  	s1 =	srdreg.scid  }
0x8b: {  	s0 =	sand.u32 $0x1, s1  }
0x8c: {  	s17 =	sshll.u32 s0, $0xA;
	s2 =	sadd.s32 s3, s2  }
0x8d: {  	s2 =	sadd.s32 s2, s17  }
0x8e: {  	[smem:$0x3FC1] =	sst s2  }
0x8f: {  	_ = 	snop  }
0x90: {  	s2 =	sld [smem:$0x3FD0];
	(tm) =	ssettm $0x1  }
0x91: {  	s18 =	sld [smem:$0x3FFB];
	_ =	sdelay $0x3  }
0x92: {  	_ =	strace s18  }
0x93: {  	s3 =	sld [smem:$0x3FFC];
	_ =	sdelay $0x3  }
0x94: {  	_ =	strace s3  }
0x95: {  	s3 =	sld [smem:$0x3FFD];
	_ =	sdelay $0x3  }
0x96: {  	_ =	strace s3  }
0x97: {  	_ =	strace $0x8FFFFFFF  }
0x98: {  	s19 =	sld [smem:$0x3FDB];
	_ =	sdelay $0x1  }
0x99: {  	s4 =	simm.s32 $_scs_section_size  }
0x9a: {  	s5 =	simm.s32 $_size__tile_overlayer_lowered;
	s6 =	simm.s32 $_tile_overlayer_lowered  }
0x9b: {  	s22 =	simm.s32 $0x1BFF;
	s21 =	sshll.u32 s6, $0x1;
	s3 =	sadd.s32 s4, s19  }
0x9c: {  	s7 =	simm.s32 $0x0;
	s20 =	sshll.u32 s5, $0x1;
	s5 =	sadd.s32 s21, s3  }
0x9d: {  	[timem:s7], [sflag:s22] =	dma.local [hbm:s5], s20  }
0x9e: {  	_ =	swait.ge [sflag:s22], s20  }
0x9f: {  	s4 =	ssub.s32 $0x0, s20;
	[sflag:s22] =	ssyncset.done $0x0  }
0xa0: {  	[sflag:s22] =	ssyncadd.s32 s4;
	_ =	sdelay $0x1  }
0xa1: {  	s23 =	simm.s32 $0x1B8B  }
0xa2: {  	_ =	swait.ge [sflag:s23], $0x1  }
0xa3: {  	[sflag:s23] =	ssyncset.done $0x0  }
0xa4: {  	s25 =	simm.s32 $0x1B8E;
	s24 =	sld [smem:$0x3FFE];
	[sflag:s23] =	ssyncadd.s32 $0xFFFFFFFF  }
0xa5: {  	s26 =	simm.s32 $execute0_lowered;
	[smem:$0x3FD2] =	sst s25  }
0xa6: {  	s5 =	sshll.u32 s26, $0x1;
	_ =	strace $0x80000046;
	[dreg:$0x1] =	wrdreg $0xFFFFFFFF  }
0xa7: {  	s28 =	simm.s32 $_size_execute0_lowered;
	s3 =	sadd.s32 s3, s5;
	[dreg:$0x0] =	wrdreg $0x0  }
0xa8: {  	s5 =	sshll.u32 s28, $0x1;
	[dreg:$0x2] =	wrdreg s3  }
0xa9: {  	[dreg:$0x3] =	wrdreg s5  }
0xaa: {  	[dreg:$0x4] =	wrdreg $0xC0  }
0xab: {  	_ =	task [dreg:s7], $0x5FFFF  }
0xac: {  	[dreg:$0x1] =	wrdreg $0xFFFFFFFF  }
0xad: {  	[dreg:$0x0] =	wrdreg $0x60  }
0xae: {  	[dreg:$0x2] =	wrdreg s2  }
0xaf: {  	[dreg:$0x3] =	wrdreg s24  }
0xb0: {  	[dreg:$0x4] =	wrdreg $0xBC800  }
0xb1: {  	[dreg:$0x5] =	wrdreg $0x1F5800  }
0xb2: {  	[dreg:$0x6] =	wrdreg $0x9  }
0xb3: {  	_ =	task.clear_ibuf [dreg:s7], $0x7FFFF;
	_ =	strace $0x90000046  }
0xb4: {  	s29 =	simm.s32 $0x9;
	_ =	strace $0x80000048  }
0xb5: {  	_ =	swait.ge [sflag:s29], $0x1  }
0xb6: {  	[sflag:s29] =	ssyncadd.s32 $0xFFFFFFFF  }
0xb7: {  	_ =	strace $0x90000048  }
0xb8: {  	_ =	sfence  }
0xb9: {  	s30 =	sld [smem:$0x0];
	_ =	sdelay $0x2  }
0xba: {  	s31 =	sshll.u32 s1, $0xD;
	s1 =	sshrl.u32 s1, $0x2  }
0xbb: {  	s3 =	sand.u32 $0x4000, s31;
	s1 =	sadd.s32 s1, s30  }
0xbc: {  	s0 =	sor.u32 s3, s0;
	s1 =	sshll.u32 s1, $0x11  }
0xbd: {  	s0 =	sor.u32 s1, s0  }
0xbe: {  	s0 =	sadd.s32 $0x8F2B, s0  }
0xbf: {  	[sflag:s0] =	ssyncadd.remote.s32 $0x1  }
0xc0: {  	_ =	sfence.sel $0xFFFF  }
0xc1: {  	[dreg:$0x0] =	wrdreg $0xFFFFFFFF;
	(pc) =	sbr.abs _section_cstart, $3  }
0xc2: {  	[dreg:$0x1] =	wrdreg $0xFFFFFFFF  }
0xc3: {  	_ =	task.clear_ibuf [dreg:s7], $0x2FFFF;
	_ =	strace $0x9FFFFFFF  }
0xc4: {  	(tm) =	ssettm $0x7FFFFFFF  }
0xc5: {  	_ =	shalt  }
tec
execute0_lowered:
.L_overlay_start_1:
0x0: {  	(tag) =	ssettag $0x1  }
0x1: {  	s0 =	rddreg [dreg:$0x0]  }
0x2: {  	s3 =	rddreg [dreg:$0x1]  }
0x3: {  	s1 =	rddreg [dreg:$0x2]  }
0x4: {  	s2 =	rddreg [dreg:$0x3]  }
0x5: {  	s4 =	simm.s32 $0x0;
	s15 =	srdreg.scid;
	s21 =	simm.s32 $0x7C80  }
0x6: {  	s22 =	simm.s32 $0x20;
	s23 =	simm.s32 $0x7900;
	s24 =	simm.s32 $0x9C80  }
0x7: {  	s25 =	simm.s32 $0x7A00;
	s28 =	simm.s32 $0x4;
	s29 =	simm.s32 $0x6  }
0x8: {  	s31 =	simm.s32 $0x1;
	s13 =	simm.s32 $0x5;
	s14 =	simm.s32 $0x2  }
0x9: {  	[smem:$0x7FF] =	sst s4;
	s4 =	sand.u32 $0x1, s15;
	s5 =	sadd.s32 $0x50C00, s3  }
0xa: {  	s16 =	sadd.s32 $0x51800, s3;
	_ =	strace $0x80000047;
	[dreg:$0x5] =	wrdreg s5  }
0xb: {  	s6 =	sadd.s32 $0x51200, s3;
	s8 =	sadd.s32 $0x51E00, s3;
	[dreg:$0x6] =	wrdreg s16  }
0xc: {  	s19 =	sadd.s32 $0x2000, s2;
	s17 =	smul.u32 $0x28000, s4;
	[dreg:$0x7] =	wrdreg s6  }
0xd: {  	s15 =	simm.s32 $0x7;
	s7 =	smul.u32 $0x500, s4;
	s6 =	stileid.u32  }
0xe: {  	s9 =	ssub.s32 $0x2, s4;
	[dreg:$0x8] =	wrdreg s19;
	s20 =	sor.u32 $0x5000, s4  }
0xf: {  	s16 =	simm.s32 $0x2780;
	s19 =	simm.s32 $0x40;
	s18 =	sshrl.u32 s9, $0x1  }
0x10: {  	s10 =	smul.u32 $0x2840, s6;
	p0 =	seq.s32 s6, $0x0;
	p4 =	sne.s32 s6, $0x2  }
0x11: {  	s5 =	sadd.s32 s17, s3;
	s3 =	sadd.s32 s7, s3;
	s7 =	ssub.s32 s9, s18  }
0x12: {  	s18 =	sadd.s32 $0x138000, s1;
	p3 =	sne.s32 @!p0 s6, $0x1;
	s17 =	simm.s32 $0x4F00  }
0x13: {  	s9 =	simm.s32 $0x3;
	s0 =	sadd.s32 s0, s10;
	s12 =	sadd.s32 $0xC00, s5  }
0x14: {  	v0 =	vlaneseq.u32;
	s26 =	sadd.s32 $0xF1E00, s3;
	s30 =	smax.u32 s7, $0x1;
	[dreg:$0x9] =	wrdreg s18  }
0x15: {  	v5 =	vmul.u32 $0x80, v0;
	p2 =	por p3, p0;
	p3 =	por !p3, p0;
	[dreg:$0xa] =	wrdreg s0  }
0x16: {  	v2 =	vimm.f32 $0.0e+00;
	v3 =	vimm.s32 $0x0;
	v0 =	vmov s4;
	s3 =	simm.s32 $0x7B00;
	s7 =	simm.s32 $0x0;
	[dreg:$0xb] =	wrdreg s26  }
0x17: {  	v1 =	vmov s20;
	v4 =	vor.u32 $0x1000, v5;
	v5 =	vor.u32 $0x1800, v5;
	[dreg:$0xc] =	wrdreg s30;
	s26 =	simm.s32 $0xAC80;
	s0 =	simm.s32 $0x7A80  }
.LBB2_1:
0x18: {  	[dreg:$0xd] =	wrdreg s7  }
0x19: {  	s4 =	simm.s32 $0x0;
	s5 =	rddreg [dreg:$0x5]  }
0x1a: {  	[tilespmem:s4], [sflag:$0x7] =	stream.linear.gather [hbm4b:s5+s4], $0x2780, $0x38;
	[tilespmem:$0x1F800] =	vst v63  }
0x1b: {  	_ =	swait.ge [sflag:s15], $0x2780  }
0x1c: {  	[sflag:s15] =	ssyncset.done $0x0  }
0x1d: {  	s20 =	rddreg [dreg:$0x6];
	[sflag:s15] =	ssyncadd.s32 $0xFFFFD880  }
0x1e: {  	[tilespmem:s16], [sflag:$0x7] =	stream.linear.gather [hbm4b:s20+s4], $0x2780, $0x38;
	[tilespmem:$0x1F800] =	vst v63  }
0x1f: {  	_ =	swait.ge [sflag:s15], $0x2780  }
0x20: {  	[sflag:s15] =	ssyncset.done $0x0  }
0x21: {  	s30 =	rddreg [dreg:$0x7];
	[sflag:s15] =	ssyncadd.s32 $0xFFFFD880  }
0x22: {  	[tilespmem:s17], [sflag:$0x7] =	stream.linear.gather [hbm4b:s30+s4], $0x2780, $0x38;
	[tilespmem:$0x1F800] =	vst v63  }
0x23: {  	_ =	swait.ge [sflag:s15], $0x2780  }
0x24: {  	[sflag:s15] =	ssyncset.done $0x0  }
0x25: {  	s5 =	simm.s32 $0x200;
	s4 =	simm.s32 $0x0;
	[sflag:s15] =	ssyncadd.s32 $0xFFFFD880  }
.LBB2_2:
0x26: {  	p5 =	sne.s32 s5, $0x7E00;
	[tilespmem:s4+$0x9CF0] =	vst v2  }
0x27: {  	[tilespmem:s4+$0x7C80] =	vst v2  }
0x28: {  	[tilespmem:s4+$0x9C80] =	vst v2  }
0x29: {  	[tilespmem:s4+$0x7C90] =	vst v2  }
0x2a: {  	[tilespmem:s4+$0x9C90] =	vst v2  }
0x2b: {  	[tilespmem:s4+$0x7CA0] =	vst v2  }
0x2c: {  	[tilespmem:s4+$0x9CA0] =	vst v2  }
0x2d: {  	[tilespmem:s4+$0x7CB0] =	vst v2  }
0x2e: {  	[tilespmem:s4+$0x9CB0] =	vst v2  }
0x2f: {  	[tilespmem:s4+$0x7CC0] =	vst v2  }
0x30: {  	[tilespmem:s4+$0x9CC0] =	vst v2  }
.Ltmp0:
0x31: {  	[tilespmem:s4+$0x7CD0] =	vst v2;
	(pc) =	sbr.rel @p5 .LBB2_2-.Ltmp0, $4  }
0x32: {  	[tilespmem:s4+$0x9CD0] =	vst v2  }
0x33: {  	[tilespmem:s4+$0x7CE0] =	vst v2  }
0x34: {  	[tilespmem:s4+$0x9CE0] =	vst v2  }
0x35: {  	[tilespmem:s4+$0x7CF0] =	vst v2;
	s4 =	sshra.s32 s5, $0x2;
	s5 =	sadd.s32 $0x200, s5  }
0x36: {  	[tilespmem:s4+$0x9CF0] =	vst v2  }
0x37: {  	[tilespmem:s4+$0x7C80] =	vst v2  }
0x38: {  	[tilespmem:s4+$0x9C80] =	vst v2  }
0x39: {  	[tilespmem:s4+$0x7C90] =	vst v2  }
0x3a: {  	[tilespmem:s4+$0x9C90] =	vst v2  }
0x3b: {  	[tilespmem:s4+$0x7CA0] =	vst v2  }
0x3c: {  	[tilespmem:s4+$0x9CA0] =	vst v2  }
0x3d: {  	[tilespmem:s4+$0x7CB0] =	vst v2  }
0x3e: {  	[tilespmem:s4+$0x9CB0] =	vst v2  }
0x3f: {  	[tilespmem:s4+$0x7CC0] =	vst v2  }
0x40: {  	[tilespmem:s4+$0x9CC0] =	vst v2  }
0x41: {  	[tilespmem:s4+$0x7CD0] =	vst v2  }
0x42: {  	[tilespmem:s4+$0x9CD0] =	vst v2;
	s5 =	simm.s32 $0x0  }
0x43: {  	[tilespmem:s4+$0x7CE0] =	vst v2;
	s5 =	sand.u32 $0xF, s5  }
0x44: {  	[tilespmem:s4+$0x9CE0] =	vst v2;
	p5 =	sne.s32 s5, s6  }
0x45: {  	[tilespmem:s4+$0x7CF0] =	vst v2;
	s4 =	simm.s32 @!p5 $0x7C80;
	s10 =	simm.s32 @!p5 $0x7  }
0x46: {  	[spmem:s1] =	stream.linear.scatter @!p5 [tilespmem:s4], [sflag:$0x7], $0x2000, $0x38;
	[tilespmem:$0x1F800] =	vst v63  }
0x47: {  	s7 =	simm.s32 $0x2;
	_ =	swait.ge @!p5 [sflag:s10], $0x2000  }
0x48: {  	s5 =	simm.s32 $0x1;
	s4 =	sadd.s32 $0x2000, s1;
	[sflag:s10] =	ssyncset.done @!p5 $0x0  }
.LBB2_4:
0x49: {  	s11 =	sand.u32 $0xF, s5;
	s5 =	smov.u32 s7;
	s7 =	sadd.s32 $0x1, s7  }
0x4a: {  	[sflag:s10] =	ssyncadd.s32 @!p5 $0xFFFFE000;
	p6 =	sne.s32 s7, $0x9C  }
.Ltmp1:
0x4b: {  	p5 =	sne.s32 s11, s6;
	(pc) =	sbr.rel @p6 .LBB2_4-.Ltmp1, $4  }
0x4c: {  	s11 =	simm.s32 @!p5 $0x7C80;
	s10 =	simm.s32 @!p5 $0x7  }
0x4d: {  	[spmem:s4] =	stream.linear.scatter @!p5 [tilespmem:s11], [sflag:$0x7], $0x2000, $0x38;
	[tilespmem:$0x1F800] =	vst v63  }
0x4e: {  	_ =	swait.ge @!p5 [sflag:s10], $0x2000  }
0x4f: {  	s4 =	sadd.s32 $0x2000, s4;
	[sflag:s10] =	ssyncset.done @!p5 $0x0  }
0x50: {  	s5 =	sand.u32 $0xF, s5  }
0x51: {  	p6 =	sne.s32 s5, s6  }
0x52: {  	[sflag:s10] =	ssyncadd.s32 @!p5 $0xFFFFE000;
	s5 =	simm.s32 @!p6 $0x7C80;
	s7 =	simm.s32 @!p6 $0x7  }
0x53: {  	[spmem:s4] =	stream.linear.scatter @!p6 [tilespmem:s5], [sflag:$0x7], $0x2000, $0x38;
	[tilespmem:$0x1F800] =	vst v63  }
0x54: {  	_ =	swait.ge @!p6 [sflag:s7], $0x2000  }
0x55: {  	[sflag:s7] =	ssyncset.done @!p6 $0x0  }
0x56: {  	s4 =	simm.s32 @p0 $0x7C80;
	s5 =	simm.s32 @p0 $0x7;
	[sflag:s7] =	ssyncadd.s32 @!p6 $0xFFFFE000  }
0x57: {  	[spmem:s2] =	stream.linear.scatter @p0 [tilespmem:s4], [sflag:$0x7], $0x2000, $0x38;
	[tilespmem:$0x1F800] =	vst v63  }
0x58: {  	_ =	swait.ge @p0 [sflag:s5], $0x2000  }
0x59: {  	[sflag:s5] =	ssyncset.done @p0 $0x0  }
0x5a: {  	s7 =	rddreg [dreg:$0x8];
	[sflag:s5] =	ssyncadd.s32 @p0 $0xFFFFE000  }
0x5b: {  	[spmem:s7] =	stream.linear.scatter @p0 [tilespmem:s4], [sflag:$0x7], $0x800, $0x38;
	[tilespmem:$0x1F800] =	vst v63  }
0x5c: {  	_ =	swait.ge @p0 [sflag:s5], $0x800  }
0x5d: {  	[sflag:s5] =	ssyncset.done @p0 $0x0  }
0x5e: {  	s4 =	simm.s32 @!p2 $0x7C80;
	[sflag:s5] =	ssyncadd.s32 @p0 $0xFFFFF800  }
0x5f: {  	[spmem:s18] =	stream.linear.scatter @!p2 [tilespmem:s4], [sflag:$0x7], $0x1000, $0x38;
	[tilespmem:$0x1F800] =	vst v63  }
0x60: {  	s4 =	simm.s32 @!p2 $0x7  }
0x61: {  	_ =	swait.ge @!p2 [sflag:s4], $0x1000  }
0x62: {  	[sflag:s4] =	ssyncset.done @!p2 $0x0  }
0x63: {  	[sflag:s4] =	ssyncadd.s32 @!p2 $0xFFFFF000  }
0x64: {  	[tilespmem:$0x7900] =	vst v3  }
0x65: {  	[tilespmem:$0x7A00] =	vst v3  }
0x66: {  	[tilespmem:$0x7910] =	vst v3  }
0x67: {  	[tilespmem:$0x7A10] =	vst v3  }
0x68: {  	[bflag:$0x0] =	sbarrier.arrive $0xFFFF  }
0x69: {  	s11 =	simm.s32 $0x0;
	s18 =	simm.s32 $0x7680;
	s10 =	rddreg [dreg:$0xa]  }
0x6a: {  	[tilespmem:s18], [sflag:$0x7] =	stream.linear.gather [hbm4b:s10+s11], $0x180, $0x38;
	[tilespmem:$0x1F800] =	vst v63  }
0x6b: {  	_ =	swait.ge [sflag:s15], $0x180  }
0x6c: {  	[sflag:s15] =	ssyncset.done $0x0  }
0x6d: {  	[sflag:s15] =	ssyncadd.s32 $0xFFFFFE80  }
0x6e: {  	v6 =	vld [tilespmem:$0x7680]  }
0x6f: {  	v7 =	vld [tilespmem:$0x7700];
	_ =	sdelay $0x1  }
0x70: {  	v8 =	vld [tilespmem:$0x7780];
	_ =	sdelay $0x4  }
0x71: {  	v6 =	vld.idx.msk [tilespmem:v6+s11+$0x0], $0xffff  }
0x72: {  	v9 =	vld.idx.msk [tilespmem:v7+s16+$0x0], $0xffff;
	_ =	sdelay $0x1  }
0x73: {  	v10 =	vld.idx.msk [tilespmem:v8+s17+$0x0], $0xffff;
	_ =	sdelay $0x2  }
0x74: {  	v6 =	vadd.f32 v9, v6;
	_ =	sdelay $0x1  }
0x75: {  	v6 =	vadd.f32 v10, v6;
	_ =	sdelay $0x1  }
0x76: {  	v57 =	vmul.f32 $9.999999770e-03, v6;
	_ =	sdelay $0x1  }
0x77: {  	v6 =	vmax.f32 v6, v57  }
0x78: {  	v6 =	vmul.f32 $1.442695020e+00, v6;
	_ =	sdelay $0x1  }
0x79: {  	(erf) = vpow2.f32 v6;
	_ =	sdelay $0x2  }
0x7a: {  	v6 =	vld [tilespmem:$0x7690]  }
0x7b: {  	v58 =	vld [tilespmem:$0x7710];
	_ =	sdelay $0x1  }
0x7c: {  	v59 =	vld [tilespmem:$0x7790];
	v7 =	vshll.u32 v7, $0x1  }
0x7d: {  	v8 =	vshll.u32 v8, $0x1;
	v7 =	vor.u32 v0, v7  }
0x7e: {  	[tilespmem:$0x7B80] =	vst v7;
	v7 =	vadd.s32 v1, v8  }
0x7f: {  	[tilespmem:$0x7BA0] =	vst v7;
	v11 =	vpop (erf)  }
0x80: {  	[tilespmem:$0x7A80] =	vst v11  }
0x81: {  	v6 =	vld.idx.msk [tilespmem:v6+s11+$0x0], $0xffff  }
0x82: {  	v7 =	vld.idx.msk [tilespmem:v58+s16+$0x0], $0xffff;
	_ =	sdelay $0x1  }
0x83: {  	v60 =	vld.idx.msk [tilespmem:v59+s17+$0x0], $0xffff;
	_ =	sdelay $0x2  }
0x84: {  	v6 =	vadd.f32 v7, v6;
	_ =	sdelay $0x1  }
0x85: {  	v6 =	vadd.f32 v60, v6;
	_ =	sdelay $0x1  }
0x86: {  	v7 =	vmul.f32 $9.999999770e-03, v6;
	_ =	sdelay $0x1  }
0x87: {  	v6 =	vmax.f32 v6, v7  }
0x88: {  	v6 =	vmul.f32 $1.442695020e+00, v6;
	_ =	sdelay $0x1  }
0x89: {  	(erf) = vpow2.f32 v6  }
0x8a: {  	v63 =	vld [tilespmem:$0x7690]  }
0x8b: {  	v6 =	vld [tilespmem:$0x7680];
	_ =	sdelay $0x3  }
0x8c: {  	[tilespmem:$0x7890] =	vst v63  }
0x8d: {  	[tilespmem:$0x7880] =	vst v6;
	v6 =	vshrl.u32 v6, $0x7  }
0x8e: {  	[tilespmem:$0x7980] =	vst v6;
	v6 =	vshrl.u32 v63, $0x7  }
0x8f: {  	v61 =	vshll.u32 v58, $0x1;
	[tilespmem:$0x7990] =	vst v6;
	v7 =	vpop (erf)  }
0x90: {  	v62 =	vshll.u32 v59, $0x1;
	[tilespmem:$0x7A90] =	vst v7;
	v7 =	vor.u32 v0, v61  }
0x91: {  	[tilespmem:$0x7B90] =	vst v7;
	v7 =	vadd.s32 v1, v62  }
0x92: {  	s20 =	simm.s32 $0x7B80;
	p1 =	por $0x0, $0x0;
	p6 =	por @!p2 $0x0, $0x0;
	[tilespmem:$0x7BB0] =	vst v7  }
0x93: {  	[tilespmem:s21], [sflag:$0x1] =	stream.indirect.gather [hbm4b:s8+s19], $0x80, s20, s19, $0xb8;
	[tilespmem:$0x1F800] =	vst v63  }
0x94: {  	p5 =	por @p0 $0x1, $0x1;
	p6 =	por @!p3 p1, p1  }
0x95: {  	[spmem:s1] =	stream.indirect.scatter.add.f32 [tilespmem:s24], [sflag:$0x4], $0x80, s23, s22, $0xb8;
	[tilespmem:$0x1F800] =	vst v63  }
0x96: {  	s30 =	simm.s32 $0x0;
	p5 =	por @!p0 p6, p6;
	s10 =	sadd.s32 $0x40, s10  }
0x97: {  	[spmem:s2] =	stream.indirect.scatter.add.f32 [tilespmem:s26], [sflag:$0x6], $0x80, s25, s22, $0xb8;
	[tilespmem:$0x1F800] =	vst v63  }
.LBB2_6:
0x98: {  	v6 =	vld [tilespmem:$0x76A0]  }
0x99: {  	v7 =	vld [tilespmem:$0x7720];
	_ =	sdelay $0x1  }
0x9a: {  	v8 =	vld [tilespmem:$0x77A0];
	_ =	sdelay $0x4  }
0x9b: {  	v6 =	vld.idx.msk [tilespmem:v6+s11+$0x0], $0xffff  }
0x9c: {  	v9 =	vld.idx.msk [tilespmem:v7+s16+$0x0], $0xffff;
	_ =	sdelay $0x1  }
0x9d: {  	v10 =	vld.idx.msk [tilespmem:v8+s17+$0x0], $0xffff;
	_ =	sdelay $0x2  }
0x9e: {  	v6 =	vadd.f32 v9, v6;
	_ =	sdelay $0x1  }
0x9f: {  	v6 =	vadd.f32 v10, v6;
	_ =	sdelay $0x1  }
0xa0: {  	v9 =	vmul.f32 $9.999999770e-03, v6;
	_ =	sdelay $0x1  }
0xa1: {  	v6 =	vmax.f32 v6, v9  }
0xa2: {  	v6 =	vmul.f32 $1.442695020e+00, v6;
	_ =	sdelay $0x1  }
0xa3: {  	(erf) = vpow2.f32 v6;
	_ =	sdelay $0x2  }
0xa4: {  	v6 =	vld [tilespmem:$0x76B0]  }
0xa5: {  	v9 =	vld [tilespmem:$0x7730];
	_ =	sdelay $0x1  }
0xa6: {  	v7 =	vshll.u32 v7, $0x1;
	v10 =	vld [tilespmem:$0x77B0]  }
0xa7: {  	v8 =	vshll.u32 v8, $0x1;
	v7 =	vor.u32 v0, v7  }
0xa8: {  	[tilespmem:$0x7C00] =	vst v7;
	v7 =	vadd.s32 v1, v8  }
0xa9: {  	[tilespmem:$0x7C20] =	vst v7;
	v11 =	vpop (erf)  }
0xaa: {  	[tilespmem:$0x7B00] =	vst v11  }
0xab: {  	v6 =	vld.idx.msk [tilespmem:v6+s11+$0x0], $0xffff  }
0xac: {  	v7 =	vld.idx.msk [tilespmem:v9+s16+$0x0], $0xffff;
	_ =	sdelay $0x1  }
0xad: {  	v8 =	vld.idx.msk [tilespmem:v10+s17+$0x0], $0xffff;
	_ =	sdelay $0x2  }
0xae: {  	v6 =	vadd.f32 v7, v6;
	_ =	sdelay $0x1  }
0xaf: {  	v6 =	vadd.f32 v8, v6;
	_ =	sdelay $0x1  }
0xb0: {  	v7 =	vmul.f32 $9.999999770e-03, v6;
	_ =	sdelay $0x1  }
0xb1: {  	v6 =	vmax.f32 v6, v7  }
0xb2: {  	v6 =	vmul.f32 $1.442695020e+00, v6;
	_ =	sdelay $0x1  }
0xb3: {  	(erf) = vpow2.f32 v6;
	_ =	sdelay $0x8  }
0xb4: {  	v7 =	vshll.u32 v9, $0x1;
	v6 =	vpop (erf)  }
0xb5: {  	[tilespmem:$0x7B10] =	vst v6;
	v6 =	vor.u32 v0, v7;
	v7 =	vshll.u32 v10, $0x1  }
0xb6: {  	[tilespmem:$0x7C10] =	vst v6;
	v6 =	vadd.s32 v1, v7  }
0xb7: {  	[tilespmem:$0x7C30] =	vst v6  }
0xb8: {  	_ =	swait.ge [sflag:s28], $0x1000  }
0xb9: {  	[sflag:s28] =	ssyncset.done $0x0  }
0xba: {  	[sflag:s28] =	ssyncadd.s32 $0xFFFFF000  }
0xbb: {  	_ =	swait.ge [sflag:s29], $0x1000  }
0xbc: {  	[sflag:s29] =	ssyncset.done $0x0  }
0xbd: {  	[sflag:s29] =	ssyncadd.s32 $0xFFFFF000  }
0xbe: {  	v6 =	vld [tilespmem:$0x76A0]  }
0xbf: {  	v7 =	vld [tilespmem:$0x76B0];
	_ =	sdelay $0x3  }
0xc0: {  	[tilespmem:$0x7900] =	vst v6  }
0xc1: {  	v6 =	vshrl.u32 v6, $0x7;
	[tilespmem:$0x7910] =	vst v7  }
0xc2: {  	[tilespmem:$0x7A00] =	vst v6;
	v6 =	vshrl.u32 v7, $0x7  }
0xc3: {  	s4 =	simm.s32 $0x7C00;
	[tilespmem:$0x7A10] =	vst v6  }
0xc4: {  	[tilespmem:s24], [sflag:$0x2] =	stream.indirect.gather [hbm4b:s8+s19], $0x80, s4, s19, $0xb8;
	[tilespmem:$0x1F800] =	vst v63  }
0xc5: {  	_ =	swait.ge [sflag:s31], $0x2000  }
0xc6: {  	[sflag:s31] =	ssyncset.done $0x0  }
0xc7: {  	s4 =	simm.s32 $0x8C80;
	[sflag:s31] =	ssyncadd.s32 $0xFFFFE000  }
0xc8: {  	v6 =	vld [tilespmem:s4+$0x20]  }
0xc9: {  	v7 =	vld [tilespmem:s4+$0x60]  }
0xca: {  	v8 =	vld [tilespmem:s4+$0x70]  }
0xcb: {  	v9 =	vmov s11;
	v10 =	vld [tilespmem:s4+$0xFFFFF060]  }
0xcc: {  	v9 =	vand.u32 $0xFFFFFFFC, v9;
	v11 =	vld [tilespmem:s4+$0xFFFFF000]  }
0xcd: {  	v9 =	vbroadcast v9, $0x0;
	v12 =	vld [tilespmem:s4+$0xFFFFF070]  }
0xce: {  	v13 =	vld [tilespmem:s4+$0xFFFFF040]  }
0xcf: {  	v14 =	vld [tilespmem:s4+$0x40]  }
0xd0: {  	v15 =	vld [tilespmem:s4+$0x30]  }
0xd1: {  	v16 =	vld [tilespmem:s4+$0xFFFFF020]  }
0xd2: {  	v17 =	vld [tilespmem:s4+$0x10]  }
0xd3: {  	v18 =	vld.idx.msk [tilespmem:v9+s0+$0x0], $0xffff  }
0xd4: {  	v19 =	vld [tilespmem:s4+$0x0]  }
0xd5: {  	v20 =	vld [tilespmem:s4+$0x50]  }
0xd6: {  	v21 =	vld [tilespmem:s4+$0xFFFFF030]  }
0xd7: {  	v22 =	vld [tilespmem:s4+$0xFFFFF050]  }
0xd8: {  	v23 =	vld [tilespmem:s4+$0xFFFFF010]  }
0xd9: {  	v9 =	vld [tilespmem:s4+$0xFFFFF1B0]  }
0xda: {  	[tilespmem:s4+$0x10] =	vst v2;
	v48 =	vld [tilespmem:s4+$0xF0]  }
0xdb: {  	[tilespmem:s4+$0x20] =	vst v2;
	v49 =	vld [tilespmem:s4+$0xE0]  }
0xdc: {  	[tilespmem:s4+$0x30] =	vst v2;
	v50 =	vld [tilespmem:s4+$0xC0]  }
0xdd: {  	[tilespmem:s4+$0x40] =	vst v2;
	v51 =	vld [tilespmem:s4+$0xFFFFF090]  }
0xde: {  	[tilespmem:s4+$0x50] =	vst v2;
	v54 =	vld [tilespmem:s4+$0x130];
	v16 =	vadd.f32 v6, v16;
	v24 =	vadd.f32 v7, v10  }
0xdf: {  	[tilespmem:s4+$0x60] =	vst v2;
	v55 =	vld [tilespmem:s4+$0x120];
	v15 =	vadd.f32 v15, v21;
	v8 =	vadd.f32 v8, v12  }
0xe0: {  	[tilespmem:s4+$0x0] =	vst v2;
	v56 =	vld [tilespmem:s4+$0xFFFFF160];
	v20 =	vadd.f32 v20, v22;
	v17 =	vadd.f32 v17, v23;
	v16 =	vmul.f32 v16, v18  }
0xe1: {  	s5 =	simm.s32 $0x1;
	[tilespmem:s4+$0x70] =	vst v2;
	v57 =	vld [tilespmem:s4+$0xFFFFF110];
	v11 =	vadd.f32 v19, v11;
	v13 =	vadd.f32 v14, v13;
	v12 =	vmul.f32 v24, v18  }
0xe2: {  	v15 =	vmul.f32 v15, v18;
	v14 =	vmul.f32 v17, v18;
	v17 =	vld [tilespmem:s4+$0xA0];
	[tilespmem:s4+$0xFFFFF020] =	vst v16;
	v16 =	vmov s5  }
0xe3: {  	v8 =	vmul.f32 v8, v18;
	v19 =	vmul.f32 v20, v18;
	v20 =	vld [tilespmem:s4+$0xFFFFF0D0];
	[tilespmem:s4+$0xFFFFF060] =	vst v12;
	v12 =	vand.u32 $0xFFFFFFFD, v16  }
0xe4: {  	v13 =	vmul.f32 v13, v18;
	[tilespmem:s4+$0xFFFFF030] =	vst v15;
	v15 =	vld [tilespmem:s4+$0xD0];
	v12 =	vbroadcast v12, $0x0  }
0xe5: {  	[tilespmem:s4+$0xFFFFF070] =	vst v8;
	v8 =	vmul.f32 v11, v18;
	v11 =	vld [tilespmem:s4+$0xB0]  }
0xe6: {  	[tilespmem:s4+$0xFFFFF040] =	vst v13;
	v13 =	vld [tilespmem:s4+$0xFFFFF080]  }
0xe7: {  	[tilespmem:s4+$0xFFFFF000] =	vst v8;
	v8 =	vld [tilespmem:s4+$0x80]  }
0xe8: {  	[tilespmem:s4+$0xFFFFF010] =	vst v14;
	v14 =	vld [tilespmem:s4+$0x90]  }
0xe9: {  	[tilespmem:s4+$0xFFFFF050] =	vst v19;
	v18 =	vld [tilespmem:s4+$0xFFFFF0A0]  }
0xea: {  	v12 =	vld.idx.msk [tilespmem:v12+s0+$0x0], $0xffff;
	[tilespmem:s4+$0x80] =	vst v2  }
0xeb: {  	v19 =	vld [tilespmem:s4+$0xFFFFF0B0];
	[tilespmem:s4+$0x90] =	vst v2  }
0xec: {  	v8 =	vadd.f32 v8, v13;
	v13 =	vld [tilespmem:s4+$0xFFFFF0F0];
	[tilespmem:s4+$0xA0] =	vst v2  }
0xed: {  	v16 =	vld [tilespmem:s4+$0xFFFFF0E0];
	[tilespmem:s4+$0xB0] =	vst v2  }
0xee: {  	v58 =	vld [tilespmem:s4+$0xFFFFF140];
	[tilespmem:s4+$0xC0] =	vst v2  }
0xef: {  	v59 =	vld [tilespmem:s4+$0xFFFFF100];
	v17 =	vadd.f32 v17, v18;
	[tilespmem:s4+$0xD0] =	vst v2  }
0xf0: {  	v18 =	vld [tilespmem:s4+$0xFFFFF0C0];
	v11 =	vadd.f32 v11, v19;
	[tilespmem:s4+$0xE0] =	vst v2;
	v25 =	vmul.f32 v8, v12  }
0xf1: {  	s18 =	simm.s32 $0x2;
	v61 =	vld [tilespmem:s4+$0x190];
	v15 =	vadd.f32 v15, v20;
	[tilespmem:s4+$0xF0] =	vst v2;
	v13 =	vadd.f32 v48, v13;
	v17 =	vmul.f32 v17, v12  }
0xf2: {  	v52 =	vmov s18;
	v63 =	vld [tilespmem:s4+$0xFFFFF180];
	v16 =	vadd.f32 v49, v16;
	v11 =	vmul.f32 v11, v12;
	[tilespmem:s4+$0xFFFFF080] =	vst v25  }
0xf3: {  	v53 =	vand.u32 $0xFFFFFFFE, v52;
	v10 =	vld [tilespmem:s4+$0x1B0];
	v15 =	vmul.f32 v15, v12;
	v13 =	vmul.f32 v13, v12;
	[tilespmem:s4+$0xFFFFF0A0] =	vst v17  }
0xf4: {  	v6 =	vld [tilespmem:s4+$0x1C0];
	v14 =	vadd.f32 v14, v51;
	[tilespmem:s4+$0xFFFFF0B0] =	vst v11;
	v11 =	vmul.f32 v16, v12;
	v16 =	vbroadcast v53, $0x0  }
0xf5: {  	v7 =	vld [tilespmem:s4+$0x1D0];
	v18 =	vadd.f32 v50, v18;
	[tilespmem:s4+$0xFFFFF0D0] =	vst v15  }
0xf6: {  	v14 =	vmul.f32 v14, v12;
	v15 =	vld [tilespmem:s4+$0x160];
	[tilespmem:s4+$0xFFFFF0F0] =	vst v13  }
0xf7: {  	v13 =	vld [tilespmem:s4+$0xFFFFF120];
	[tilespmem:s4+$0xFFFFF0E0] =	vst v11;
	v11 =	vmul.f32 v18, v12  }
0xf8: {  	[tilespmem:s4+$0xFFFFF090] =	vst v14;
	v12 =	vld [tilespmem:s4+$0x150]  }
0xf9: {  	[tilespmem:s4+$0xFFFFF0C0] =	vst v11;
	v11 =	vld [tilespmem:s4+$0xFFFFF150]  }
0xfa: {  	v14 =	vld.idx.msk [tilespmem:v16+s0+$0x0], $0xffff  }
0xfb: {  	[tilespmem:s4+$0x160] =	vst v2;
	v16 =	vld [tilespmem:s4+$0xFFFFF130]  }
0xfc: {  	v20 =	vld [tilespmem:s4+$0x170];
	[tilespmem:s4+$0x150] =	vst v2  }
0xfd: {  	v17 =	vld [tilespmem:s4+$0x140];
	[tilespmem:s4+$0x140] =	vst v2  }
0xfe: {  	[tilespmem:s4+$0x130] =	vst v2;
	v13 =	vadd.f32 v55, v13;
	v11 =	vadd.f32 v12, v11;
	v12 =	vld [tilespmem:s4+$0xFFFFF170]  }
0xff: {  	v19 =	vld [tilespmem:s4+$0x100];
	[tilespmem:s4+$0x120] =	vst v2  }
0x100: {  	v18 =	vld [tilespmem:s4+$0x110];
	v15 =	vadd.f32 v15, v56;
	[tilespmem:s4+$0x110] =	vst v2;
	v16 =	vadd.f32 v54, v16;
	v13 =	vmul.f32 v13, v14  }
0x101: {  	v8 =	vld [tilespmem:s4+$0x1A0];
	[tilespmem:s4+$0x170] =	vst v2;
	v60 =	vmul.f32 v11, v14  }
0x102: {  	v11 =	vld [tilespmem:s4+$0x1E0];
	v16 =	vmul.f32 v16, v14;
	[tilespmem:s4+$0xFFFFF120] =	vst v13;
	v13 =	vmul.f32 v15, v14;
	v15 =	vadd.f32 v17, v58  }
0x103: {  	[tilespmem:s4+$0x100] =	vst v2;
	v17 =	vld [tilespmem:s4+$0xFFFFF190];
	v20 =	vadd.f32 v20, v12  }
0x104: {  	v12 =	vld [tilespmem:s4+$0x1F0];
	[tilespmem:s4+$0xFFFFF130] =	vst v16;
	v15 =	vmul.f32 v15, v14  }
0x105: {  	s20 =	simm.s32 $0x3;
	v19 =	vadd.f32 v19, v59;
	v16 =	vadd.f32 v18, v57;
	[tilespmem:s4+$0xFFFFF160] =	vst v13;
	v13 =	vld [tilespmem:s4+$0xFFFFF1C0];
	v18 =	vmul.f32 v20, v14  }
0x106: {  	v62 =	vmov s20;
	v20 =	vld [tilespmem:s4+$0x180];
	[tilespmem:s4+$0xFFFFF140] =	vst v15  }
0x107: {  	v15 =	vld [tilespmem:s4+$0xFFFFF1D0];
	[tilespmem:s4+$0xFFFFF170] =	vst v18;
	v18 =	vmul.f32 v19, v14  }
0x108: {  	[tilespmem:s4+$0xFFFFF150] =	vst v60;
	v16 =	vmul.f32 v16, v14;
	v14 =	vld [tilespmem:s4+$0xFFFFF1E0]  }
0x109: {  	[tilespmem:s4+$0xFFFFF100] =	vst v18;
	v18 =	vld [tilespmem:s4+$0xFFFFF1F0]  }
0x10a: {  	[tilespmem:s4+$0xFFFFF110] =	vst v16;
	v16 =	vadd.f32 v61, v17;
	v17 =	vld [tilespmem:s4+$0xFFFFF1A0]  }
0x10b: {  	s7 =	simm.s32 $0x8E80;
	s5 =	simm.s32 $0x4;
	v9 =	vadd.f32 v10, v9;
	v10 =	vld.idx.msk [tilespmem:v62+s0+$0x0], $0xffff;
	v19 =	vadd.f32 v20, v63;
	[tilespmem:s4+$0x1E0] =	vst v2  }
.LBB2_7:
0x10c: {  	v20 =	vmov s5;
	v21 =	vld [tilespmem:s7+$0x20];
	p6 =	slt.u32 s5, $0x1C;
	[tilespmem:s4+$0x1D0] =	vst v2;
	s18 =	smov.u32 s5;
	s5 =	sadd.s32 $0x4, s5  }
0x10d: {  	v20 =	vand.u32 $0xFFFFFFFC, v20;
	v22 =	vld [tilespmem:s7+$0x60];
	[tilespmem:s4+$0x1C0] =	vst v2  }
0x10e: {  	v20 =	vbroadcast v20, $0x0;
	v23 =	vld [tilespmem:s7+$0x70];
	[tilespmem:s4+$0x1B0] =	vst v2;
	v12 =	vadd.f32 v12, v18  }
0x10f: {  	v18 =	vld [tilespmem:s7+$0xFFFFF060];
	[tilespmem:s4+$0x1A0] =	vst v2  }
0x110: {  	v19 =	vmul.f32 v19, v10;
	v24 =	vld [tilespmem:s7+$0xFFFFF000];
	[tilespmem:s4+$0x190] =	vst v2;
	v8 =	vadd.f32 v8, v17  }
0x111: {  	v16 =	vmul.f32 v16, v10;
	v17 =	vld [tilespmem:s7+$0xFFFFF070];
	[tilespmem:s4+$0x180] =	vst v2  }
0x112: {  	v7 =	vadd.f32 v7, v15;
	v12 =	vmul.f32 v12, v10;
	v25 =	vld [tilespmem:s7+$0xFFFFF040];
	[tilespmem:s4+$0xFFFFF180] =	vst v19;
	v8 =	vmul.f32 v8, v10  }
0x113: {  	v11 =	vadd.f32 v11, v14;
	v9 =	vmul.f32 v9, v10;
	v15 =	vld [tilespmem:s7+$0x50];
	[tilespmem:s4+$0xFFFFF190] =	vst v16  }
0x114: {  	v6 =	vadd.f32 v6, v13;
	v7 =	vmul.f32 v7, v10;
	v14 =	vld [tilespmem:s7+$0xFFFFF050];
	v16 =	vadd.f32 v22, v18;
	[tilespmem:s4+$0x1F0] =	vst v2  }
0x115: {  	v13 =	vld [tilespmem:s7+$0x40];
	[tilespmem:s4+$0xFFFFF1B0] =	vst v9;
	v9 =	vmul.f32 v11, v10  }
0x116: {  	v6 =	vmul.f32 v6, v10;
	v11 =	vld [tilespmem:s7+$0xFFFFF030];
	[tilespmem:s4+$0xFFFFF1F0] =	vst v12  }
0x117: {  	v10 =	vld [tilespmem:s7+$0x30];
	[tilespmem:s4+$0xFFFFF1D0] =	vst v7  }
0x118: {  	v7 =	vld [tilespmem:s7+$0xFFFFF020];
	[tilespmem:s4+$0xFFFFF1E0] =	vst v9  }
0x119: {  	v9 =	vld [tilespmem:s7+$0xFFFFF010];
	v12 =	vadd.f32 v15, v14;
	[tilespmem:s4+$0xFFFFF1A0] =	vst v8  }
0x11a: {  	v8 =	vld [tilespmem:s7+$0x10];
	[tilespmem:s4+$0xFFFFF1C0] =	vst v6;
	s4 =	smov.u32 s7  }
0x11b: {  	v14 =	vld.idx.msk [tilespmem:v20+s0+$0x0], $0xffff  }
0x11c: {  	v17 =	vadd.f32 v23, v17;
	v15 =	vld [tilespmem:s7+$0x0];
	[tilespmem:s7+$0x10] =	vst v2  }
0x11d: {  	v10 =	vadd.f32 v10, v11;
	v18 =	vadd.f32 v21, v7;
	[tilespmem:s7+$0x20] =	vst v2;
	v11 =	vld [tilespmem:s7+$0xFFFFF1B0]  }
0x11e: {  	[tilespmem:s7+$0x30] =	vst v2;
	v19 =	vld [tilespmem:s7+$0x1B0]  }
0x11f: {  	v8 =	vadd.f32 v8, v9;
	v9 =	vadd.f32 v13, v25;
	[tilespmem:s7+$0x40] =	vst v2;
	v6 =	vld [tilespmem:s7+$0x1C0]  }
0x120: {  	[tilespmem:s7+$0x50] =	vst v2;
	v7 =	vld [tilespmem:s7+$0x1D0]  }
0x121: {  	v10 =	vmul.f32 v10, v14;
	v13 =	vadd.f32 v15, v24;
	v15 =	vmul.f32 v8, v14;
	[tilespmem:s7+$0x60] =	vst v2;
	v8 =	vld [tilespmem:s7+$0x1A0]  }
0x122: {  	v18 =	vmul.f32 v18, v14;
	v20 =	vmul.f32 v9, v14;
	[tilespmem:s7+$0x0] =	vst v2;
	v21 =	vld [tilespmem:s7+$0xF0]  }
0x123: {  	s20 =	sadd.s32 $0x1, s18;
	v16 =	vmul.f32 v16, v14;
	v13 =	vmul.f32 v13, v14;
	[tilespmem:s7+$0x70] =	vst v2;
	v22 =	vld [tilespmem:s7+$0xE0];
	v9 =	vadd.f32 v19, v11  }
0x124: {  	v11 =	vmul.f32 v17, v14;
	v17 =	vmov s20;
	[tilespmem:s7+$0xFFFFF020] =	vst v18;
	v18 =	vld [tilespmem:s7+$0xFFFFF0E0]  }
0x125: {  	v12 =	vmul.f32 v12, v14;
	v14 =	vand.u32 $0xFFFFFFFD, v17;
	[tilespmem:s7+$0xFFFFF060] =	vst v16;
	v16 =	vld [tilespmem:s7+$0xD0]  }
0x126: {  	[tilespmem:s7+$0xFFFFF030] =	vst v10;
	v10 =	vbroadcast v14, $0x0;
	v14 =	vld [tilespmem:s7+$0xB0]  }
0x127: {  	[tilespmem:s7+$0xFFFFF070] =	vst v11;
	v11 =	vld [tilespmem:s7+$0xA0]  }
0x128: {  	[tilespmem:s7+$0xFFFFF050] =	vst v12;
	v12 =	vld [tilespmem:s7+$0x90]  }
0x129: {  	[tilespmem:s7+$0xFFFFF010] =	vst v15;
	v15 =	vld [tilespmem:s7+$0xFFFFF090];
	v17 =	vadd.f32 v22, v18  }
0x12a: {  	[tilespmem:s7+$0xFFFFF000] =	vst v13;
	v13 =	vld [tilespmem:s7+$0x80]  }
0x12b: {  	[tilespmem:s7+$0xFFFFF040] =	vst v20;
	v18 =	vld [tilespmem:s7+$0xFFFFF080]  }
0x12c: {  	v10 =	vld.idx.msk [tilespmem:v10+s0+$0x0], $0xffff  }
0x12d: {  	[tilespmem:s7+$0x80] =	vst v2;
	v19 =	vld [tilespmem:s7+$0xFFFFF0A0]  }
0x12e: {  	v12 =	vadd.f32 v12, v15;
	[tilespmem:s7+$0x90] =	vst v2;
	v15 =	vld [tilespmem:s7+$0xFFFFF0B0]  }
0x12f: {  	[tilespmem:s7+$0xA0] =	vst v2;
	v20 =	vld [tilespmem:s7+$0xFFFFF0D0]  }
0x130: {  	v13 =	vadd.f32 v13, v18;
	[tilespmem:s7+$0xB0] =	vst v2;
	v18 =	vld [tilespmem:s7+$0xC0]  }
0x131: {  	[tilespmem:s7+$0xC0] =	vst v2;
	v22 =	vld [tilespmem:s7+$0xFFFFF0F0]  }
0x132: {  	v13 =	vmul.f32 v13, v10;
	v11 =	vadd.f32 v11, v19;
	v19 =	vld [tilespmem:s7+$0xFFFFF0C0];
	[tilespmem:s7+$0xD0] =	vst v2  }
0x133: {  	v12 =	vmul.f32 v12, v10;
	v14 =	vadd.f32 v14, v15;
	[tilespmem:s7+$0xE0] =	vst v2;
	v15 =	vld [tilespmem:s7+$0x100]  }
0x134: {  	s20 =	sadd.s32 $0x2, s18;
	v11 =	vmul.f32 v11, v10;
	v16 =	vadd.f32 v16, v20;
	[tilespmem:s7+$0xF0] =	vst v2;
	v20 =	vld [tilespmem:s7+$0x170]  }
0x135: {  	[tilespmem:s7+$0xFFFFF080] =	vst v13;
	v13 =	vmul.f32 v14, v10;
	v14 =	vmov s20;
	v23 =	vld [tilespmem:s7+$0x140]  }
0x136: {  	[tilespmem:s7+$0xFFFFF0A0] =	vst v11;
	v11 =	vmul.f32 v16, v10;
	v16 =	vadd.f32 v21, v22;
	v14 =	vand.u32 $0xFFFFFFFE, v14;
	v21 =	vld [tilespmem:s7+$0x130]  }
0x137: {  	v17 =	vmul.f32 v17, v10;
	[tilespmem:s7+$0xFFFFF0B0] =	vst v13;
	v13 =	vadd.f32 v18, v19;
	v14 =	vbroadcast v14, $0x0;
	v18 =	vld [tilespmem:s7+$0x120]  }
0x138: {  	[tilespmem:s7+$0xFFFFF0D0] =	vst v11;
	v11 =	vmul.f32 v16, v10;
	v16 =	vld [tilespmem:s7+$0x160]  }
0x139: {  	v10 =	vmul.f32 v13, v10;
	[tilespmem:s7+$0xFFFFF0E0] =	vst v17;
	v13 =	vld [tilespmem:s7+$0x110]  }
0x13a: {  	[tilespmem:s7+$0xFFFFF0F0] =	vst v11;
	v11 =	vld [tilespmem:s7+$0xFFFFF110]  }
0x13b: {  	[tilespmem:s7+$0xFFFFF090] =	vst v12;
	v12 =	vld [tilespmem:s7+$0x150]  }
0x13c: {  	[tilespmem:s7+$0xFFFFF0C0] =	vst v10;
	v10 =	vld [tilespmem:s7+$0xFFFFF150]  }
0x13d: {  	v14 =	vld.idx.msk [tilespmem:v14+s0+$0x0], $0xffff  }
0x13e: {  	v17 =	vld [tilespmem:s7+$0xFFFFF120];
	[tilespmem:s7+$0x160] =	vst v2  }
0x13f: {  	v11 =	vadd.f32 v13, v11;
	v13 =	vld [tilespmem:s7+$0xFFFFF130];
	[tilespmem:s7+$0x150] =	vst v2  }
0x140: {  	[tilespmem:s7+$0x140] =	vst v2;
	v19 =	vld [tilespmem:s7+$0xFFFFF160]  }
0x141: {  	[tilespmem:s7+$0x130] =	vst v2;
	v10 =	vadd.f32 v12, v10;
	v12 =	vld [tilespmem:s7+$0xFFFFF170]  }
0x142: {  	[tilespmem:s7+$0x120] =	vst v2;
	v22 =	vld [tilespmem:s7+$0xFFFFF140]  }
0x143: {  	v24 =	vld [tilespmem:s7+$0xFFFFF100];
	[tilespmem:s7+$0x110] =	vst v2;
	v17 =	vadd.f32 v18, v17;
	v10 =	vmul.f32 v10, v14  }
0x144: {  	v18 =	vmul.f32 v11, v14;
	[tilespmem:s7+$0x100] =	vst v2;
	v13 =	vadd.f32 v21, v13;
	v11 =	vld [tilespmem:s7+$0x1E0]  }
0x145: {  	v17 =	vmul.f32 v17, v14;
	v16 =	vadd.f32 v16, v19;
	[tilespmem:s7+$0x170] =	vst v2;
	v19 =	vld [tilespmem:s7+$0x190]  }
0x146: {  	v13 =	vmul.f32 v13, v14;
	[tilespmem:s7+$0xFFFFF150] =	vst v10;
	v10 =	vadd.f32 v20, v12;
	v12 =	vld [tilespmem:s7+$0x1F0]  }
0x147: {  	[tilespmem:s7+$0xFFFFF120] =	vst v17;
	v17 =	vadd.f32 v23, v22;
	v16 =	vmul.f32 v16, v14;
	v20 =	vld [tilespmem:s7+$0xFFFFF190]  }
0x148: {  	s18 =	sadd.s32 $0x3, s18;
	v15 =	vadd.f32 v15, v24;
	[tilespmem:s7+$0xFFFFF130] =	vst v13;
	v10 =	vmul.f32 v10, v14;
	v21 =	vld [tilespmem:s7+$0x180]  }
0x149: {  	v22 =	vmov s18;
	v17 =	vmul.f32 v17, v14;
	[tilespmem:s7+$0xFFFFF160] =	vst v16;
	v23 =	vld [tilespmem:s7+$0xFFFFF180]  }
0x14a: {  	v24 =	vmul.f32 v15, v14;
	[tilespmem:s7+$0xFFFFF170] =	vst v10;
	v13 =	vld [tilespmem:s7+$0xFFFFF1C0]  }
.Ltmp2:
0x14b: {  	[tilespmem:s7+$0xFFFFF140] =	vst v17;
	v14 =	vld [tilespmem:s7+$0xFFFFF1E0];
	(pc) =	sbr.rel @p6 .LBB2_7-.Ltmp2, $4  }
0x14c: {  	[tilespmem:s7+$0xFFFFF110] =	vst v18;
	v16 =	vadd.f32 v19, v20;
	v15 =	vld [tilespmem:s7+$0xFFFFF1D0]  }
0x14d: {  	[tilespmem:s7+$0xFFFFF100] =	vst v24;
	v18 =	vld [tilespmem:s7+$0xFFFFF1F0]  }
0x14e: {  	v10 =	vld.idx.msk [tilespmem:v22+s0+$0x0], $0xffff;
	v19 =	vadd.f32 v21, v23  }
0x14f: {  	s7 =	sadd.s32 $0x200, s7;
	v17 =	vld [tilespmem:s4+$0xFFFFF1A0];
	[tilespmem:s4+$0x1E0] =	vst v2  }
0x150: {  	[tilespmem:s4+$0x1D0] =	vst v2  }
0x151: {  	[tilespmem:s4+$0x1C0] =	vst v2  }
0x152: {  	[tilespmem:s4+$0x1B0] =	vst v2  }
0x153: {  	[tilespmem:s4+$0x1A0] =	vst v2  }
0x154: {  	[tilespmem:s4+$0x190] =	vst v2  }
0x155: {  	[tilespmem:s4+$0x180] =	vst v2;
	v19 =	vmul.f32 v19, v10  }
0x156: {  	[tilespmem:s4+$0x1F0] =	vst v2;
	v7 =	vadd.f32 v7, v15;
	v16 =	vmul.f32 v16, v10  }
0x157: {  	v6 =	vadd.f32 v6, v13;
	v9 =	vmul.f32 v9, v10;
	[tilespmem:s4+$0xFFFFF180] =	vst v19  }
0x158: {  	v12 =	vadd.f32 v12, v18;
	v7 =	vmul.f32 v7, v10;
	[tilespmem:s4+$0xFFFFF190] =	vst v16  }
0x159: {  	v11 =	vadd.f32 v11, v14;
	v6 =	vmul.f32 v6, v10;
	[tilespmem:s4+$0xFFFFF1B0] =	vst v9  }
0x15a: {  	v12 =	vmul.f32 v12, v10;
	v8 =	vadd.f32 v8, v17;
	[tilespmem:s4+$0xFFFFF1D0] =	vst v7  }
0x15b: {  	v9 =	vmul.f32 v11, v10;
	[tilespmem:s4+$0xFFFFF1C0] =	vst v6  }
0x15c: {  	[tilespmem:s4+$0xFFFFF1F0] =	vst v12;
	v8 =	vmul.f32 v8, v10  }
0x15d: {  	[tilespmem:s4+$0xFFFFF1E0] =	vst v9  }
0x15e: {  	[tilespmem:s4+$0xFFFFF1A0] =	vst v8  }
0x15f: {  	v6 =	vld [tilespmem:$0x7880];
	_ =	sdelay $0x4  }
0x160: {  	v6 =	vand.u32 $0x7F, v6  }
0x161: {  	v7 =	vld [tilespmem:$0x7A80];
	v6 =	vor.u32 v4, v6;
	_ =	sdelay $0x4  }
0x162: {  	[tilespmem:v6+s21+$0x0] =	vst.idx.msk $0xffff, v7  }
0x163: {  	v6 =	vld [tilespmem:$0x7890];
	_ =	sdelay $0x4  }
0x164: {  	v6 =	vand.u32 $0x7F, v6  }
0x165: {  	v7 =	vld [tilespmem:$0x7A90];
	v6 =	vor.u32 v5, v6;
	_ =	sdelay $0x4  }
0x166: {  	s18 =	simm.s32 $0x7880;
	[tilespmem:v6+s21+$0x0] =	vst.idx.msk $0xffff, v7  }
0x167: {  	[spmem:s1] =	stream.indirect.scatter.add.f32 [tilespmem:s21], [sflag:$0x3], $0x80, s18, s22, $0xb8;
	[tilespmem:$0x1F800] =	vst v63  }
0x168: {  	s20 =	simm.s32 $0x7980;
	s5 =	simm.s32 $0x8C80;
	s7 =	sshll.u32 s30, $0x6  }
0x169: {  	[spmem:s2] =	stream.indirect.scatter.add.f32 [tilespmem:s5], [sflag:$0x5], $0x80, s20, s22, $0xb8;
	[tilespmem:$0x1F800] =	vst v63  }
0x16a: {  	s4 =	sadd.s32 s7, s10;
	s7 =	simm.s32 $0x7680;
	s18 =	simm.s32 $0x0  }
0x16b: {  	[tilespmem:s7], [sflag:$0x7] =	stream.linear.gather [hbm4b:s4+s18], $0x180, $0x38;
	[tilespmem:$0x1F800] =	vst v63  }
0x16c: {  	_ =	swait.ge [sflag:s15], $0x180  }
0x16d: {  	[sflag:s15] =	ssyncset.done $0x0  }
0x16e: {  	[sflag:s15] =	ssyncadd.s32 $0xFFFFFE80  }
0x16f: {  	v6 =	vld [tilespmem:$0x7680]  }
0x170: {  	v7 =	vld [tilespmem:$0x7700];
	_ =	sdelay $0x1  }
0x171: {  	v8 =	vld [tilespmem:$0x7780];
	_ =	sdelay $0x4  }
0x172: {  	v6 =	vld.idx.msk [tilespmem:v6+s18+$0x0], $0xffff  }
0x173: {  	v9 =	vld.idx.msk [tilespmem:v7+s16+$0x0], $0xffff;
	_ =	sdelay $0x1  }
0x174: {  	v10 =	vld.idx.msk [tilespmem:v8+s17+$0x0], $0xffff;
	_ =	sdelay $0x2  }
0x175: {  	v6 =	vadd.f32 v9, v6;
	_ =	sdelay $0x1  }
0x176: {  	v6 =	vadd.f32 v10, v6;
	_ =	sdelay $0x1  }
0x177: {  	v9 =	vmul.f32 $9.999999770e-03, v6;
	_ =	sdelay $0x1  }
0x178: {  	v6 =	vmax.f32 v6, v9  }
0x179: {  	v6 =	vmul.f32 $1.442695020e+00, v6;
	_ =	sdelay $0x1  }
0x17a: {  	(erf) = vpow2.f32 v6;
	_ =	sdelay $0x2  }
0x17b: {  	v6 =	vld [tilespmem:$0x7690]  }
0x17c: {  	v9 =	vld [tilespmem:$0x7710];
	_ =	sdelay $0x1  }
0x17d: {  	v7 =	vshll.u32 v7, $0x1;
	v10 =	vld [tilespmem:$0x7790]  }
0x17e: {  	v8 =	vshll.u32 v8, $0x1;
	v7 =	vor.u32 v0, v7  }
0x17f: {  	[tilespmem:$0x7B80] =	vst v7;
	v7 =	vadd.s32 v1, v8  }
0x180: {  	[tilespmem:$0x7BA0] =	vst v7;
	v11 =	vpop (erf)  }
0x181: {  	[tilespmem:$0x7A80] =	vst v11  }
0x182: {  	v6 =	vld.idx.msk [tilespmem:v6+s18+$0x0], $0xffff  }
0x183: {  	v7 =	vld.idx.msk [tilespmem:v9+s16+$0x0], $0xffff;
	_ =	sdelay $0x1  }
0x184: {  	v8 =	vld.idx.msk [tilespmem:v10+s17+$0x0], $0xffff;
	_ =	sdelay $0x2  }
0x185: {  	v6 =	vadd.f32 v7, v6;
	_ =	sdelay $0x1  }
0x186: {  	v6 =	vadd.f32 v8, v6;
	_ =	sdelay $0x1  }
0x187: {  	v7 =	vmul.f32 $9.999999770e-03, v6;
	_ =	sdelay $0x1  }
0x188: {  	v6 =	vmax.f32 v6, v7  }
0x189: {  	v6 =	vmul.f32 $1.442695020e+00, v6;
	_ =	sdelay $0x1  }
0x18a: {  	(erf) = vpow2.f32 v6;
	_ =	sdelay $0x8  }
0x18b: {  	v7 =	vshll.u32 v9, $0x1;
	v6 =	vpop (erf)  }
0x18c: {  	[tilespmem:$0x7A90] =	vst v6;
	v6 =	vor.u32 v0, v7;
	v7 =	vshll.u32 v10, $0x1  }
0x18d: {  	[tilespmem:$0x7B90] =	vst v6;
	v6 =	vadd.s32 v1, v7  }
0x18e: {  	[tilespmem:$0x7BB0] =	vst v6  }
0x18f: {  	_ =	swait.ge [sflag:s9], $0x1000  }
0x190: {  	[sflag:s9] =	ssyncset.done $0x0  }
0x191: {  	[sflag:s9] =	ssyncadd.s32 $0xFFFFF000  }
0x192: {  	_ =	swait.ge [sflag:s13], $0x1000  }
0x193: {  	[sflag:s13] =	ssyncset.done $0x0  }
0x194: {  	[sflag:s13] =	ssyncadd.s32 $0xFFFFF000  }
0x195: {  	v6 =	vld [tilespmem:$0x7680]  }
0x196: {  	v7 =	vld [tilespmem:$0x7690];
	_ =	sdelay $0x3  }
0x197: {  	[tilespmem:$0x7880] =	vst v6  }
0x198: {  	v6 =	vshrl.u32 v6, $0x7;
	[tilespmem:$0x7890] =	vst v7  }
0x199: {  	[tilespmem:$0x7980] =	vst v6;
	v6 =	vshrl.u32 v7, $0x7  }
0x19a: {  	s20 =	simm.s32 $0x7B80;
	[tilespmem:$0x7990] =	vst v6  }
0x19b: {  	[tilespmem:s21], [sflag:$0x1] =	stream.indirect.gather [hbm4b:s8+s19], $0x80, s20, s19, $0xb8;
	[tilespmem:$0x1F800] =	vst v63  }
0x19c: {  	_ =	swait.ge [sflag:s14], $0x2000  }
0x19d: {  	[sflag:s14] =	ssyncset.done $0x0  }
0x19e: {  	s4 =	simm.s32 $0xAC80;
	[sflag:s14] =	ssyncadd.s32 $0xFFFFE000  }
0x19f: {  	v6 =	vld [tilespmem:s4+$0x20]  }
0x1a0: {  	v7 =	vld [tilespmem:s4+$0x60]  }
0x1a1: {  	v8 =	vld [tilespmem:s4+$0x70]  }
0x1a2: {  	v9 =	vmov s18;
	v10 =	vld [tilespmem:s4+$0xFFFFF060]  }
0x1a3: {  	v9 =	vand.u32 $0xFFFFFFFC, v9;
	v11 =	vld [tilespmem:s4+$0xFFFFF000]  }
0x1a4: {  	v9 =	vbroadcast v9, $0x0;
	v12 =	vld [tilespmem:s4+$0xFFFFF070]  }
0x1a5: {  	v13 =	vld [tilespmem:s4+$0xFFFFF040]  }
0x1a6: {  	v14 =	vld [tilespmem:s4+$0x40]  }
0x1a7: {  	v15 =	vld [tilespmem:s4+$0x30]  }
0x1a8: {  	v16 =	vld [tilespmem:s4+$0xFFFFF020]  }
0x1a9: {  	v17 =	vld [tilespmem:s4+$0x10]  }
0x1aa: {  	v18 =	vld.idx.msk [tilespmem:v9+s3+$0x0], $0xffff  }
0x1ab: {  	v19 =	vld [tilespmem:s4+$0x0]  }
0x1ac: {  	v20 =	vld [tilespmem:s4+$0x50]  }
0x1ad: {  	v21 =	vld [tilespmem:s4+$0xFFFFF030]  }
0x1ae: {  	v22 =	vld [tilespmem:s4+$0xFFFFF050]  }
0x1af: {  	v23 =	vld [tilespmem:s4+$0xFFFFF010]  }
0x1b0: {  	v9 =	vld [tilespmem:s4+$0xFFFFF1B0]  }
0x1b1: {  	[tilespmem:s4+$0x10] =	vst v2;
	v48 =	vld [tilespmem:s4+$0xF0]  }
0x1b2: {  	[tilespmem:s4+$0x20] =	vst v2;
	v49 =	vld [tilespmem:s4+$0xE0]  }
0x1b3: {  	[tilespmem:s4+$0x30] =	vst v2;
	v50 =	vld [tilespmem:s4+$0xC0]  }
0x1b4: {  	[tilespmem:s4+$0x40] =	vst v2;
	v51 =	vld [tilespmem:s4+$0xFFFFF090]  }
0x1b5: {  	[tilespmem:s4+$0x50] =	vst v2;
	v54 =	vld [tilespmem:s4+$0x130];
	v16 =	vadd.f32 v6, v16;
	v24 =	vadd.f32 v7, v10  }
0x1b6: {  	[tilespmem:s4+$0x60] =	vst v2;
	v55 =	vld [tilespmem:s4+$0x120];
	v15 =	vadd.f32 v15, v21;
	v8 =	vadd.f32 v8, v12  }
0x1b7: {  	[tilespmem:s4+$0x0] =	vst v2;
	v56 =	vld [tilespmem:s4+$0xFFFFF160];
	v20 =	vadd.f32 v20, v22;
	v17 =	vadd.f32 v17, v23;
	v16 =	vmul.f32 v16, v18  }
0x1b8: {  	s7 =	simm.s32 $0x1;
	[tilespmem:s4+$0x70] =	vst v2;
	v57 =	vld [tilespmem:s4+$0xFFFFF110];
	v11 =	vadd.f32 v19, v11;
	v13 =	vadd.f32 v14, v13;
	v12 =	vmul.f32 v24, v18  }
0x1b9: {  	v15 =	vmul.f32 v15, v18;
	v14 =	vmul.f32 v17, v18;
	v17 =	vld [tilespmem:s4+$0xA0];
	[tilespmem:s4+$0xFFFFF020] =	vst v16;
	v16 =	vmov s7  }
0x1ba: {  	v8 =	vmul.f32 v8, v18;
	v19 =	vmul.f32 v20, v18;
	v20 =	vld [tilespmem:s4+$0xFFFFF0D0];
	[tilespmem:s4+$0xFFFFF060] =	vst v12;
	v12 =	vand.u32 $0xFFFFFFFD, v16  }
0x1bb: {  	v13 =	vmul.f32 v13, v18;
	[tilespmem:s4+$0xFFFFF030] =	vst v15;
	v15 =	vld [tilespmem:s4+$0xD0];
	v12 =	vbroadcast v12, $0x0  }
0x1bc: {  	[tilespmem:s4+$0xFFFFF070] =	vst v8;
	v8 =	vmul.f32 v11, v18;
	v11 =	vld [tilespmem:s4+$0xB0]  }
0x1bd: {  	[tilespmem:s4+$0xFFFFF040] =	vst v13;
	v13 =	vld [tilespmem:s4+$0xFFFFF080]  }
0x1be: {  	[tilespmem:s4+$0xFFFFF000] =	vst v8;
	v8 =	vld [tilespmem:s4+$0x80]  }
0x1bf: {  	[tilespmem:s4+$0xFFFFF010] =	vst v14;
	v14 =	vld [tilespmem:s4+$0x90]  }
0x1c0: {  	[tilespmem:s4+$0xFFFFF050] =	vst v19;
	v18 =	vld [tilespmem:s4+$0xFFFFF0A0]  }
0x1c1: {  	v12 =	vld.idx.msk [tilespmem:v12+s3+$0x0], $0xffff;
	[tilespmem:s4+$0x80] =	vst v2  }
0x1c2: {  	v19 =	vld [tilespmem:s4+$0xFFFFF0B0];
	[tilespmem:s4+$0x90] =	vst v2  }
0x1c3: {  	v8 =	vadd.f32 v8, v13;
	v13 =	vld [tilespmem:s4+$0xFFFFF0F0];
	[tilespmem:s4+$0xA0] =	vst v2  }
0x1c4: {  	v16 =	vld [tilespmem:s4+$0xFFFFF0E0];
	[tilespmem:s4+$0xB0] =	vst v2  }
0x1c5: {  	v58 =	vld [tilespmem:s4+$0xFFFFF140];
	[tilespmem:s4+$0xC0] =	vst v2  }
0x1c6: {  	v59 =	vld [tilespmem:s4+$0xFFFFF100];
	v17 =	vadd.f32 v17, v18;
	[tilespmem:s4+$0xD0] =	vst v2  }
0x1c7: {  	v18 =	vld [tilespmem:s4+$0xFFFFF0C0];
	v11 =	vadd.f32 v11, v19;
	[tilespmem:s4+$0xE0] =	vst v2;
	v25 =	vmul.f32 v8, v12  }
0x1c8: {  	s18 =	simm.s32 $0x2;
	v61 =	vld [tilespmem:s4+$0x190];
	v15 =	vadd.f32 v15, v20;
	[tilespmem:s4+$0xF0] =	vst v2;
	v13 =	vadd.f32 v48, v13;
	v17 =	vmul.f32 v17, v12  }
0x1c9: {  	v52 =	vmov s18;
	v63 =	vld [tilespmem:s4+$0xFFFFF180];
	v16 =	vadd.f32 v49, v16;
	v11 =	vmul.f32 v11, v12;
	[tilespmem:s4+$0xFFFFF080] =	vst v25  }
0x1ca: {  	v53 =	vand.u32 $0xFFFFFFFE, v52;
	v10 =	vld [tilespmem:s4+$0x1B0];
	v15 =	vmul.f32 v15, v12;
	v13 =	vmul.f32 v13, v12;
	[tilespmem:s4+$0xFFFFF0A0] =	vst v17  }
0x1cb: {  	v6 =	vld [tilespmem:s4+$0x1C0];
	v14 =	vadd.f32 v14, v51;
	[tilespmem:s4+$0xFFFFF0B0] =	vst v11;
	v11 =	vmul.f32 v16, v12;
	v16 =	vbroadcast v53, $0x0  }
0x1cc: {  	v7 =	vld [tilespmem:s4+$0x1D0];
	v18 =	vadd.f32 v50, v18;
	[tilespmem:s4+$0xFFFFF0D0] =	vst v15  }
0x1cd: {  	v14 =	vmul.f32 v14, v12;
	v15 =	vld [tilespmem:s4+$0x160];
	[tilespmem:s4+$0xFFFFF0F0] =	vst v13  }
0x1ce: {  	v13 =	vld [tilespmem:s4+$0xFFFFF120];
	[tilespmem:s4+$0xFFFFF0E0] =	vst v11;
	v11 =	vmul.f32 v18, v12  }
0x1cf: {  	[tilespmem:s4+$0xFFFFF090] =	vst v14;
	v12 =	vld [tilespmem:s4+$0x150]  }
0x1d0: {  	[tilespmem:s4+$0xFFFFF0C0] =	vst v11;
	v11 =	vld [tilespmem:s4+$0xFFFFF150]  }
0x1d1: {  	v14 =	vld.idx.msk [tilespmem:v16+s3+$0x0], $0xffff  }
0x1d2: {  	[tilespmem:s4+$0x160] =	vst v2;
	v16 =	vld [tilespmem:s4+$0xFFFFF130]  }
0x1d3: {  	v20 =	vld [tilespmem:s4+$0x170];
	[tilespmem:s4+$0x150] =	vst v2  }
0x1d4: {  	v17 =	vld [tilespmem:s4+$0x140];
	[tilespmem:s4+$0x140] =	vst v2  }
0x1d5: {  	[tilespmem:s4+$0x130] =	vst v2;
	v13 =	vadd.f32 v55, v13;
	v11 =	vadd.f32 v12, v11;
	v12 =	vld [tilespmem:s4+$0xFFFFF170]  }
0x1d6: {  	v19 =	vld [tilespmem:s4+$0x100];
	[tilespmem:s4+$0x120] =	vst v2  }
0x1d7: {  	v18 =	vld [tilespmem:s4+$0x110];
	v15 =	vadd.f32 v15, v56;
	[tilespmem:s4+$0x110] =	vst v2;
	v16 =	vadd.f32 v54, v16;
	v13 =	vmul.f32 v13, v14  }
0x1d8: {  	v8 =	vld [tilespmem:s4+$0x1A0];
	[tilespmem:s4+$0x170] =	vst v2;
	v60 =	vmul.f32 v11, v14  }
0x1d9: {  	v11 =	vld [tilespmem:s4+$0x1E0];
	v16 =	vmul.f32 v16, v14;
	[tilespmem:s4+$0xFFFFF120] =	vst v13;
	v13 =	vmul.f32 v15, v14;
	v15 =	vadd.f32 v17, v58  }
0x1da: {  	[tilespmem:s4+$0x100] =	vst v2;
	v17 =	vld [tilespmem:s4+$0xFFFFF190];
	v20 =	vadd.f32 v20, v12  }
0x1db: {  	v12 =	vld [tilespmem:s4+$0x1F0];
	[tilespmem:s4+$0xFFFFF130] =	vst v16;
	v15 =	vmul.f32 v15, v14  }
0x1dc: {  	s20 =	simm.s32 $0x3;
	v19 =	vadd.f32 v19, v59;
	v16 =	vadd.f32 v18, v57;
	[tilespmem:s4+$0xFFFFF160] =	vst v13;
	v13 =	vld [tilespmem:s4+$0xFFFFF1C0];
	v18 =	vmul.f32 v20, v14  }
0x1dd: {  	v62 =	vmov s20;
	v20 =	vld [tilespmem:s4+$0x180];
	[tilespmem:s4+$0xFFFFF140] =	vst v15  }
0x1de: {  	v15 =	vld [tilespmem:s4+$0xFFFFF1D0];
	[tilespmem:s4+$0xFFFFF170] =	vst v18;
	v18 =	vmul.f32 v19, v14  }
0x1df: {  	[tilespmem:s4+$0xFFFFF150] =	vst v60;
	v16 =	vmul.f32 v16, v14;
	v14 =	vld [tilespmem:s4+$0xFFFFF1E0]  }
0x1e0: {  	[tilespmem:s4+$0xFFFFF100] =	vst v18;
	v18 =	vld [tilespmem:s4+$0xFFFFF1F0]  }
0x1e1: {  	[tilespmem:s4+$0xFFFFF110] =	vst v16;
	v16 =	vadd.f32 v61, v17;
	v17 =	vld [tilespmem:s4+$0xFFFFF1A0]  }
0x1e2: {  	s5 =	simm.s32 $0x4;
	s7 =	simm.s32 $0xAE80;
	v9 =	vadd.f32 v10, v9;
	v10 =	vld.idx.msk [tilespmem:v62+s3+$0x0], $0xffff;
	v19 =	vadd.f32 v20, v63;
	[tilespmem:s4+$0x1E0] =	vst v2  }
.LBB2_9:
0x1e3: {  	v20 =	vmov s5;
	v21 =	vld [tilespmem:s7+$0x20];
	p6 =	slt.u32 s5, $0x1C;
	[tilespmem:s4+$0x1D0] =	vst v2;
	s18 =	smov.u32 s5;
	s5 =	sadd.s32 $0x4, s5  }
0x1e4: {  	v20 =	vand.u32 $0xFFFFFFFC, v20;
	v22 =	vld [tilespmem:s7+$0x60];
	[tilespmem:s4+$0x1C0] =	vst v2  }
0x1e5: {  	v20 =	vbroadcast v20, $0x0;
	v23 =	vld [tilespmem:s7+$0x70];
	[tilespmem:s4+$0x1B0] =	vst v2;
	v12 =	vadd.f32 v12, v18  }
0x1e6: {  	v18 =	vld [tilespmem:s7+$0xFFFFF060];
	[tilespmem:s4+$0x1A0] =	vst v2  }
0x1e7: {  	v19 =	vmul.f32 v19, v10;
	v24 =	vld [tilespmem:s7+$0xFFFFF000];
	[tilespmem:s4+$0x190] =	vst v2;
	v8 =	vadd.f32 v8, v17  }
0x1e8: {  	v16 =	vmul.f32 v16, v10;
	v17 =	vld [tilespmem:s7+$0xFFFFF070];
	[tilespmem:s4+$0x180] =	vst v2  }
0x1e9: {  	v7 =	vadd.f32 v7, v15;
	v12 =	vmul.f32 v12, v10;
	v25 =	vld [tilespmem:s7+$0xFFFFF040];
	[tilespmem:s4+$0xFFFFF180] =	vst v19;
	v8 =	vmul.f32 v8, v10  }
0x1ea: {  	v11 =	vadd.f32 v11, v14;
	v9 =	vmul.f32 v9, v10;
	v15 =	vld [tilespmem:s7+$0x50];
	[tilespmem:s4+$0xFFFFF190] =	vst v16  }
0x1eb: {  	v6 =	vadd.f32 v6, v13;
	v7 =	vmul.f32 v7, v10;
	v14 =	vld [tilespmem:s7+$0xFFFFF050];
	v16 =	vadd.f32 v22, v18;
	[tilespmem:s4+$0x1F0] =	vst v2  }
0x1ec: {  	v13 =	vld [tilespmem:s7+$0x40];
	[tilespmem:s4+$0xFFFFF1B0] =	vst v9;
	v9 =	vmul.f32 v11, v10  }
0x1ed: {  	v6 =	vmul.f32 v6, v10;
	v11 =	vld [tilespmem:s7+$0xFFFFF030];
	[tilespmem:s4+$0xFFFFF1F0] =	vst v12  }
0x1ee: {  	v10 =	vld [tilespmem:s7+$0x30];
	[tilespmem:s4+$0xFFFFF1D0] =	vst v7  }
0x1ef: {  	v7 =	vld [tilespmem:s7+$0xFFFFF020];
	[tilespmem:s4+$0xFFFFF1E0] =	vst v9  }
0x1f0: {  	v9 =	vld [tilespmem:s7+$0xFFFFF010];
	v12 =	vadd.f32 v15, v14;
	[tilespmem:s4+$0xFFFFF1A0] =	vst v8  }
0x1f1: {  	v8 =	vld [tilespmem:s7+$0x10];
	[tilespmem:s4+$0xFFFFF1C0] =	vst v6;
	s4 =	smov.u32 s7  }
0x1f2: {  	v14 =	vld.idx.msk [tilespmem:v20+s3+$0x0], $0xffff  }
0x1f3: {  	v17 =	vadd.f32 v23, v17;
	v15 =	vld [tilespmem:s7+$0x0];
	[tilespmem:s7+$0x10] =	vst v2  }
0x1f4: {  	v10 =	vadd.f32 v10, v11;
	v18 =	vadd.f32 v21, v7;
	[tilespmem:s7+$0x20] =	vst v2;
	v11 =	vld [tilespmem:s7+$0xFFFFF1B0]  }
0x1f5: {  	[tilespmem:s7+$0x30] =	vst v2;
	v19 =	vld [tilespmem:s7+$0x1B0]  }
0x1f6: {  	v8 =	vadd.f32 v8, v9;
	v9 =	vadd.f32 v13, v25;
	[tilespmem:s7+$0x40] =	vst v2;
	v6 =	vld [tilespmem:s7+$0x1C0]  }
0x1f7: {  	[tilespmem:s7+$0x50] =	vst v2;
	v7 =	vld [tilespmem:s7+$0x1D0]  }
0x1f8: {  	v10 =	vmul.f32 v10, v14;
	v13 =	vadd.f32 v15, v24;
	v15 =	vmul.f32 v8, v14;
	[tilespmem:s7+$0x60] =	vst v2;
	v8 =	vld [tilespmem:s7+$0x1A0]  }
0x1f9: {  	v18 =	vmul.f32 v18, v14;
	v20 =	vmul.f32 v9, v14;
	[tilespmem:s7+$0x0] =	vst v2;
	v21 =	vld [tilespmem:s7+$0xF0]  }
0x1fa: {  	s20 =	sadd.s32 $0x1, s18;
	v16 =	vmul.f32 v16, v14;
	v13 =	vmul.f32 v13, v14;
	[tilespmem:s7+$0x70] =	vst v2;
	v22 =	vld [tilespmem:s7+$0xE0];
	v9 =	vadd.f32 v19, v11  }
0x1fb: {  	v11 =	vmul.f32 v17, v14;
	v17 =	vmov s20;
	[tilespmem:s7+$0xFFFFF020] =	vst v18;
	v18 =	vld [tilespmem:s7+$0xFFFFF0E0]  }
0x1fc: {  	v12 =	vmul.f32 v12, v14;
	v14 =	vand.u32 $0xFFFFFFFD, v17;
	[tilespmem:s7+$0xFFFFF060] =	vst v16;
	v16 =	vld [tilespmem:s7+$0xD0]  }
0x1fd: {  	[tilespmem:s7+$0xFFFFF030] =	vst v10;
	v10 =	vbroadcast v14, $0x0;
	v14 =	vld [tilespmem:s7+$0xB0]  }
0x1fe: {  	[tilespmem:s7+$0xFFFFF070] =	vst v11;
	v11 =	vld [tilespmem:s7+$0xA0]  }
0x1ff: {  	[tilespmem:s7+$0xFFFFF050] =	vst v12;
	v12 =	vld [tilespmem:s7+$0x90]  }
0x200: {  	[tilespmem:s7+$0xFFFFF010] =	vst v15;
	v15 =	vld [tilespmem:s7+$0xFFFFF090];
	v17 =	vadd.f32 v22, v18  }
0x201: {  	[tilespmem:s7+$0xFFFFF000] =	vst v13;
	v13 =	vld [tilespmem:s7+$0x80]  }
0x202: {  	[tilespmem:s7+$0xFFFFF040] =	vst v20;
	v18 =	vld [tilespmem:s7+$0xFFFFF080]  }
0x203: {  	v10 =	vld.idx.msk [tilespmem:v10+s3+$0x0], $0xffff  }
0x204: {  	[tilespmem:s7+$0x80] =	vst v2;
	v19 =	vld [tilespmem:s7+$0xFFFFF0A0]  }
0x205: {  	v12 =	vadd.f32 v12, v15;
	[tilespmem:s7+$0x90] =	vst v2;
	v15 =	vld [tilespmem:s7+$0xFFFFF0B0]  }
0x206: {  	[tilespmem:s7+$0xA0] =	vst v2;
	v20 =	vld [tilespmem:s7+$0xFFFFF0D0]  }
0x207: {  	v13 =	vadd.f32 v13, v18;
	[tilespmem:s7+$0xB0] =	vst v2;
	v18 =	vld [tilespmem:s7+$0xC0]  }
0x208: {  	[tilespmem:s7+$0xC0] =	vst v2;
	v22 =	vld [tilespmem:s7+$0xFFFFF0F0]  }
0x209: {  	v13 =	vmul.f32 v13, v10;
	v11 =	vadd.f32 v11, v19;
	v19 =	vld [tilespmem:s7+$0xFFFFF0C0];
	[tilespmem:s7+$0xD0] =	vst v2  }
0x20a: {  	v12 =	vmul.f32 v12, v10;
	v14 =	vadd.f32 v14, v15;
	[tilespmem:s7+$0xE0] =	vst v2;
	v15 =	vld [tilespmem:s7+$0x100]  }
0x20b: {  	s20 =	sadd.s32 $0x2, s18;
	v11 =	vmul.f32 v11, v10;
	v16 =	vadd.f32 v16, v20;
	[tilespmem:s7+$0xF0] =	vst v2;
	v20 =	vld [tilespmem:s7+$0x170]  }
0x20c: {  	[tilespmem:s7+$0xFFFFF080] =	vst v13;
	v13 =	vmul.f32 v14, v10;
	v14 =	vmov s20;
	v23 =	vld [tilespmem:s7+$0x140]  }
0x20d: {  	[tilespmem:s7+$0xFFFFF0A0] =	vst v11;
	v11 =	vmul.f32 v16, v10;
	v16 =	vadd.f32 v21, v22;
	v14 =	vand.u32 $0xFFFFFFFE, v14;
	v21 =	vld [tilespmem:s7+$0x130]  }
0x20e: {  	v17 =	vmul.f32 v17, v10;
	[tilespmem:s7+$0xFFFFF0B0] =	vst v13;
	v13 =	vadd.f32 v18, v19;
	v14 =	vbroadcast v14, $0x0;
	v18 =	vld [tilespmem:s7+$0x120]  }
0x20f: {  	[tilespmem:s7+$0xFFFFF0D0] =	vst v11;
	v11 =	vmul.f32 v16, v10;
	v16 =	vld [tilespmem:s7+$0x160]  }
0x210: {  	v10 =	vmul.f32 v13, v10;
	[tilespmem:s7+$0xFFFFF0E0] =	vst v17;
	v13 =	vld [tilespmem:s7+$0x110]  }
0x211: {  	[tilespmem:s7+$0xFFFFF0F0] =	vst v11;
	v11 =	vld [tilespmem:s7+$0xFFFFF110]  }
0x212: {  	[tilespmem:s7+$0xFFFFF090] =	vst v12;
	v12 =	vld [tilespmem:s7+$0x150]  }
0x213: {  	[tilespmem:s7+$0xFFFFF0C0] =	vst v10;
	v10 =	vld [tilespmem:s7+$0xFFFFF150]  }
0x214: {  	v14 =	vld.idx.msk [tilespmem:v14+s3+$0x0], $0xffff  }
0x215: {  	v17 =	vld [tilespmem:s7+$0xFFFFF120];
	[tilespmem:s7+$0x160] =	vst v2  }
0x216: {  	v11 =	vadd.f32 v13, v11;
	v13 =	vld [tilespmem:s7+$0xFFFFF130];
	[tilespmem:s7+$0x150] =	vst v2  }
0x217: {  	[tilespmem:s7+$0x140] =	vst v2;
	v19 =	vld [tilespmem:s7+$0xFFFFF160]  }
0x218: {  	[tilespmem:s7+$0x130] =	vst v2;
	v10 =	vadd.f32 v12, v10;
	v12 =	vld [tilespmem:s7+$0xFFFFF170]  }
0x219: {  	[tilespmem:s7+$0x120] =	vst v2;
	v22 =	vld [tilespmem:s7+$0xFFFFF140]  }
0x21a: {  	v24 =	vld [tilespmem:s7+$0xFFFFF100];
	[tilespmem:s7+$0x110] =	vst v2;
	v17 =	vadd.f32 v18, v17;
	v10 =	vmul.f32 v10, v14  }
0x21b: {  	v18 =	vmul.f32 v11, v14;
	[tilespmem:s7+$0x100] =	vst v2;
	v13 =	vadd.f32 v21, v13;
	v11 =	vld [tilespmem:s7+$0x1E0]  }
0x21c: {  	v17 =	vmul.f32 v17, v14;
	v16 =	vadd.f32 v16, v19;
	[tilespmem:s7+$0x170] =	vst v2;
	v19 =	vld [tilespmem:s7+$0x190]  }
0x21d: {  	v13 =	vmul.f32 v13, v14;
	[tilespmem:s7+$0xFFFFF150] =	vst v10;
	v10 =	vadd.f32 v20, v12;
	v12 =	vld [tilespmem:s7+$0x1F0]  }
0x21e: {  	[tilespmem:s7+$0xFFFFF120] =	vst v17;
	v17 =	vadd.f32 v23, v22;
	v16 =	vmul.f32 v16, v14;
	v20 =	vld [tilespmem:s7+$0xFFFFF190]  }
0x21f: {  	s18 =	sadd.s32 $0x3, s18;
	v15 =	vadd.f32 v15, v24;
	[tilespmem:s7+$0xFFFFF130] =	vst v13;
	v10 =	vmul.f32 v10, v14;
	v21 =	vld [tilespmem:s7+$0x180]  }
0x220: {  	v22 =	vmov s18;
	v17 =	vmul.f32 v17, v14;
	[tilespmem:s7+$0xFFFFF160] =	vst v16;
	v23 =	vld [tilespmem:s7+$0xFFFFF180]  }
0x221: {  	v24 =	vmul.f32 v15, v14;
	[tilespmem:s7+$0xFFFFF170] =	vst v10;
	v13 =	vld [tilespmem:s7+$0xFFFFF1C0]  }
.Ltmp3:
0x222: {  	[tilespmem:s7+$0xFFFFF140] =	vst v17;
	v14 =	vld [tilespmem:s7+$0xFFFFF1E0];
	(pc) =	sbr.rel @p6 .LBB2_9-.Ltmp3, $4  }
0x223: {  	[tilespmem:s7+$0xFFFFF110] =	vst v18;
	v16 =	vadd.f32 v19, v20;
	v15 =	vld [tilespmem:s7+$0xFFFFF1D0]  }
0x224: {  	[tilespmem:s7+$0xFFFFF100] =	vst v24;
	v18 =	vld [tilespmem:s7+$0xFFFFF1F0]  }
0x225: {  	v10 =	vld.idx.msk [tilespmem:v22+s3+$0x0], $0xffff;
	v19 =	vadd.f32 v21, v23  }
0x226: {  	s7 =	sadd.s32 $0x200, s7;
	v17 =	vld [tilespmem:s4+$0xFFFFF1A0];
	[tilespmem:s4+$0x1E0] =	vst v2  }
0x227: {  	[tilespmem:s4+$0x1D0] =	vst v2  }
0x228: {  	[tilespmem:s4+$0x1C0] =	vst v2  }
0x229: {  	[tilespmem:s4+$0x1B0] =	vst v2  }
0x22a: {  	[tilespmem:s4+$0x1A0] =	vst v2  }
0x22b: {  	[tilespmem:s4+$0x190] =	vst v2  }
0x22c: {  	[tilespmem:s4+$0x180] =	vst v2;
	v19 =	vmul.f32 v19, v10  }
0x22d: {  	[tilespmem:s4+$0x1F0] =	vst v2;
	v7 =	vadd.f32 v7, v15;
	v16 =	vmul.f32 v16, v10  }
0x22e: {  	v11 =	vadd.f32 v11, v14;
	v9 =	vmul.f32 v9, v10;
	[tilespmem:s4+$0xFFFFF180] =	vst v19  }
0x22f: {  	v6 =	vadd.f32 v6, v13;
	v7 =	vmul.f32 v7, v10;
	[tilespmem:s4+$0xFFFFF190] =	vst v16  }
0x230: {  	v12 =	vadd.f32 v12, v18;
	v63 =	vmul.f32 v11, v10;
	[tilespmem:s4+$0xFFFFF1B0] =	vst v9  }
0x231: {  	v6 =	vmul.f32 v6, v10;
	v8 =	vadd.f32 v8, v17;
	[tilespmem:s4+$0xFFFFF1D0] =	vst v7  }
0x232: {  	v12 =	vmul.f32 v12, v10;
	[tilespmem:s4+$0xFFFFF1E0] =	vst v63  }
0x233: {  	[tilespmem:s4+$0xFFFFF1C0] =	vst v6;
	v8 =	vmul.f32 v8, v10  }
0x234: {  	[tilespmem:s4+$0xFFFFF1F0] =	vst v12  }
0x235: {  	[tilespmem:s4+$0xFFFFF1A0] =	vst v8  }
0x236: {  	v6 =	vld [tilespmem:$0x7900];
	_ =	sdelay $0x4  }
0x237: {  	v6 =	vand.u32 $0x7F, v6  }
0x238: {  	v7 =	vld [tilespmem:$0x7B00];
	v6 =	vor.u32 v4, v6;
	_ =	sdelay $0x4  }
0x239: {  	[tilespmem:v6+s24+$0x0] =	vst.idx.msk $0xffff, v7  }
0x23a: {  	v6 =	vld [tilespmem:$0x7910];
	_ =	sdelay $0x4  }
0x23b: {  	v6 =	vand.u32 $0x7F, v6  }
0x23c: {  	v7 =	vld [tilespmem:$0x7B10];
	v6 =	vor.u32 v5, v6;
	_ =	sdelay $0x1  }
0x23d: {  	s30 =	sadd.s32 $0x1, s30  }
0x23e: {  	p6 =	sne.s32 s30, $0xA0  }
.Ltmp4:
0x23f: {  	_ = 	snop;
	(pc) =	sbr.rel @p6 .LBB2_6-.Ltmp4, $4  }
0x240: {  	[tilespmem:v6+s24+$0x0] =	vst.idx.msk $0xffff, v7  }
0x241: {  	[spmem:s1] =	stream.indirect.scatter.add.f32 [tilespmem:s24], [sflag:$0x4], $0x80, s23, s22, $0xb8;
	[tilespmem:$0x1F800] =	vst v63  }
0x242: {  	_ = 	snop  }
0x243: {  	[spmem:s2] =	stream.indirect.scatter.add.f32 [tilespmem:s26], [sflag:$0x6], $0x80, s25, s22, $0xb8;
	[tilespmem:$0x1F800] =	vst v63  }
0x244: {  	_ =	swait.ge [sflag:s31], $0x2000  }
0x245: {  	[sflag:s31] =	ssyncset.done $0x0  }
0x246: {  	[sflag:s31] =	ssyncadd.s32 $0xFFFFE000  }
0x247: {  	_ =	swait.ge [sflag:s28], $0x1000  }
0x248: {  	s4 =	simm.s32 $0x0;
	[sflag:s28] =	ssyncset.done $0x0  }
0x249: {  	s4 =	sand.u32 $0xF, s4;
	[sflag:s28] =	ssyncadd.s32 $0xFFFFF000  }
0x24a: {  	p6 =	sne.s32 s4, s6;
	_ =	swait.ge [sflag:s29], $0x1000  }
0x24b: {  	s4 =	simm.s32 $0x400;
	s5 =	sshll.u32 @!p6 s6, $0x6;
	[sflag:s29] =	ssyncset.done $0x0  }
0x24c: {  	s7 =	simm.s32 @!p6 $0x7;
	s10 =	sadd.s32 @!p6 $0x0, s12;
	[sflag:s29] =	ssyncadd.s32 $0xFFFFF000  }
0x24d: {  	s11 =	sshrl.u32 @!p6 s1, $0x3;
	s5 =	sor.u32 @!p6 $0x1C07, s5;
	[bflag:$0x0] =	sbarrier.arrive $0xFFFF  }
0x24e: {  	[hbm:s10], [sflag:s5] =	dma.local @!p6 [spmem:s11], $0x400  }
0x24f: {  	s10 =	simm.s32 $0x800;
	s11 =	simm.s32 $0x1;
	_ =	swait.ge @!p6 [sflag:s7], $0x400  }
0x250: {  	s5 =	sadd.s32 $0x2000, s1;
	s18 =	sand.u32 $0xF, s11;
	[sflag:s7] =	ssyncset.done @!p6 $0x0  }
.LBB2_12:
0x251: {  	[sflag:s7] =	ssyncadd.s32 @!p6 $0xFFFFFC00;
	p6 =	sne.s32 s18, s6  }
0x252: {  	s18 =	smov.u32 s4;
	s4 =	smov.u32 s10;
	s10 =	sadd.s32 $0x400, s10  }
0x253: {  	p1 =	sne.s32 s10, $0x27000  }
.Ltmp5:
0x254: {  	s20 =	sshll.u32 @!p6 s6, $0x6;
	s7 =	simm.s32 @!p6 $0x7;
	(pc) =	sbr.rel @p1 .LBB2_12-.Ltmp5, $4  }
0x255: {  	s18 =	sadd.s32 @!p6 s18, s12;
	s30 =	sshrl.u32 @!p6 s5, $0x3;
	s20 =	sor.u32 @!p6 $0x1C07, s20  }
0x256: {  	[hbm:s18], [sflag:s20] =	dma.local @!p6 [spmem:s30], $0x400  }
0x257: {  	s11 =	sadd.s32 $0x1, s11;
	_ =	swait.ge @!p6 [sflag:s7], $0x400  }
0x258: {  	s5 =	sadd.s32 $0x2000, s5;
	s18 =	sand.u32 $0xF, s11;
	[sflag:s7] =	ssyncset.done @!p6 $0x0  }
0x259: {  	p1 =	sne.s32 s18, s6  }
0x25a: {  	[sflag:s7] =	ssyncadd.s32 @!p6 $0xFFFFFC00;
	s7 =	sshll.u32 @!p1 s6, $0x6;
	s10 =	simm.s32 @!p1 $0x7  }
0x25b: {  	s4 =	sadd.s32 @!p1 s4, s12;
	s5 =	sshrl.u32 @!p1 s5, $0x3;
	s7 =	sor.u32 @!p1 $0x1C07, s7  }
0x25c: {  	[hbm:s4], [sflag:s7] =	dma.local @!p1 [spmem:s5], $0x400  }
0x25d: {  	_ =	swait.ge @!p1 [sflag:s10], $0x400  }
0x25e: {  	s4 =	sadd.s32 @!p4 $0x27000, s12;
	[sflag:s10] =	ssyncset.done @!p1 $0x0;
	s18 =	rddreg [dreg:$0x9]  }
0x25f: {  	s7 =	simm.s32 @!p4 $0x1C87;
	[sflag:s10] =	ssyncadd.s32 @!p1 $0xFFFFFC00;
	s5 =	sshrl.u32 @!p4 s18, $0x3  }
0x260: {  	[hbm:s4], [sflag:s7] =	dma.local @!p4 [spmem:s5], $0x200  }
0x261: {  	s4 =	simm.s32 @!p4 $0x7  }
0x262: {  	_ =	swait.ge @!p4 [sflag:s4], $0x200  }
0x263: {  	s5 =	sshll.u32 @p5 s6, $0x6;
	[sflag:s4] =	ssyncset.done @!p4 $0x0;
	s7 =	rddreg [dreg:$0xb]  }
0x264: {  	[sflag:s4] =	ssyncadd.s32 @!p4 $0xFFFFFE00;
	s4 =	sor.u32 @p5 $0x1C07, s5;
	s5 =	sshrl.u32 @p5 s2, $0x3  }
0x265: {  	[hbm:s7], [sflag:s4] =	dma.local @p5 [spmem:s5], $0x500  }
0x266: {  	s4 =	simm.s32 @p5 $0x7  }
0x267: {  	_ =	swait.ge @p5 [sflag:s4], $0x500  }
0x268: {  	s20 =	rddreg [dreg:$0xd]  }
0x269: {  	s30 =	rddreg [dreg:$0xc];
	s7 =	sadd.s32 $0x1, s20  }
0x26a: {  	p1 =	sne.s32 s7, s30  }
.Ltmp6:
0x26b: {  	_ = 	snop;
	(pc) =	sbr.rel @p1 .LBB2_1-.Ltmp6, $3  }
0x26c: {  	_ =	sdelay $0x1  }
0x26d: {  	[sflag:s4] =	ssyncset.done @p5 $0x0  }
0x26e: {  	[sflag:s4] =	ssyncadd.s32 @p5 $0xFFFFFB00  }
0x26f: {  	_ =	sfence.sel $0x180000  }
0x270: {  	[bflag:$0x0] =	sbarrier.arrive $0xFFFF  }
0x271: {  	_ =	strace $0x90000047  }
0x272: {  	[bflag:$0x2] =	sbarrier.arrive $0xFFFF  }
0x273: {  	p0 =	sne.s32 s6, $0x0;
	s0 =	rddreg [dreg:$0x4]  }
0x274: {  	s0 =	sadd.s32 @!p0 $0x100000, s0  }
0x275: {  	[sflag:s0] =	ssyncadd.tile.s32 @!p0 $0x1;
	_ =	shalt  }
.Lfunc_end2:
_tile_overlayer_lowered:
.L_overlay_start_2:
0x276: {  	(tag) =	ssettag $0x2  }
0x277: {  	s0 =	rddreg [dreg:$0x0];
	s2 =	stileid.u32  }
0x278: {  	s1 =	rddreg [dreg:$0x1];
	p0 =	sne.s32 s2, $0x0  }
0x279: {  	s3 =	rddreg [dreg:$0x2];
	[bflag:$0x3] =	sbarrier.arrive $0xFFFF;
	s2 =	simm.s32 @!p0 $0x1C07  }
0x27a: {  	[timem:s3], [sflag:s2] =	dma.local @!p0 [hbm:s0], s1  }
0x27b: {  	s0 =	simm.s32 @!p0 $0x7  }
0x27c: {  	_ =	swait.ge @!p0 [sflag:s0], s1  }
0x27d: {  	s1 =	ssub.s32 @!p0 $0x0, s1;
	[sflag:s0] =	ssyncset.done @!p0 $0x0  }
0x27e: {  	[sflag:s0] =	ssyncadd.s32 @!p0 s1  }
0x27f: {  	[bflag:$0x3] =	sbarrier.arrive $0xFFFF  }
0x280: {  	_ =	shalt  }

</sc_bundles>
